<compile_context>
chip_gen: v7x
topology: tpu7x:2x2x1
jax: 0.10.2.dev20260603
libtpu: 0.0.44.dev20260713+nightly
codegen_flags: <defaults>
</compile_context>

<pallas_src>
import functools

import jax
import jax.numpy as jnp
from jax import lax
from jax.experimental import pallas as pl
from jax.experimental.pallas import tpu as pltpu
from jax.experimental.pallas import tpu_sc as plsc

IN_F = 4096
OUT_F = 8192
L = 16
R = 2
NACC = 4
NXB = 2
U = 4
NGROUPS = IN_F // L


def _make_sc_kernel(rows):
    NC, NS = 2, 16
    NW = NC * NS
    rows_per_w = rows // NW
    nbatch = rows_per_w // R
    mesh = plsc.VectorSubcoreMesh(core_axis_name="c", subcore_axis_name="s")

    @functools.partial(
        pl.kernel,
        mesh=mesh,
        compiler_params=pltpu.CompilerParams(needs_layout_passes=False),
        out_type=jax.ShapeDtypeStruct((rows, OUT_F), jnp.float32),
        scratch_types=[
            pltpu.VMEM((IN_F,), jnp.int32),
            pltpu.VMEM((IN_F,), jnp.float32),
            pltpu.VMEM((NXB, R, IN_F), jnp.float32),
        ] + [
            pltpu.VMEM((OUT_F,), jnp.float32) for _ in range(NACC * R)
        ] + [
            pltpu.SemaphoreType.DMA,
            pltpu.SemaphoreType.DMA,
            pltpu.SemaphoreType.DMA,
            pltpu.SemaphoreType.DMA,
            pltpu.SemaphoreType.DMA,
            pltpu.SemaphoreType.DMA,
        ],
    )
    def k(x_hbm, h_hbm, s_hbm, out_hbm, h_v, s_v, x_v,
          a00, a01, a10, a11, a20, a21, a30, a31,
          sx0, sx1, so0, so1, so2, so3):
        acc = ((a00, a01), (a10, a11), (a20, a21), (a30, a31))
        sx = (sx0, sx1)
        so = (so0, so1, so2, so3)
        wid = lax.axis_index("s") * NC + lax.axis_index("c")
        base = wid * rows_per_w
        pltpu.async_copy(h_hbm, h_v, so[0])
        pltpu.async_copy(s_hbm, s_v, so[1])
        pltpu.async_copy(x_hbm.at[pl.ds(base, R)], x_v.at[0], sx[0])

        zero16 = jnp.zeros((L,), jnp.float32)

        @plsc.parallel_loop(0, OUT_F // L, 1, unroll=8)
        def zinit(i):
            for ab in range(NACC):
                for r in range(R):
                    acc[ab][r][pl.ds(i * L, L)] = zero16

        pltpu.make_async_copy(h_hbm, h_v, so[0]).wait()
        pltpu.make_async_copy(s_hbm, s_v, so[1]).wait()

        def start_x(b, xb):
            pltpu.async_copy(
                x_hbm.at[pl.ds(base + b * R, R)], x_v.at[xb], sx[xb])

        def wait_x(b, xb):
            pltpu.make_async_copy(
                x_hbm.at[pl.ds(base + b * R, R)], x_v.at[xb], sx[xb]).wait()

        def start_out(b, ab):
            for r in range(R):
                pltpu.async_copy(
                    acc[ab][r], out_hbm.at[base + b * R + r], so[ab])

        def wait_out(b, ab):
            for r in range(R):
                pltpu.make_async_copy(
                    acc[ab][r], out_hbm.at[base + b * R + r], so[ab]).wait()

        def fused(xb, ab, cb):
            @plsc.parallel_loop(0, NGROUPS, 1, unroll=U)
            def body(i):
                off = i * L
                hv = h_v[pl.ds(off, L)]
                sv = s_v[pl.ds(off, L)]
                for r in range(R):
                    xv = x_v[xb, r, pl.ds(off, L)]
                    plsc.addupdate_scatter(acc[ab][r], [hv], xv * sv)
                if cb is not None:
                    for r in range(R):
                        plsc.store_scatter(acc[cb][r], [hv], zero16)

        for b in range(NACC):
            wait_x(b, b % NXB)
            start_x(b + 1, (b + 1) % NXB)
            if b == NACC - 1:
                wait_out(b - 3, (b + 1) % NACC)
                fused(b % NXB, b % NACC, (b + 1) % NACC)
            else:
                fused(b % NXB, b % NACC, None)
            start_out(b, b % NACC)

        def superstep(ss, c):
            for u in range(NACC):
                b = ss * NACC + u
                wait_x(b, u % NXB)
                start_x(b + 1, (u + 1) % NXB)
                wait_out(b - 3, (u + 1) % NACC)
                fused(u % NXB, u, (u + 1) % NACC)
                start_out(b, u)
            return c

        lax.fori_loop(1, nbatch // NACC - 1, superstep, 0)

        for u in range(NACC):
            b = nbatch - NACC + u
            wait_x(b, u % NXB)
            if u < NACC - 1:
                start_x(b + 1, (u + 1) % NXB)
            wait_out(b - 3, (u + 1) % NACC)
            fused(u % NXB, u, (u + 1) % NACC if u < NACC - 1 else None)
            start_out(b, u)
        for u in range(1, NACC):
            wait_out(nbatch - NACC + u, u)

    return k


def kernel(x, h, s):
    lead = x.shape[:-1]
    rows = 1
    for d in lead:
        rows *= d
    x2 = x.reshape(rows, IN_F)
    out = _make_sc_kernel(rows)(x2, h, s)
    return out.reshape(lead + (OUT_F,))

# --- scband reference (transcript-rebuilt; emitter-appended) ---
"""Pipeline reference for scband-count-sketch-28656021799035 (READ-ONLY COPY).

The authoritative reference and input builder live on the scoring server;
editing this copy changes nothing except your own understanding.
"""

import jax, jax.numpy as jnp
import numpy as np

INPUT_SIZE = 4096
OUTPUT_SIZE = 8192

def setup_inputs(seed: int = 0) -> dict:
    key = jax.random.key(seed)
    k1, k2, k3 = jax.random.split(key, 3)
    x = jax.random.normal(k1, (2, 2048, INPUT_SIZE), dtype=jnp.float32)
    # buffers of the CountSketch module (fixed random hash / sign vectors)
    h = jax.random.randint(k2, (INPUT_SIZE,), 0, OUTPUT_SIZE, dtype=jnp.int32)
    s = 2.0 * jax.random.randint(k3, (INPUT_SIZE,), 0, 2).astype(jnp.float32) - 1.0
    return {"x": x, "h": h, "s": s}

def reference(x, h, s):
    # out[..., j] = sum_{i : h_i = j} s_i * x[..., i]
    xs = x * s  # broadcast sign flip over last dim
    x2 = xs.reshape(-1, xs.shape[-1])
    out = jnp.zeros((x2.shape[0], OUTPUT_SIZE), dtype=x.dtype)
    out = out.at[:, h].add(x2)  # scatter-add along last dim, duplicates accumulate
    return out.reshape(x.shape[:-1] + (OUTPUT_SIZE,))

if __name__ == "__main__":
    import jax
    _d = setup_inputs()
    print(jax.jit(kernel)(*tuple(_d.values())))

</pallas_src>

<mosaic_0001>
#map = affine_map<(d0, d1) -> (0, 0)>
#map1 = affine_map<(d0, d1) -> (0)>
module attributes {stable_mosaic.version = 14 : i64} {
  func.func @k(%arg0: i32, %arg1: i32, %arg2: memref<4096x4096xf32, #tpu.memory_space<hbm>>, %arg3: memref<4096xi32, #tpu.memory_space<hbm>>, %arg4: memref<4096xf32, #tpu.memory_space<hbm>>, %arg5: memref<4096x8192xf32, #tpu.memory_space<hbm>>, %arg6: memref<4096xi32, #tpu.memory_space<vmem>>, %arg7: memref<4096xf32, #tpu.memory_space<vmem>>, %arg8: memref<2x2x4096xf32, #tpu.memory_space<vmem>>, %arg9: memref<8192xf32, #tpu.memory_space<vmem>>, %arg10: memref<8192xf32, #tpu.memory_space<vmem>>, %arg11: memref<8192xf32, #tpu.memory_space<vmem>>, %arg12: memref<8192xf32, #tpu.memory_space<vmem>>, %arg13: memref<8192xf32, #tpu.memory_space<vmem>>, %arg14: memref<8192xf32, #tpu.memory_space<vmem>>, %arg15: memref<8192xf32, #tpu.memory_space<vmem>>, %arg16: memref<8192xf32, #tpu.memory_space<vmem>>, %arg17: memref<!tpu.dma_semaphore, #tpu.memory_space<semaphore_mem>>, %arg18: memref<!tpu.dma_semaphore, #tpu.memory_space<semaphore_mem>>, %arg19: memref<!tpu.dma_semaphore, #tpu.memory_space<semaphore_mem>>, %arg20: memref<!tpu.dma_semaphore, #tpu.memory_space<semaphore_mem>>, %arg21: memref<!tpu.dma_semaphore, #tpu.memory_space<semaphore_mem>>, %arg22: memref<!tpu.dma_semaphore, #tpu.memory_space<semaphore_mem>>) attributes {dimension_semantics = [#tpu.dimension_semantics<core_parallel>, #tpu.dimension_semantics<subcore_parallel>], iteration_bounds = array<i64: 2, 16>, scalar_prefetch = 0 : i64, scratch_operands = 17 : i64, tpu.core_type = #tpu.core_type<sc_vector_subcore>, window_params = [{transform_indices = #map}, {transform_indices = #map1}, {transform_indices = #map1}, {transform_indices = #map}]} {
    %mul3A = arith.constant 2 : i32
    %mul3A_0 = arith.muli %arg1, %mul3A : i32
    %add3A = arith.addi %mul3A_0, %arg0 : i32
    %mul3A_1 = arith.constant 128 : i32
    %mul3A_2 = arith.muli %add3A, %mul3A_1 : i32
    tpu.enqueue_dma source(%arg3 : memref<4096xi32, #tpu.memory_space<hbm>>) target(%arg6 : memref<4096xi32, #tpu.memory_space<vmem>>) target_semaphore(%arg19 : memref<!tpu.dma_semaphore, #tpu.memory_space<semaphore_mem>>)
    tpu.enqueue_dma source(%arg4 : memref<4096xf32, #tpu.memory_space<hbm>>) target(%arg7 : memref<4096xf32, #tpu.memory_space<vmem>>) target_semaphore(%arg20 : memref<!tpu.dma_semaphore, #tpu.memory_space<semaphore_mem>>)
    %dma_start3A = arith.constant 0 : i32
    %dma_start3A_3 = arith.constant 0 : i32
    %dma_start3A_4 = arith.constant 0 : i32
    %dma_start3A_5 = tpu.memref_slice %arg8[%dma_start3A, %dma_start3A_3, %dma_start3A_4] : memref<2x2x4096xf32, #tpu.memory_space<vmem>> -> memref<1x2x4096xf32, #tpu.memory_space<vmem>>
    %dma_start3A_6 = tpu.memref_squeeze %dma_start3A_5 : memref<1x2x4096xf32, #tpu.memory_space<vmem>> -> memref<2x4096xf32, #tpu.memory_space<vmem>>
    %dma_start3A_7 = arith.constant 0 : i32
    %dma_start3A_8 = tpu.memref_slice %arg2[%mul3A_2, %dma_start3A_7] : memref<4096x4096xf32, #tpu.memory_space<hbm>> -> memref<2x4096xf32, #tpu.memory_space<hbm>>
    %dma_start3A_9 = arith.constant 0 : i32
    %dma_start3A_10 = arith.constant 0 : i32
    %dma_start3A_11 = tpu.memref_slice %arg8[%dma_start3A, %dma_start3A_9, %dma_start3A_10] : memref<2x2x4096xf32, #tpu.memory_space<vmem>> -> memref<1x2x4096xf32, #tpu.memory_space<vmem>>
    %dma_start3A_12 = tpu.memref_squeeze %dma_start3A_11 : memref<1x2x4096xf32, #tpu.memory_space<vmem>> -> memref<2x4096xf32, #tpu.memory_space<vmem>>
    %dma_start3A_13 = arith.constant 0 : i32
    %dma_start3A_14 = tpu.memref_slice %arg2[%mul3A_2, %dma_start3A_13] : memref<4096x4096xf32, #tpu.memory_space<hbm>> -> memref<2x4096xf32, #tpu.memory_space<hbm>>
    tpu.enqueue_dma source(%dma_start3A_14 : memref<2x4096xf32, #tpu.memory_space<hbm>>) target(%dma_start3A_12 : memref<2x4096xf32, #tpu.memory_space<vmem>>) target_semaphore(%arg17 : memref<!tpu.dma_semaphore, #tpu.memory_space<semaphore_mem>>)
    %broadcast_in_dim3A = arith.constant 0.000000e+00 : f32
    %broadcast_in_dim3A_15 = vector.broadcast %broadcast_in_dim3A : f32 to vector<16xf32>
    %parallel_loop3A = arith.constant 0 : i32
    %parallel_loop3A_16 = arith.constant 512 : i32
    %parallel_loop3A_17 = arith.constant 1 : i32
    scf.for %parallel_loop3A_591 = %parallel_loop3A to %parallel_loop3A_16 step %parallel_loop3A_17  : i32 {
      %parallel_loop3A_592 = arith.constant 16 : i32
      %parallel_loop3A_593 = arith.muli %parallel_loop3A_591, %parallel_loop3A_592 : i32
      %parallel_loop3A_594 = arith.index_cast %parallel_loop3A_593 : i32 to index
      %parallel_loop3A_595 = tpu.vector_load %arg9[%parallel_loop3A_594] {strides = array<i32>} : memref<8192xf32, #tpu.memory_space<vmem>>, vector<16xf32>,
      tpu.vector_store %arg9[%parallel_loop3A_594], %broadcast_in_dim3A_15 {strides = array<i32>} : memref<8192xf32, #tpu.memory_space<vmem>>, vector<16xf32>,
      %parallel_loop3A_596 = arith.constant 16 : i32
      %parallel_loop3A_597 = arith.muli %parallel_loop3A_591, %parallel_loop3A_596 : i32
      %parallel_loop3A_598 = arith.index_cast %parallel_loop3A_597 : i32 to index
      %parallel_loop3A_599 = tpu.vector_load %arg10[%parallel_loop3A_598] {strides = array<i32>} : memref<8192xf32, #tpu.memory_space<vmem>>, vector<16xf32>,
      tpu.vector_store %arg10[%parallel_loop3A_598], %broadcast_in_dim3A_15 {strides = array<i32>} : memref<8192xf32, #tpu.memory_space<vmem>>, vector<16xf32>,
      %parallel_loop3A_600 = arith.constant 16 : i32
      %parallel_loop3A_601 = arith.muli %parallel_loop3A_591, %parallel_loop3A_600 : i32
      %parallel_loop3A_602 = arith.index_cast %parallel_loop3A_601 : i32 to index
      %parallel_loop3A_603 = tpu.vector_load %arg11[%parallel_loop3A_602] {strides = array<i32>} : memref<8192xf32, #tpu.memory_space<vmem>>, vector<16xf32>,
      tpu.vector_store %arg11[%parallel_loop3A_602], %broadcast_in_dim3A_15 {strides = array<i32>} : memref<8192xf32, #tpu.memory_space<vmem>>, vector<16xf32>,
      %parallel_loop3A_604 = arith.constant 16 : i32
      %parallel_loop3A_605 = arith.muli %parallel_loop3A_591, %parallel_loop3A_604 : i32
      %parallel_loop3A_606 = arith.index_cast %parallel_loop3A_605 : i32 to index
      %parallel_loop3A_607 = tpu.vector_load %arg12[%parallel_loop3A_606] {strides = array<i32>} : memref<8192xf32, #tpu.memory_space<vmem>>, vector<16xf32>,
      tpu.vector_store %arg12[%parallel_loop3A_606], %broadcast_in_dim3A_15 {strides = array<i32>} : memref<8192xf32, #tpu.memory_space<vmem>>, vector<16xf32>,
      %parallel_loop3A_608 = arith.constant 16 : i32
      %parallel_loop3A_609 = arith.muli %parallel_loop3A_591, %parallel_loop3A_608 : i32
      %parallel_loop3A_610 = arith.index_cast %parallel_loop3A_609 : i32 to index
      %parallel_loop3A_611 = tpu.vector_load %arg13[%parallel_loop3A_610] {strides = array<i32>} : memref<8192xf32, #tpu.memory_space<vmem>>, vector<16xf32>,
      tpu.vector_store %arg13[%parallel_loop3A_610], %broadcast_in_dim3A_15 {strides = array<i32>} : memref<8192xf32, #tpu.memory_space<vmem>>, vector<16xf32>,
      %parallel_loop3A_612 = arith.constant 16 : i32
      %parallel_loop3A_613 = arith.muli %parallel_loop3A_591, %parallel_loop3A_612 : i32
      %parallel_loop3A_614 = arith.index_cast %parallel_loop3A_613 : i32 to index
      %parallel_loop3A_615 = tpu.vector_load %arg14[%parallel_loop3A_614] {strides = array<i32>} : memref<8192xf32, #tpu.memory_space<vmem>>, vector<16xf32>,
      tpu.vector_store %arg14[%parallel_loop3A_614], %broadcast_in_dim3A_15 {strides = array<i32>} : memref<8192xf32, #tpu.memory_space<vmem>>, vector<16xf32>,
      %parallel_loop3A_616 = arith.constant 16 : i32
      %parallel_loop3A_617 = arith.muli %parallel_loop3A_591, %parallel_loop3A_616 : i32
      %parallel_loop3A_618 = arith.index_cast %parallel_loop3A_617 : i32 to index
      %parallel_loop3A_619 = tpu.vector_load %arg15[%parallel_loop3A_618] {strides = array<i32>} : memref<8192xf32, #tpu.memory_space<vmem>>, vector<16xf32>,
      tpu.vector_store %arg15[%parallel_loop3A_618], %broadcast_in_dim3A_15 {strides = array<i32>} : memref<8192xf32, #tpu.memory_space<vmem>>, vector<16xf32>,
      %parallel_loop3A_620 = arith.constant 16 : i32
      %parallel_loop3A_621 = arith.muli %parallel_loop3A_591, %parallel_loop3A_620 : i32
      %parallel_loop3A_622 = arith.index_cast %parallel_loop3A_621 : i32 to index
      %parallel_loop3A_623 = tpu.vector_load %arg16[%parallel_loop3A_622] {strides = array<i32>} : memref<8192xf32, #tpu.memory_space<vmem>>, vector<16xf32>,
      tpu.vector_store %arg16[%parallel_loop3A_622], %broadcast_in_dim3A_15 {strides = array<i32>} : memref<8192xf32, #tpu.memory_space<vmem>>, vector<16xf32>,
    } {sc.loop_unroll_factor = 8 : i64, sc.parallel_access}
    tpu.wait_dma2 semaphore(%arg19 : memref<!tpu.dma_semaphore, #tpu.memory_space<semaphore_mem>>) src(%arg3 : memref<4096xi32, #tpu.memory_space<hbm>>) dst(%arg6 : memref<4096xi32, #tpu.memory_space<vmem>>)
    tpu.wait_dma2 semaphore(%arg20 : memref<!tpu.dma_semaphore, #tpu.memory_space<semaphore_mem>>) src(%arg4 : memref<4096xf32, #tpu.memory_space<hbm>>) dst(%arg7 : memref<4096xf32, #tpu.memory_space<vmem>>)
    %add3A_18 = arith.constant 0 : i32
    %add3A_19 = arith.addi %mul3A_2, %add3A_18 : i32
    %dma_wait3A = arith.constant 0 : i32
    %dma_wait3A_20 = arith.constant 0 : i32
    %dma_wait3A_21 = arith.constant 0 : i32
    %dma_wait3A_22 = tpu.memref_slice %arg8[%dma_wait3A, %dma_wait3A_20, %dma_wait3A_21] : memref<2x2x4096xf32, #tpu.memory_space<vmem>> -> memref<1x2x4096xf32, #tpu.memory_space<vmem>>
    %dma_wait3A_23 = tpu.memref_squeeze %dma_wait3A_22 : memref<1x2x4096xf32, #tpu.memory_space<vmem>> -> memref<2x4096xf32, #tpu.memory_space<vmem>>
    %dma_wait3A_24 = arith.constant 0 : i32
    %dma_wait3A_25 = tpu.memref_slice %arg2[%add3A_19, %dma_wait3A_24] : memref<4096x4096xf32, #tpu.memory_space<hbm>> -> memref<2x4096xf32, #tpu.memory_space<hbm>>
    %dma_wait3A_26 = arith.constant 0 : i32
    %dma_wait3A_27 = arith.constant 0 : i32
    %dma_wait3A_28 = tpu.memref_slice %arg8[%dma_wait3A, %dma_wait3A_26, %dma_wait3A_27] : memref<2x2x4096xf32, #tpu.memory_space<vmem>> -> memref<1x2x4096xf32, #tpu.memory_space<vmem>>
    %dma_wait3A_29 = tpu.memref_squeeze %dma_wait3A_28 : memref<1x2x4096xf32, #tpu.memory_space<vmem>> -> memref<2x4096xf32, #tpu.memory_space<vmem>>
    %dma_wait3A_30 = arith.constant 0 : i32
    %dma_wait3A_31 = tpu.memref_slice %arg2[%add3A_19, %dma_wait3A_30] : memref<4096x4096xf32, #tpu.memory_space<hbm>> -> memref<2x4096xf32, #tpu.memory_space<hbm>>
    tpu.wait_dma2 semaphore(%arg17 : memref<!tpu.dma_semaphore, #tpu.memory_space<semaphore_mem>>) src(%dma_wait3A_31 : memref<2x4096xf32, #tpu.memory_space<hbm>>) dst(%dma_wait3A_29 : memref<2x4096xf32, #tpu.memory_space<vmem>>)
    %add3A_32 = arith.constant 2 : i32
    %add3A_33 = arith.addi %mul3A_2, %add3A_32 : i32
    %dma_start3A_34 = arith.constant 1 : i32
    %dma_start3A_35 = arith.constant 0 : i32
    %dma_start3A_36 = arith.constant 0 : i32
    %dma_start3A_37 = tpu.memref_slice %arg8[%dma_start3A_34, %dma_start3A_35, %dma_start3A_36] : memref<2x2x4096xf32, #tpu.memory_space<vmem>> -> memref<1x2x4096xf32, #tpu.memory_space<vmem>>
    %dma_start3A_38 = tpu.memref_squeeze %dma_start3A_37 : memref<1x2x4096xf32, #tpu.memory_space<vmem>> -> memref<2x4096xf32, #tpu.memory_space<vmem>>
    %dma_start3A_39 = arith.constant 0 : i32
    %dma_start3A_40 = tpu.memref_slice %arg2[%add3A_33, %dma_start3A_39] : memref<4096x4096xf32, #tpu.memory_space<hbm>> -> memref<2x4096xf32, #tpu.memory_space<hbm>>
    %dma_start3A_41 = arith.constant 0 : i32
    %dma_start3A_42 = arith.constant 0 : i32
    %dma_start3A_43 = tpu.memref_slice %arg8[%dma_start3A_34, %dma_start3A_41, %dma_start3A_42] : memref<2x2x4096xf32, #tpu.memory_space<vmem>> -> memref<1x2x4096xf32, #tpu.memory_space<vmem>>
    %dma_start3A_44 = tpu.memref_squeeze %dma_start3A_43 : memref<1x2x4096xf32, #tpu.memory_space<vmem>> -> memref<2x4096xf32, #tpu.memory_space<vmem>>
    %dma_start3A_45 = arith.constant 0 : i32
    %dma_start3A_46 = tpu.memref_slice %arg2[%add3A_33, %dma_start3A_45] : memref<4096x4096xf32, #tpu.memory_space<hbm>> -> memref<2x4096xf32, #tpu.memory_space<hbm>>
    tpu.enqueue_dma source(%dma_start3A_46 : memref<2x4096xf32, #tpu.memory_space<hbm>>) target(%dma_start3A_44 : memref<2x4096xf32, #tpu.memory_space<vmem>>) target_semaphore(%arg18 : memref<!tpu.dma_semaphore, #tpu.memory_space<semaphore_mem>>)
    %parallel_loop3A_47 = arith.constant 0 : i32
    %parallel_loop3A_48 = arith.constant 256 : i32
    %parallel_loop3A_49 = arith.constant 1 : i32
    scf.for %parallel_loop3A_591 = %parallel_loop3A_47 to %parallel_loop3A_48 step %parallel_loop3A_49  : i32 {
      %parallel_loop3A_592 = arith.constant 16 : i32
      %parallel_loop3A_593 = arith.muli %parallel_loop3A_591, %parallel_loop3A_592 : i32
      %parallel_loop3A_594 = arith.index_cast %parallel_loop3A_593 : i32 to index
      %parallel_loop3A_595 = tpu.vector_load %arg6[%parallel_loop3A_594] {strides = array<i32>} : memref<4096xi32, #tpu.memory_space<vmem>>, vector<16xi32>,
      %parallel_loop3A_596 = arith.index_cast %parallel_loop3A_593 : i32 to index
      %parallel_loop3A_597 = tpu.vector_load %arg7[%parallel_loop3A_596] {strides = array<i32>} : memref<4096xf32, #tpu.memory_space<vmem>>, vector<16xf32>,
      %parallel_loop3A_598 = arith.constant 0 : i32
      %parallel_loop3A_599 = arith.constant 0 : i32
      %parallel_loop3A_600 = arith.index_cast %parallel_loop3A_598 : i32 to index
      %parallel_loop3A_601 = arith.index_cast %parallel_loop3A_599 : i32 to index
      %parallel_loop3A_602 = arith.index_cast %parallel_loop3A_593 : i32 to index
      %parallel_loop3A_603 = tpu.vector_load %arg8[%parallel_loop3A_600, %parallel_loop3A_601, %parallel_loop3A_602] {strides = array<i32>} : memref<2x2x4096xf32, #tpu.memory_space<vmem>>, vector<16xf32>,
      %parallel_loop3A_604 = arith.mulf %parallel_loop3A_603, %parallel_loop3A_597 : vector<16xf32>
      tpu.vector_store_idx %arg9[%parallel_loop3A_595], %parallel_loop3A_604 {add = true} : memref<8192xf32, #tpu.memory_space<vmem>>[vector<16xi32>], vector<16xf32>,
      %parallel_loop3A_605 = arith.constant 0 : i32
      %parallel_loop3A_606 = arith.constant 1 : i32
      %parallel_loop3A_607 = arith.index_cast %parallel_loop3A_605 : i32 to index
      %parallel_loop3A_608 = arith.index_cast %parallel_loop3A_606 : i32 to index
      %parallel_loop3A_609 = arith.index_cast %parallel_loop3A_593 : i32 to index
      %parallel_loop3A_610 = tpu.vector_load %arg8[%parallel_loop3A_607, %parallel_loop3A_608, %parallel_loop3A_609] {strides = array<i32>} : memref<2x2x4096xf32, #tpu.memory_space<vmem>>, vector<16xf32>,
      %parallel_loop3A_611 = arith.mulf %parallel_loop3A_610, %parallel_loop3A_597 : vector<16xf32>
      tpu.vector_store_idx %arg10[%parallel_loop3A_595], %parallel_loop3A_611 {add = true} : memref<8192xf32, #tpu.memory_space<vmem>>[vector<16xi32>], vector<16xf32>,
    } {sc.loop_unroll_factor = 4 : i64, sc.parallel_access}
    %add3A_50 = arith.constant 0 : i32
    %add3A_51 = arith.addi %mul3A_2, %add3A_50 : i32
    %add3A_52 = arith.constant 0 : i32
    %add3A_53 = arith.addi %add3A_51, %add3A_52 : i32
    %dma_start3A_54 = arith.constant 0 : i32
    %dma_start3A_55 = tpu.memref_slice %arg5[%add3A_53, %dma_start3A_54] : memref<4096x8192xf32, #tpu.memory_space<hbm>> -> memref<1x8192xf32, #tpu.memory_space<hbm>>
    %dma_start3A_56 = tpu.memref_squeeze %dma_start3A_55 : memref<1x8192xf32, #tpu.memory_space<hbm>> -> memref<8192xf32, #tpu.memory_space<hbm>>
    %dma_start3A_57 = arith.constant 0 : i32
    %dma_start3A_58 = tpu.memref_slice %arg5[%add3A_53, %dma_start3A_57] : memref<4096x8192xf32, #tpu.memory_space<hbm>> -> memref<1x8192xf32, #tpu.memory_space<hbm>>
    %dma_start3A_59 = tpu.memref_squeeze %dma_start3A_58 : memref<1x8192xf32, #tpu.memory_space<hbm>> -> memref<8192xf32, #tpu.memory_space<hbm>>
    tpu.enqueue_dma source(%arg9 : memref<8192xf32, #tpu.memory_space<vmem>>) target(%dma_start3A_59 : memref<8192xf32, #tpu.memory_space<hbm>>) target_semaphore(%arg19 : memref<!tpu.dma_semaphore, #tpu.memory_space<semaphore_mem>>)
    %add3A_60 = arith.constant 0 : i32
    %add3A_61 = arith.addi %mul3A_2, %add3A_60 : i32
    %add3A_62 = arith.constant 1 : i32
    %add3A_63 = arith.addi %add3A_61, %add3A_62 : i32
    %dma_start3A_64 = arith.constant 0 : i32
    %dma_start3A_65 = tpu.memref_slice %arg5[%add3A_63, %dma_start3A_64] : memref<4096x8192xf32, #tpu.memory_space<hbm>> -> memref<1x8192xf32, #tpu.memory_space<hbm>>
    %dma_start3A_66 = tpu.memref_squeeze %dma_start3A_65 : memref<1x8192xf32, #tpu.memory_space<hbm>> -> memref<8192xf32, #tpu.memory_space<hbm>>
    %dma_start3A_67 = arith.constant 0 : i32
    %dma_start3A_68 = tpu.memref_slice %arg5[%add3A_63, %dma_start3A_67] : memref<4096x8192xf32, #tpu.memory_space<hbm>> -> memref<1x8192xf32, #tpu.memory_space<hbm>>
    %dma_start3A_69 = tpu.memref_squeeze %dma_start3A_68 : memref<1x8192xf32, #tpu.memory_space<hbm>> -> memref<8192xf32, #tpu.memory_space<hbm>>
    tpu.enqueue_dma source(%arg10 : memref<8192xf32, #tpu.memory_space<vmem>>) target(%dma_start3A_69 : memref<8192xf32, #tpu.memory_space<hbm>>) target_semaphore(%arg19 : memref<!tpu.dma_semaphore, #tpu.memory_space<semaphore_mem>>)
    %add3A_70 = arith.constant 2 : i32
    %add3A_71 = arith.addi %mul3A_2, %add3A_70 : i32
    %dma_wait3A_72 = arith.constant 1 : i32
    %dma_wait3A_73 = arith.constant 0 : i32
    %dma_wait3A_74 = arith.constant 0 : i32
    %dma_wait3A_75 = tpu.memref_slice %arg8[%dma_wait3A_72, %dma_wait3A_73, %dma_wait3A_74] : memref<2x2x4096xf32, #tpu.memory_space<vmem>> -> memref<1x2x4096xf32, #tpu.memory_space<vmem>>
    %dma_wait3A_76 = tpu.memref_squeeze %dma_wait3A_75 : memref<1x2x4096xf32, #tpu.memory_space<vmem>> -> memref<2x4096xf32, #tpu.memory_space<vmem>>
    %dma_wait3A_77 = arith.constant 0 : i32
    %dma_wait3A_78 = tpu.memref_slice %arg2[%add3A_71, %dma_wait3A_77] : memref<4096x4096xf32, #tpu.memory_space<hbm>> -> memref<2x4096xf32, #tpu.memory_space<hbm>>
    %dma_wait3A_79 = arith.constant 0 : i32
    %dma_wait3A_80 = arith.constant 0 : i32
    %dma_wait3A_81 = tpu.memref_slice %arg8[%dma_wait3A_72, %dma_wait3A_79, %dma_wait3A_80] : memref<2x2x4096xf32, #tpu.memory_space<vmem>> -> memref<1x2x4096xf32, #tpu.memory_space<vmem>>
    %dma_wait3A_82 = tpu.memref_squeeze %dma_wait3A_81 : memref<1x2x4096xf32, #tpu.memory_space<vmem>> -> memref<2x4096xf32, #tpu.memory_space<vmem>>
    %dma_wait3A_83 = arith.constant 0 : i32
    %dma_wait3A_84 = tpu.memref_slice %arg2[%add3A_71, %dma_wait3A_83] : memref<4096x4096xf32, #tpu.memory_space<hbm>> -> memref<2x4096xf32, #tpu.memory_space<hbm>>
    tpu.wait_dma2 semaphore(%arg18 : memref<!tpu.dma_semaphore, #tpu.memory_space<semaphore_mem>>) src(%dma_wait3A_84 : memref<2x4096xf32, #tpu.memory_space<hbm>>) dst(%dma_wait3A_82 : memref<2x4096xf32, #tpu.memory_space<vmem>>)
    %add3A_85 = arith.constant 4 : i32
    %add3A_86 = arith.addi %mul3A_2, %add3A_85 : i32
    %dma_start3A_87 = arith.constant 0 : i32
    %dma_start3A_88 = arith.constant 0 : i32
    %dma_start3A_89 = arith.constant 0 : i32
    %dma_start3A_90 = tpu.memref_slice %arg8[%dma_start3A_87, %dma_start3A_88, %dma_start3A_89] : memref<2x2x4096xf32, #tpu.memory_space<vmem>> -> memref<1x2x4096xf32, #tpu.memory_space<vmem>>
    %dma_start3A_91 = tpu.memref_squeeze %dma_start3A_90 : memref<1x2x4096xf32, #tpu.memory_space<vmem>> -> memref<2x4096xf32, #tpu.memory_space<vmem>>
    %dma_start3A_92 = arith.constant 0 : i32
    %dma_start3A_93 = tpu.memref_slice %arg2[%add3A_86, %dma_start3A_92] : memref<4096x4096xf32, #tpu.memory_space<hbm>> -> memref<2x4096xf32, #tpu.memory_space<hbm>>
    %dma_start3A_94 = arith.constant 0 : i32
    %dma_start3A_95 = arith.constant 0 : i32
    %dma_start3A_96 = tpu.memref_slice %arg8[%dma_start3A_87, %dma_start3A_94, %dma_start3A_95] : memref<2x2x4096xf32, #tpu.memory_space<vmem>> -> memref<1x2x4096xf32, #tpu.memory_space<vmem>>
    %dma_start3A_97 = tpu.memref_squeeze %dma_start3A_96 : memref<1x2x4096xf32, #tpu.memory_space<vmem>> -> memref<2x4096xf32, #tpu.memory_space<vmem>>
    %dma_start3A_98 = arith.constant 0 : i32
    %dma_start3A_99 = tpu.memref_slice %arg2[%add3A_86, %dma_start3A_98] : memref<4096x4096xf32, #tpu.memory_space<hbm>> -> memref<2x4096xf32, #tpu.memory_space<hbm>>
    tpu.enqueue_dma source(%dma_start3A_99 : memref<2x4096xf32, #tpu.memory_space<hbm>>) target(%dma_start3A_97 : memref<2x4096xf32, #tpu.memory_space<vmem>>) target_semaphore(%arg17 : memref<!tpu.dma_semaphore, #tpu.memory_space<semaphore_mem>>)
    %parallel_loop3A_100 = arith.constant 0 : i32
    %parallel_loop3A_101 = arith.constant 256 : i32
    %parallel_loop3A_102 = arith.constant 1 : i32
    scf.for %parallel_loop3A_591 = %parallel_loop3A_100 to %parallel_loop3A_101 step %parallel_loop3A_102  : i32 {
      %parallel_loop3A_592 = arith.constant 16 : i32
      %parallel_loop3A_593 = arith.muli %parallel_loop3A_591, %parallel_loop3A_592 : i32
      %parallel_loop3A_594 = arith.index_cast %parallel_loop3A_593 : i32 to index
      %parallel_loop3A_595 = tpu.vector_load %arg6[%parallel_loop3A_594] {strides = array<i32>} : memref<4096xi32, #tpu.memory_space<vmem>>, vector<16xi32>,
      %parallel_loop3A_596 = arith.index_cast %parallel_loop3A_593 : i32 to index
      %parallel_loop3A_597 = tpu.vector_load %arg7[%parallel_loop3A_596] {strides = array<i32>} : memref<4096xf32, #tpu.memory_space<vmem>>, vector<16xf32>,
      %parallel_loop3A_598 = arith.constant 1 : i32
      %parallel_loop3A_599 = arith.constant 0 : i32
      %parallel_loop3A_600 = arith.index_cast %parallel_loop3A_598 : i32 to index
      %parallel_loop3A_601 = arith.index_cast %parallel_loop3A_599 : i32 to index
      %parallel_loop3A_602 = arith.index_cast %parallel_loop3A_593 : i32 to index
      %parallel_loop3A_603 = tpu.vector_load %arg8[%parallel_loop3A_600, %parallel_loop3A_601, %parallel_loop3A_602] {strides = array<i32>} : memref<2x2x4096xf32, #tpu.memory_space<vmem>>, vector<16xf32>,
      %parallel_loop3A_604 = arith.mulf %parallel_loop3A_603, %parallel_loop3A_597 : vector<16xf32>
      tpu.vector_store_idx %arg11[%parallel_loop3A_595], %parallel_loop3A_604 {add = true} : memref<8192xf32, #tpu.memory_space<vmem>>[vector<16xi32>], vector<16xf32>,
      %parallel_loop3A_605 = arith.constant 1 : i32
      %parallel_loop3A_606 = arith.constant 1 : i32
      %parallel_loop3A_607 = arith.index_cast %parallel_loop3A_605 : i32 to index
      %parallel_loop3A_608 = arith.index_cast %parallel_loop3A_606 : i32 to index
      %parallel_loop3A_609 = arith.index_cast %parallel_loop3A_593 : i32 to index
      %parallel_loop3A_610 = tpu.vector_load %arg8[%parallel_loop3A_607, %parallel_loop3A_608, %parallel_loop3A_609] {strides = array<i32>} : memref<2x2x4096xf32, #tpu.memory_space<vmem>>, vector<16xf32>,
      %parallel_loop3A_611 = arith.mulf %parallel_loop3A_610, %parallel_loop3A_597 : vector<16xf32>
      tpu.vector_store_idx %arg12[%parallel_loop3A_595], %parallel_loop3A_611 {add = true} : memref<8192xf32, #tpu.memory_space<vmem>>[vector<16xi32>], vector<16xf32>,
    } {sc.loop_unroll_factor = 4 : i64, sc.parallel_access}
    %add3A_103 = arith.constant 2 : i32
    %add3A_104 = arith.addi %mul3A_2, %add3A_103 : i32
    %add3A_105 = arith.constant 0 : i32
    %add3A_106 = arith.addi %add3A_104, %add3A_105 : i32
    %dma_start3A_107 = arith.constant 0 : i32
    %dma_start3A_108 = tpu.memref_slice %arg5[%add3A_106, %dma_start3A_107] : memref<4096x8192xf32, #tpu.memory_space<hbm>> -> memref<1x8192xf32, #tpu.memory_space<hbm>>
    %dma_start3A_109 = tpu.memref_squeeze %dma_start3A_108 : memref<1x8192xf32, #tpu.memory_space<hbm>> -> memref<8192xf32, #tpu.memory_space<hbm>>
    %dma_start3A_110 = arith.constant 0 : i32
    %dma_start3A_111 = tpu.memref_slice %arg5[%add3A_106, %dma_start3A_110] : memref<4096x8192xf32, #tpu.memory_space<hbm>> -> memref<1x8192xf32, #tpu.memory_space<hbm>>
    %dma_start3A_112 = tpu.memref_squeeze %dma_start3A_111 : memref<1x8192xf32, #tpu.memory_space<hbm>> -> memref<8192xf32, #tpu.memory_space<hbm>>
    tpu.enqueue_dma source(%arg11 : memref<8192xf32, #tpu.memory_space<vmem>>) target(%dma_start3A_112 : memref<8192xf32, #tpu.memory_space<hbm>>) target_semaphore(%arg20 : memref<!tpu.dma_semaphore, #tpu.memory_space<semaphore_mem>>)
    %add3A_113 = arith.constant 2 : i32
    %add3A_114 = arith.addi %mul3A_2, %add3A_113 : i32
    %add3A_115 = arith.constant 1 : i32
    %add3A_116 = arith.addi %add3A_114, %add3A_115 : i32
    %dma_start3A_117 = arith.constant 0 : i32
    %dma_start3A_118 = tpu.memref_slice %arg5[%add3A_116, %dma_start3A_117] : memref<4096x8192xf32, #tpu.memory_space<hbm>> -> memref<1x8192xf32, #tpu.memory_space<hbm>>
    %dma_start3A_119 = tpu.memref_squeeze %dma_start3A_118 : memref<1x8192xf32, #tpu.memory_space<hbm>> -> memref<8192xf32, #tpu.memory_space<hbm>>
    %dma_start3A_120 = arith.constant 0 : i32
    %dma_start3A_121 = tpu.memref_slice %arg5[%add3A_116, %dma_start3A_120] : memref<4096x8192xf32, #tpu.memory_space<hbm>> -> memref<1x8192xf32, #tpu.memory_space<hbm>>
    %dma_start3A_122 = tpu.memref_squeeze %dma_start3A_121 : memref<1x8192xf32, #tpu.memory_space<hbm>> -> memref<8192xf32, #tpu.memory_space<hbm>>
    tpu.enqueue_dma source(%arg12 : memref<8192xf32, #tpu.memory_space<vmem>>) target(%dma_start3A_122 : memref<8192xf32, #tpu.memory_space<hbm>>) target_semaphore(%arg20 : memref<!tpu.dma_semaphore, #tpu.memory_space<semaphore_mem>>)
    %add3A_123 = arith.constant 4 : i32
    %add3A_124 = arith.addi %mul3A_2, %add3A_123 : i32
    %dma_wait3A_125 = arith.constant 0 : i32
    %dma_wait3A_126 = arith.constant 0 : i32
    %dma_wait3A_127 = arith.constant 0 : i32
    %dma_wait3A_128 = tpu.memref_slice %arg8[%dma_wait3A_125, %dma_wait3A_126, %dma_wait3A_127] : memref<2x2x4096xf32, #tpu.memory_space<vmem>> -> memref<1x2x4096xf32, #tpu.memory_space<vmem>>
    %dma_wait3A_129 = tpu.memref_squeeze %dma_wait3A_128 : memref<1x2x4096xf32, #tpu.memory_space<vmem>> -> memref<2x4096xf32, #tpu.memory_space<vmem>>
    %dma_wait3A_130 = arith.constant 0 : i32
    %dma_wait3A_131 = tpu.memref_slice %arg2[%add3A_124, %dma_wait3A_130] : memref<4096x4096xf32, #tpu.memory_space<hbm>> -> memref<2x4096xf32, #tpu.memory_space<hbm>>
    %dma_wait3A_132 = arith.constant 0 : i32
    %dma_wait3A_133 = arith.constant 0 : i32
    %dma_wait3A_134 = tpu.memref_slice %arg8[%dma_wait3A_125, %dma_wait3A_132, %dma_wait3A_133] : memref<2x2x4096xf32, #tpu.memory_space<vmem>> -> memref<1x2x4096xf32, #tpu.memory_space<vmem>>
    %dma_wait3A_135 = tpu.memref_squeeze %dma_wait3A_134 : memref<1x2x4096xf32, #tpu.memory_space<vmem>> -> memref<2x4096xf32, #tpu.memory_space<vmem>>
    %dma_wait3A_136 = arith.constant 0 : i32
    %dma_wait3A_137 = tpu.memref_slice %arg2[%add3A_124, %dma_wait3A_136] : memref<4096x4096xf32, #tpu.memory_space<hbm>> -> memref<2x4096xf32, #tpu.memory_space<hbm>>
    tpu.wait_dma2 semaphore(%arg17 : memref<!tpu.dma_semaphore, #tpu.memory_space<semaphore_mem>>) src(%dma_wait3A_137 : memref<2x4096xf32, #tpu.memory_space<hbm>>) dst(%dma_wait3A_135 : memref<2x4096xf32, #tpu.memory_space<vmem>>)
    %add3A_138 = arith.constant 6 : i32
    %add3A_139 = arith.addi %mul3A_2, %add3A_138 : i32
    %dma_start3A_140 = arith.constant 1 : i32
    %dma_start3A_141 = arith.constant 0 : i32
    %dma_start3A_142 = arith.constant 0 : i32
    %dma_start3A_143 = tpu.memref_slice %arg8[%dma_start3A_140, %dma_start3A_141, %dma_start3A_142] : memref<2x2x4096xf32, #tpu.memory_space<vmem>> -> memref<1x2x4096xf32, #tpu.memory_space<vmem>>
    %dma_start3A_144 = tpu.memref_squeeze %dma_start3A_143 : memref<1x2x4096xf32, #tpu.memory_space<vmem>> -> memref<2x4096xf32, #tpu.memory_space<vmem>>
    %dma_start3A_145 = arith.constant 0 : i32
    %dma_start3A_146 = tpu.memref_slice %arg2[%add3A_139, %dma_start3A_145] : memref<4096x4096xf32, #tpu.memory_space<hbm>> -> memref<2x4096xf32, #tpu.memory_space<hbm>>
    %dma_start3A_147 = arith.constant 0 : i32
    %dma_start3A_148 = arith.constant 0 : i32
    %dma_start3A_149 = tpu.memref_slice %arg8[%dma_start3A_140, %dma_start3A_147, %dma_start3A_148] : memref<2x2x4096xf32, #tpu.memory_space<vmem>> -> memref<1x2x4096xf32, #tpu.memory_space<vmem>>
    %dma_start3A_150 = tpu.memref_squeeze %dma_start3A_149 : memref<1x2x4096xf32, #tpu.memory_space<vmem>> -> memref<2x4096xf32, #tpu.memory_space<vmem>>
    %dma_start3A_151 = arith.constant 0 : i32
    %dma_start3A_152 = tpu.memref_slice %arg2[%add3A_139, %dma_start3A_151] : memref<4096x4096xf32, #tpu.memory_space<hbm>> -> memref<2x4096xf32, #tpu.memory_space<hbm>>
    tpu.enqueue_dma source(%dma_start3A_152 : memref<2x4096xf32, #tpu.memory_space<hbm>>) target(%dma_start3A_150 : memref<2x4096xf32, #tpu.memory_space<vmem>>) target_semaphore(%arg18 : memref<!tpu.dma_semaphore, #tpu.memory_space<semaphore_mem>>)
    %parallel_loop3A_153 = arith.constant 0 : i32
    %parallel_loop3A_154 = arith.constant 256 : i32
    %parallel_loop3A_155 = arith.constant 1 : i32
    scf.for %parallel_loop3A_591 = %parallel_loop3A_153 to %parallel_loop3A_154 step %parallel_loop3A_155  : i32 {
      %parallel_loop3A_592 = arith.constant 16 : i32
      %parallel_loop3A_593 = arith.muli %parallel_loop3A_591, %parallel_loop3A_592 : i32
      %parallel_loop3A_594 = arith.index_cast %parallel_loop3A_593 : i32 to index
      %parallel_loop3A_595 = tpu.vector_load %arg6[%parallel_loop3A_594] {strides = array<i32>} : memref<4096xi32, #tpu.memory_space<vmem>>, vector<16xi32>,
      %parallel_loop3A_596 = arith.index_cast %parallel_loop3A_593 : i32 to index
      %parallel_loop3A_597 = tpu.vector_load %arg7[%parallel_loop3A_596] {strides = array<i32>} : memref<4096xf32, #tpu.memory_space<vmem>>, vector<16xf32>,
      %parallel_loop3A_598 = arith.constant 0 : i32
      %parallel_loop3A_599 = arith.constant 0 : i32
      %parallel_loop3A_600 = arith.index_cast %parallel_loop3A_598 : i32 to index
      %parallel_loop3A_601 = arith.index_cast %parallel_loop3A_599 : i32 to index
      %parallel_loop3A_602 = arith.index_cast %parallel_loop3A_593 : i32 to index
      %parallel_loop3A_603 = tpu.vector_load %arg8[%parallel_loop3A_600, %parallel_loop3A_601, %parallel_loop3A_602] {strides = array<i32>} : memref<2x2x4096xf32, #tpu.memory_space<vmem>>, vector<16xf32>,
      %parallel_loop3A_604 = arith.mulf %parallel_loop3A_603, %parallel_loop3A_597 : vector<16xf32>
      tpu.vector_store_idx %arg13[%parallel_loop3A_595], %parallel_loop3A_604 {add = true} : memref<8192xf32, #tpu.memory_space<vmem>>[vector<16xi32>], vector<16xf32>,
      %parallel_loop3A_605 = arith.constant 0 : i32
      %parallel_loop3A_606 = arith.constant 1 : i32
      %parallel_loop3A_607 = arith.index_cast %parallel_loop3A_605 : i32 to index
      %parallel_loop3A_608 = arith.index_cast %parallel_loop3A_606 : i32 to index
      %parallel_loop3A_609 = arith.index_cast %parallel_loop3A_593 : i32 to index
      %parallel_loop3A_610 = tpu.vector_load %arg8[%parallel_loop3A_607, %parallel_loop3A_608, %parallel_loop3A_609] {strides = array<i32>} : memref<2x2x4096xf32, #tpu.memory_space<vmem>>, vector<16xf32>,
      %parallel_loop3A_611 = arith.mulf %parallel_loop3A_610, %parallel_loop3A_597 : vector<16xf32>
      tpu.vector_store_idx %arg14[%parallel_loop3A_595], %parallel_loop3A_611 {add = true} : memref<8192xf32, #tpu.memory_space<vmem>>[vector<16xi32>], vector<16xf32>,
    } {sc.loop_unroll_factor = 4 : i64, sc.parallel_access}
    %add3A_156 = arith.constant 4 : i32
    %add3A_157 = arith.addi %mul3A_2, %add3A_156 : i32
    %add3A_158 = arith.constant 0 : i32
    %add3A_159 = arith.addi %add3A_157, %add3A_158 : i32
    %dma_start3A_160 = arith.constant 0 : i32
    %dma_start3A_161 = tpu.memref_slice %arg5[%add3A_159, %dma_start3A_160] : memref<4096x8192xf32, #tpu.memory_space<hbm>> -> memref<1x8192xf32, #tpu.memory_space<hbm>>
    %dma_start3A_162 = tpu.memref_squeeze %dma_start3A_161 : memref<1x8192xf32, #tpu.memory_space<hbm>> -> memref<8192xf32, #tpu.memory_space<hbm>>
    %dma_start3A_163 = arith.constant 0 : i32
    %dma_start3A_164 = tpu.memref_slice %arg5[%add3A_159, %dma_start3A_163] : memref<4096x8192xf32, #tpu.memory_space<hbm>> -> memref<1x8192xf32, #tpu.memory_space<hbm>>
    %dma_start3A_165 = tpu.memref_squeeze %dma_start3A_164 : memref<1x8192xf32, #tpu.memory_space<hbm>> -> memref<8192xf32, #tpu.memory_space<hbm>>
    tpu.enqueue_dma source(%arg13 : memref<8192xf32, #tpu.memory_space<vmem>>) target(%dma_start3A_165 : memref<8192xf32, #tpu.memory_space<hbm>>) target_semaphore(%arg21 : memref<!tpu.dma_semaphore, #tpu.memory_space<semaphore_mem>>)
    %add3A_166 = arith.constant 4 : i32
    %add3A_167 = arith.addi %mul3A_2, %add3A_166 : i32
    %add3A_168 = arith.constant 1 : i32
    %add3A_169 = arith.addi %add3A_167, %add3A_168 : i32
    %dma_start3A_170 = arith.constant 0 : i32
    %dma_start3A_171 = tpu.memref_slice %arg5[%add3A_169, %dma_start3A_170] : memref<4096x8192xf32, #tpu.memory_space<hbm>> -> memref<1x8192xf32, #tpu.memory_space<hbm>>
    %dma_start3A_172 = tpu.memref_squeeze %dma_start3A_171 : memref<1x8192xf32, #tpu.memory_space<hbm>> -> memref<8192xf32, #tpu.memory_space<hbm>>
    %dma_start3A_173 = arith.constant 0 : i32
    %dma_start3A_174 = tpu.memref_slice %arg5[%add3A_169, %dma_start3A_173] : memref<4096x8192xf32, #tpu.memory_space<hbm>> -> memref<1x8192xf32, #tpu.memory_space<hbm>>
    %dma_start3A_175 = tpu.memref_squeeze %dma_start3A_174 : memref<1x8192xf32, #tpu.memory_space<hbm>> -> memref<8192xf32, #tpu.memory_space<hbm>>
    tpu.enqueue_dma source(%arg14 : memref<8192xf32, #tpu.memory_space<vmem>>) target(%dma_start3A_175 : memref<8192xf32, #tpu.memory_space<hbm>>) target_semaphore(%arg21 : memref<!tpu.dma_semaphore, #tpu.memory_space<semaphore_mem>>)
    %add3A_176 = arith.constant 6 : i32
    %add3A_177 = arith.addi %mul3A_2, %add3A_176 : i32
    %dma_wait3A_178 = arith.constant 1 : i32
    %dma_wait3A_179 = arith.constant 0 : i32
    %dma_wait3A_180 = arith.constant 0 : i32
    %dma_wait3A_181 = tpu.memref_slice %arg8[%dma_wait3A_178, %dma_wait3A_179, %dma_wait3A_180] : memref<2x2x4096xf32, #tpu.memory_space<vmem>> -> memref<1x2x4096xf32, #tpu.memory_space<vmem>>
    %dma_wait3A_182 = tpu.memref_squeeze %dma_wait3A_181 : memref<1x2x4096xf32, #tpu.memory_space<vmem>> -> memref<2x4096xf32, #tpu.memory_space<vmem>>
    %dma_wait3A_183 = arith.constant 0 : i32
    %dma_wait3A_184 = tpu.memref_slice %arg2[%add3A_177, %dma_wait3A_183] : memref<4096x4096xf32, #tpu.memory_space<hbm>> -> memref<2x4096xf32, #tpu.memory_space<hbm>>
    %dma_wait3A_185 = arith.constant 0 : i32
    %dma_wait3A_186 = arith.constant 0 : i32
    %dma_wait3A_187 = tpu.memref_slice %arg8[%dma_wait3A_178, %dma_wait3A_185, %dma_wait3A_186] : memref<2x2x4096xf32, #tpu.memory_space<vmem>> -> memref<1x2x4096xf32, #tpu.memory_space<vmem>>
    %dma_wait3A_188 = tpu.memref_squeeze %dma_wait3A_187 : memref<1x2x4096xf32, #tpu.memory_space<vmem>> -> memref<2x4096xf32, #tpu.memory_space<vmem>>
    %dma_wait3A_189 = arith.constant 0 : i32
    %dma_wait3A_190 = tpu.memref_slice %arg2[%add3A_177, %dma_wait3A_189] : memref<4096x4096xf32, #tpu.memory_space<hbm>> -> memref<2x4096xf32, #tpu.memory_space<hbm>>
    tpu.wait_dma2 semaphore(%arg18 : memref<!tpu.dma_semaphore, #tpu.memory_space<semaphore_mem>>) src(%dma_wait3A_190 : memref<2x4096xf32, #tpu.memory_space<hbm>>) dst(%dma_wait3A_188 : memref<2x4096xf32, #tpu.memory_space<vmem>>)
    %add3A_191 = arith.constant 8 : i32
    %add3A_192 = arith.addi %mul3A_2, %add3A_191 : i32
    %dma_start3A_193 = arith.constant 0 : i32
    %dma_start3A_194 = arith.constant 0 : i32
    %dma_start3A_195 = arith.constant 0 : i32
    %dma_start3A_196 = tpu.memref_slice %arg8[%dma_start3A_193, %dma_start3A_194, %dma_start3A_195] : memref<2x2x4096xf32, #tpu.memory_space<vmem>> -> memref<1x2x4096xf32, #tpu.memory_space<vmem>>
    %dma_start3A_197 = tpu.memref_squeeze %dma_start3A_196 : memref<1x2x4096xf32, #tpu.memory_space<vmem>> -> memref<2x4096xf32, #tpu.memory_space<vmem>>
    %dma_start3A_198 = arith.constant 0 : i32
    %dma_start3A_199 = tpu.memref_slice %arg2[%add3A_192, %dma_start3A_198] : memref<4096x4096xf32, #tpu.memory_space<hbm>> -> memref<2x4096xf32, #tpu.memory_space<hbm>>
    %dma_start3A_200 = arith.constant 0 : i32
    %dma_start3A_201 = arith.constant 0 : i32
    %dma_start3A_202 = tpu.memref_slice %arg8[%dma_start3A_193, %dma_start3A_200, %dma_start3A_201] : memref<2x2x4096xf32, #tpu.memory_space<vmem>> -> memref<1x2x4096xf32, #tpu.memory_space<vmem>>
    %dma_start3A_203 = tpu.memref_squeeze %dma_start3A_202 : memref<1x2x4096xf32, #tpu.memory_space<vmem>> -> memref<2x4096xf32, #tpu.memory_space<vmem>>
    %dma_start3A_204 = arith.constant 0 : i32
    %dma_start3A_205 = tpu.memref_slice %arg2[%add3A_192, %dma_start3A_204] : memref<4096x4096xf32, #tpu.memory_space<hbm>> -> memref<2x4096xf32, #tpu.memory_space<hbm>>
    tpu.enqueue_dma source(%dma_start3A_205 : memref<2x4096xf32, #tpu.memory_space<hbm>>) target(%dma_start3A_203 : memref<2x4096xf32, #tpu.memory_space<vmem>>) target_semaphore(%arg17 : memref<!tpu.dma_semaphore, #tpu.memory_space<semaphore_mem>>)
    %add3A_206 = arith.constant 0 : i32
    %add3A_207 = arith.addi %mul3A_2, %add3A_206 : i32
    %add3A_208 = arith.constant 0 : i32
    %add3A_209 = arith.addi %add3A_207, %add3A_208 : i32
    %dma_wait3A_210 = arith.constant 0 : i32
    %dma_wait3A_211 = tpu.memref_slice %arg5[%add3A_209, %dma_wait3A_210] : memref<4096x8192xf32, #tpu.memory_space<hbm>> -> memref<1x8192xf32, #tpu.memory_space<hbm>>
    %dma_wait3A_212 = tpu.memref_squeeze %dma_wait3A_211 : memref<1x8192xf32, #tpu.memory_space<hbm>> -> memref<8192xf32, #tpu.memory_space<hbm>>
    %dma_wait3A_213 = arith.constant 0 : i32
    %dma_wait3A_214 = tpu.memref_slice %arg5[%add3A_209, %dma_wait3A_213] : memref<4096x8192xf32, #tpu.memory_space<hbm>> -> memref<1x8192xf32, #tpu.memory_space<hbm>>
    %dma_wait3A_215 = tpu.memref_squeeze %dma_wait3A_214 : memref<1x8192xf32, #tpu.memory_space<hbm>> -> memref<8192xf32, #tpu.memory_space<hbm>>
    tpu.wait_dma2 semaphore(%arg19 : memref<!tpu.dma_semaphore, #tpu.memory_space<semaphore_mem>>) src(%arg9 : memref<8192xf32, #tpu.memory_space<vmem>>) dst(%dma_wait3A_215 : memref<8192xf32, #tpu.memory_space<hbm>>)
    %add3A_216 = arith.constant 0 : i32
    %add3A_217 = arith.addi %mul3A_2, %add3A_216 : i32
    %add3A_218 = arith.constant 1 : i32
    %add3A_219 = arith.addi %add3A_217, %add3A_218 : i32
    %dma_wait3A_220 = arith.constant 0 : i32
    %dma_wait3A_221 = tpu.memref_slice %arg5[%add3A_219, %dma_wait3A_220] : memref<4096x8192xf32, #tpu.memory_space<hbm>> -> memref<1x8192xf32, #tpu.memory_space<hbm>>
    %dma_wait3A_222 = tpu.memref_squeeze %dma_wait3A_221 : memref<1x8192xf32, #tpu.memory_space<hbm>> -> memref<8192xf32, #tpu.memory_space<hbm>>
    %dma_wait3A_223 = arith.constant 0 : i32
    %dma_wait3A_224 = tpu.memref_slice %arg5[%add3A_219, %dma_wait3A_223] : memref<4096x8192xf32, #tpu.memory_space<hbm>> -> memref<1x8192xf32, #tpu.memory_space<hbm>>
    %dma_wait3A_225 = tpu.memref_squeeze %dma_wait3A_224 : memref<1x8192xf32, #tpu.memory_space<hbm>> -> memref<8192xf32, #tpu.memory_space<hbm>>
    tpu.wait_dma2 semaphore(%arg19 : memref<!tpu.dma_semaphore, #tpu.memory_space<semaphore_mem>>) src(%arg10 : memref<8192xf32, #tpu.memory_space<vmem>>) dst(%dma_wait3A_225 : memref<8192xf32, #tpu.memory_space<hbm>>)
    %parallel_loop3A_226 = arith.constant 0 : i32
    %parallel_loop3A_227 = arith.constant 256 : i32
    %parallel_loop3A_228 = arith.constant 1 : i32
    scf.for %parallel_loop3A_591 = %parallel_loop3A_226 to %parallel_loop3A_227 step %parallel_loop3A_228  : i32 {
      %parallel_loop3A_592 = arith.constant 16 : i32
      %parallel_loop3A_593 = arith.muli %parallel_loop3A_591, %parallel_loop3A_592 : i32
      %parallel_loop3A_594 = arith.index_cast %parallel_loop3A_593 : i32 to index
      %parallel_loop3A_595 = tpu.vector_load %arg6[%parallel_loop3A_594] {strides = array<i32>} : memref<4096xi32, #tpu.memory_space<vmem>>, vector<16xi32>,
      %parallel_loop3A_596 = arith.index_cast %parallel_loop3A_593 : i32 to index
      %parallel_loop3A_597 = tpu.vector_load %arg7[%parallel_loop3A_596] {strides = array<i32>} : memref<4096xf32, #tpu.memory_space<vmem>>, vector<16xf32>,
      %parallel_loop3A_598 = arith.constant 1 : i32
      %parallel_loop3A_599 = arith.constant 0 : i32
      %parallel_loop3A_600 = arith.index_cast %parallel_loop3A_598 : i32 to index
      %parallel_loop3A_601 = arith.index_cast %parallel_loop3A_599 : i32 to index
      %parallel_loop3A_602 = arith.index_cast %parallel_loop3A_593 : i32 to index
      %parallel_loop3A_603 = tpu.vector_load %arg8[%parallel_loop3A_600, %parallel_loop3A_601, %parallel_loop3A_602] {strides = array<i32>} : memref<2x2x4096xf32, #tpu.memory_space<vmem>>, vector<16xf32>,
      %parallel_loop3A_604 = arith.mulf %parallel_loop3A_603, %parallel_loop3A_597 : vector<16xf32>
      tpu.vector_store_idx %arg15[%parallel_loop3A_595], %parallel_loop3A_604 {add = true} : memref<8192xf32, #tpu.memory_space<vmem>>[vector<16xi32>], vector<16xf32>,
      %parallel_loop3A_605 = arith.constant 1 : i32
      %parallel_loop3A_606 = arith.constant 1 : i32
      %parallel_loop3A_607 = arith.index_cast %parallel_loop3A_605 : i32 to index
      %parallel_loop3A_608 = arith.index_cast %parallel_loop3A_606 : i32 to index
      %parallel_loop3A_609 = arith.index_cast %parallel_loop3A_593 : i32 to index
      %parallel_loop3A_610 = tpu.vector_load %arg8[%parallel_loop3A_607, %parallel_loop3A_608, %parallel_loop3A_609] {strides = array<i32>} : memref<2x2x4096xf32, #tpu.memory_space<vmem>>, vector<16xf32>,
      %parallel_loop3A_611 = arith.mulf %parallel_loop3A_610, %parallel_loop3A_597 : vector<16xf32>
      tpu.vector_store_idx %arg16[%parallel_loop3A_595], %parallel_loop3A_611 {add = true} : memref<8192xf32, #tpu.memory_space<vmem>>[vector<16xi32>], vector<16xf32>,
      tpu.vector_store_idx %arg9[%parallel_loop3A_595], %broadcast_in_dim3A_15 : memref<8192xf32, #tpu.memory_space<vmem>>[vector<16xi32>], vector<16xf32>,
      tpu.vector_store_idx %arg10[%parallel_loop3A_595], %broadcast_in_dim3A_15 : memref<8192xf32, #tpu.memory_space<vmem>>[vector<16xi32>], vector<16xf32>,
    } {sc.loop_unroll_factor = 4 : i64, sc.parallel_access}
    %add3A_229 = arith.constant 6 : i32
    %add3A_230 = arith.addi %mul3A_2, %add3A_229 : i32
    %add3A_231 = arith.constant 0 : i32
    %add3A_232 = arith.addi %add3A_230, %add3A_231 : i32
    %dma_start3A_233 = arith.constant 0 : i32
    %dma_start3A_234 = tpu.memref_slice %arg5[%add3A_232, %dma_start3A_233] : memref<4096x8192xf32, #tpu.memory_space<hbm>> -> memref<1x8192xf32, #tpu.memory_space<hbm>>
    %dma_start3A_235 = tpu.memref_squeeze %dma_start3A_234 : memref<1x8192xf32, #tpu.memory_space<hbm>> -> memref<8192xf32, #tpu.memory_space<hbm>>
    %dma_start3A_236 = arith.constant 0 : i32
    %dma_start3A_237 = tpu.memref_slice %arg5[%add3A_232, %dma_start3A_236] : memref<4096x8192xf32, #tpu.memory_space<hbm>> -> memref<1x8192xf32, #tpu.memory_space<hbm>>
    %dma_start3A_238 = tpu.memref_squeeze %dma_start3A_237 : memref<1x8192xf32, #tpu.memory_space<hbm>> -> memref<8192xf32, #tpu.memory_space<hbm>>
    tpu.enqueue_dma source(%arg15 : memref<8192xf32, #tpu.memory_space<vmem>>) target(%dma_start3A_238 : memref<8192xf32, #tpu.memory_space<hbm>>) target_semaphore(%arg22 : memref<!tpu.dma_semaphore, #tpu.memory_space<semaphore_mem>>)
    %add3A_239 = arith.constant 6 : i32
    %add3A_240 = arith.addi %mul3A_2, %add3A_239 : i32
    %add3A_241 = arith.constant 1 : i32
    %add3A_242 = arith.addi %add3A_240, %add3A_241 : i32
    %dma_start3A_243 = arith.constant 0 : i32
    %dma_start3A_244 = tpu.memref_slice %arg5[%add3A_242, %dma_start3A_243] : memref<4096x8192xf32, #tpu.memory_space<hbm>> -> memref<1x8192xf32, #tpu.memory_space<hbm>>
    %dma_start3A_245 = tpu.memref_squeeze %dma_start3A_244 : memref<1x8192xf32, #tpu.memory_space<hbm>> -> memref<8192xf32, #tpu.memory_space<hbm>>
    %dma_start3A_246 = arith.constant 0 : i32
    %dma_start3A_247 = tpu.memref_slice %arg5[%add3A_242, %dma_start3A_246] : memref<4096x8192xf32, #tpu.memory_space<hbm>> -> memref<1x8192xf32, #tpu.memory_space<hbm>>
    %dma_start3A_248 = tpu.memref_squeeze %dma_start3A_247 : memref<1x8192xf32, #tpu.memory_space<hbm>> -> memref<8192xf32, #tpu.memory_space<hbm>>
    tpu.enqueue_dma source(%arg16 : memref<8192xf32, #tpu.memory_space<vmem>>) target(%dma_start3A_248 : memref<8192xf32, #tpu.memory_space<hbm>>) target_semaphore(%arg22 : memref<!tpu.dma_semaphore, #tpu.memory_space<semaphore_mem>>)
    %scan3A = arith.constant 0 : i32
    %scan3A_249 = arith.constant 1 : i32
    %scan3A_250 = arith.constant 14 : i32
    %scan3A_251 = arith.addi %scan3A_249, %scan3A_250 : i32
    %scan3A_252 = arith.constant 1 : i32
    scf.for %scan3A_591 = %scan3A_249 to %scan3A_251 step %scan3A_252  : i32 {
      %mul3A_592 = arith.constant 4 : i32
      %mul3A_593 = arith.muli %scan3A_591, %mul3A_592 : i32
      %add3A_594 = arith.constant 0 : i32
      %add3A_595 = arith.addi %mul3A_593, %add3A_594 : i32
      %mul3A_596 = arith.constant 2 : i32
      %mul3A_597 = arith.muli %add3A_595, %mul3A_596 : i32
      %add3A_598 = arith.addi %mul3A_2, %mul3A_597 : i32
      %dma_wait3A_599 = arith.constant 0 : i32
      %dma_wait3A_600 = arith.constant 0 : i32
      %dma_wait3A_601 = arith.constant 0 : i32
      %dma_wait3A_602 = tpu.memref_slice %arg8[%dma_wait3A_599, %dma_wait3A_600, %dma_wait3A_601] : memref<2x2x4096xf32, #tpu.memory_space<vmem>> -> memref<1x2x4096xf32, #tpu.memory_space<vmem>>
      %dma_wait3A_603 = tpu.memref_squeeze %dma_wait3A_602 : memref<1x2x4096xf32, #tpu.memory_space<vmem>> -> memref<2x4096xf32, #tpu.memory_space<vmem>>
      %dma_wait3A_604 = arith.constant 0 : i32
      %dma_wait3A_605 = tpu.memref_slice %arg2[%add3A_598, %dma_wait3A_604] : memref<4096x4096xf32, #tpu.memory_space<hbm>> -> memref<2x4096xf32, #tpu.memory_space<hbm>>
      %dma_wait3A_606 = arith.constant 0 : i32
      %dma_wait3A_607 = arith.constant 0 : i32
      %dma_wait3A_608 = tpu.memref_slice %arg8[%dma_wait3A_599, %dma_wait3A_606, %dma_wait3A_607] : memref<2x2x4096xf32, #tpu.memory_space<vmem>> -> memref<1x2x4096xf32, #tpu.memory_space<vmem>>
      %dma_wait3A_609 = tpu.memref_squeeze %dma_wait3A_608 : memref<1x2x4096xf32, #tpu.memory_space<vmem>> -> memref<2x4096xf32, #tpu.memory_space<vmem>>
      %dma_wait3A_610 = arith.constant 0 : i32
      %dma_wait3A_611 = tpu.memref_slice %arg2[%add3A_598, %dma_wait3A_610] : memref<4096x4096xf32, #tpu.memory_space<hbm>> -> memref<2x4096xf32, #tpu.memory_space<hbm>>
      tpu.wait_dma2 semaphore(%arg17 : memref<!tpu.dma_semaphore, #tpu.memory_space<semaphore_mem>>) src(%dma_wait3A_611 : memref<2x4096xf32, #tpu.memory_space<hbm>>) dst(%dma_wait3A_609 : memref<2x4096xf32, #tpu.memory_space<vmem>>)
      %add3A_612 = arith.constant 1 : i32
      %add3A_613 = arith.addi %add3A_595, %add3A_612 : i32
      %mul3A_614 = arith.constant 2 : i32
      %mul3A_615 = arith.muli %add3A_613, %mul3A_614 : i32
      %add3A_616 = arith.addi %mul3A_2, %mul3A_615 : i32
      %dma_start3A_617 = arith.constant 1 : i32
      %dma_start3A_618 = arith.constant 0 : i32
      %dma_start3A_619 = arith.constant 0 : i32
      %dma_start3A_620 = tpu.memref_slice %arg8[%dma_start3A_617, %dma_start3A_618, %dma_start3A_619] : memref<2x2x4096xf32, #tpu.memory_space<vmem>> -> memref<1x2x4096xf32, #tpu.memory_space<vmem>>
      %dma_start3A_621 = tpu.memref_squeeze %dma_start3A_620 : memref<1x2x4096xf32, #tpu.memory_space<vmem>> -> memref<2x4096xf32, #tpu.memory_space<vmem>>
      %dma_start3A_622 = arith.constant 0 : i32
      %dma_start3A_623 = tpu.memref_slice %arg2[%add3A_616, %dma_start3A_622] : memref<4096x4096xf32, #tpu.memory_space<hbm>> -> memref<2x4096xf32, #tpu.memory_space<hbm>>
      %dma_start3A_624 = arith.constant 0 : i32
      %dma_start3A_625 = arith.constant 0 : i32
      %dma_start3A_626 = tpu.memref_slice %arg8[%dma_start3A_617, %dma_start3A_624, %dma_start3A_625] : memref<2x2x4096xf32, #tpu.memory_space<vmem>> -> memref<1x2x4096xf32, #tpu.memory_space<vmem>>
      %dma_start3A_627 = tpu.memref_squeeze %dma_start3A_626 : memref<1x2x4096xf32, #tpu.memory_space<vmem>> -> memref<2x4096xf32, #tpu.memory_space<vmem>>
      %dma_start3A_628 = arith.constant 0 : i32
      %dma_start3A_629 = tpu.memref_slice %arg2[%add3A_616, %dma_start3A_628] : memref<4096x4096xf32, #tpu.memory_space<hbm>> -> memref<2x4096xf32, #tpu.memory_space<hbm>>
      tpu.enqueue_dma source(%dma_start3A_629 : memref<2x4096xf32, #tpu.memory_space<hbm>>) target(%dma_start3A_627 : memref<2x4096xf32, #tpu.memory_space<vmem>>) target_semaphore(%arg18 : memref<!tpu.dma_semaphore, #tpu.memory_space<semaphore_mem>>)
      %sub3A = arith.constant 3 : i32
      %sub3A_630 = arith.subi %add3A_595, %sub3A : i32
      %mul3A_631 = arith.constant 2 : i32
      %mul3A_632 = arith.muli %sub3A_630, %mul3A_631 : i32
      %add3A_633 = arith.addi %mul3A_2, %mul3A_632 : i32
      %add3A_634 = arith.constant 0 : i32
      %add3A_635 = arith.addi %add3A_633, %add3A_634 : i32
      %dma_wait3A_636 = arith.constant 0 : i32
      %dma_wait3A_637 = tpu.memref_slice %arg5[%add3A_635, %dma_wait3A_636] : memref<4096x8192xf32, #tpu.memory_space<hbm>> -> memref<1x8192xf32, #tpu.memory_space<hbm>>
      %dma_wait3A_638 = tpu.memref_squeeze %dma_wait3A_637 : memref<1x8192xf32, #tpu.memory_space<hbm>> -> memref<8192xf32, #tpu.memory_space<hbm>>
      %dma_wait3A_639 = arith.constant 0 : i32
      %dma_wait3A_640 = tpu.memref_slice %arg5[%add3A_635, %dma_wait3A_639] : memref<4096x8192xf32, #tpu.memory_space<hbm>> -> memref<1x8192xf32, #tpu.memory_space<hbm>>
      %dma_wait3A_641 = tpu.memref_squeeze %dma_wait3A_640 : memref<1x8192xf32, #tpu.memory_space<hbm>> -> memref<8192xf32, #tpu.memory_space<hbm>>
      tpu.wait_dma2 semaphore(%arg20 : memref<!tpu.dma_semaphore, #tpu.memory_space<semaphore_mem>>) src(%arg11 : memref<8192xf32, #tpu.memory_space<vmem>>) dst(%dma_wait3A_641 : memref<8192xf32, #tpu.memory_space<hbm>>)
      %mul3A_642 = arith.constant 2 : i32
      %mul3A_643 = arith.muli %sub3A_630, %mul3A_642 : i32
      %add3A_644 = arith.addi %mul3A_2, %mul3A_643 : i32
      %add3A_645 = arith.constant 1 : i32
      %add3A_646 = arith.addi %add3A_644, %add3A_645 : i32
      %dma_wait3A_647 = arith.constant 0 : i32
      %dma_wait3A_648 = tpu.memref_slice %arg5[%add3A_646, %dma_wait3A_647] : memref<4096x8192xf32, #tpu.memory_space<hbm>> -> memref<1x8192xf32, #tpu.memory_space<hbm>>
      %dma_wait3A_649 = tpu.memref_squeeze %dma_wait3A_648 : memref<1x8192xf32, #tpu.memory_space<hbm>> -> memref<8192xf32, #tpu.memory_space<hbm>>
      %dma_wait3A_650 = arith.constant 0 : i32
      %dma_wait3A_651 = tpu.memref_slice %arg5[%add3A_646, %dma_wait3A_650] : memref<4096x8192xf32, #tpu.memory_space<hbm>> -> memref<1x8192xf32, #tpu.memory_space<hbm>>
      %dma_wait3A_652 = tpu.memref_squeeze %dma_wait3A_651 : memref<1x8192xf32, #tpu.memory_space<hbm>> -> memref<8192xf32, #tpu.memory_space<hbm>>
      tpu.wait_dma2 semaphore(%arg20 : memref<!tpu.dma_semaphore, #tpu.memory_space<semaphore_mem>>) src(%arg12 : memref<8192xf32, #tpu.memory_space<vmem>>) dst(%dma_wait3A_652 : memref<8192xf32, #tpu.memory_space<hbm>>)
      %parallel_loop3A_653 = arith.constant 0 : i32
      %parallel_loop3A_654 = arith.constant 256 : i32
      %parallel_loop3A_655 = arith.constant 1 : i32
      scf.for %parallel_loop3A_939 = %parallel_loop3A_653 to %parallel_loop3A_654 step %parallel_loop3A_655  : i32 {
        %parallel_loop3A_940 = arith.constant 16 : i32
        %parallel_loop3A_941 = arith.muli %parallel_loop3A_939, %parallel_loop3A_940 : i32
        %parallel_loop3A_942 = arith.index_cast %parallel_loop3A_941 : i32 to index
        %parallel_loop3A_943 = tpu.vector_load %arg6[%parallel_loop3A_942] {strides = array<i32>} : memref<4096xi32, #tpu.memory_space<vmem>>, vector<16xi32>,
        %parallel_loop3A_944 = arith.index_cast %parallel_loop3A_941 : i32 to index
        %parallel_loop3A_945 = tpu.vector_load %arg7[%parallel_loop3A_944] {strides = array<i32>} : memref<4096xf32, #tpu.memory_space<vmem>>, vector<16xf32>,
        %parallel_loop3A_946 = arith.constant 0 : i32
        %parallel_loop3A_947 = arith.constant 0 : i32
        %parallel_loop3A_948 = arith.index_cast %parallel_loop3A_946 : i32 to index
        %parallel_loop3A_949 = arith.index_cast %parallel_loop3A_947 : i32 to index
        %parallel_loop3A_950 = arith.index_cast %parallel_loop3A_941 : i32 to index
        %parallel_loop3A_951 = tpu.vector_load %arg8[%parallel_loop3A_948, %parallel_loop3A_949, %parallel_loop3A_950] {strides = array<i32>} : memref<2x2x4096xf32, #tpu.memory_space<vmem>>, vector<16xf32>,
        %parallel_loop3A_952 = arith.mulf %parallel_loop3A_951, %parallel_loop3A_945 : vector<16xf32>
        tpu.vector_store_idx %arg9[%parallel_loop3A_943], %parallel_loop3A_952 {add = true} : memref<8192xf32, #tpu.memory_space<vmem>>[vector<16xi32>], vector<16xf32>,
        %parallel_loop3A_953 = arith.constant 0 : i32
        %parallel_loop3A_954 = arith.constant 1 : i32
        %parallel_loop3A_955 = arith.index_cast %parallel_loop3A_953 : i32 to index
        %parallel_loop3A_956 = arith.index_cast %parallel_loop3A_954 : i32 to index
        %parallel_loop3A_957 = arith.index_cast %parallel_loop3A_941 : i32 to index
        %parallel_loop3A_958 = tpu.vector_load %arg8[%parallel_loop3A_955, %parallel_loop3A_956, %parallel_loop3A_957] {strides = array<i32>} : memref<2x2x4096xf32, #tpu.memory_space<vmem>>, vector<16xf32>,
        %parallel_loop3A_959 = arith.mulf %parallel_loop3A_958, %parallel_loop3A_945 : vector<16xf32>
        tpu.vector_store_idx %arg10[%parallel_loop3A_943], %parallel_loop3A_959 {add = true} : memref<8192xf32, #tpu.memory_space<vmem>>[vector<16xi32>], vector<16xf32>,
        tpu.vector_store_idx %arg11[%parallel_loop3A_943], %broadcast_in_dim3A_15 : memref<8192xf32, #tpu.memory_space<vmem>>[vector<16xi32>], vector<16xf32>,
        tpu.vector_store_idx %arg12[%parallel_loop3A_943], %broadcast_in_dim3A_15 : memref<8192xf32, #tpu.memory_space<vmem>>[vector<16xi32>], vector<16xf32>,
      } {sc.loop_unroll_factor = 4 : i64, sc.parallel_access}
      %mul3A_656 = arith.constant 2 : i32
      %mul3A_657 = arith.muli %add3A_595, %mul3A_656 : i32
      %add3A_658 = arith.addi %mul3A_2, %mul3A_657 : i32
      %add3A_659 = arith.constant 0 : i32
      %add3A_660 = arith.addi %add3A_658, %add3A_659 : i32
      %dma_start3A_661 = arith.constant 0 : i32
      %dma_start3A_662 = tpu.memref_slice %arg5[%add3A_660, %dma_start3A_661] : memref<4096x8192xf32, #tpu.memory_space<hbm>> -> memref<1x8192xf32, #tpu.memory_space<hbm>>
      %dma_start3A_663 = tpu.memref_squeeze %dma_start3A_662 : memref<1x8192xf32, #tpu.memory_space<hbm>> -> memref<8192xf32, #tpu.memory_space<hbm>>
      %dma_start3A_664 = arith.constant 0 : i32
      %dma_start3A_665 = tpu.memref_slice %arg5[%add3A_660, %dma_start3A_664] : memref<4096x8192xf32, #tpu.memory_space<hbm>> -> memref<1x8192xf32, #tpu.memory_space<hbm>>
      %dma_start3A_666 = tpu.memref_squeeze %dma_start3A_665 : memref<1x8192xf32, #tpu.memory_space<hbm>> -> memref<8192xf32, #tpu.memory_space<hbm>>
      tpu.enqueue_dma source(%arg9 : memref<8192xf32, #tpu.memory_space<vmem>>) target(%dma_start3A_666 : memref<8192xf32, #tpu.memory_space<hbm>>) target_semaphore(%arg19 : memref<!tpu.dma_semaphore, #tpu.memory_space<semaphore_mem>>)
      %mul3A_667 = arith.constant 2 : i32
      %mul3A_668 = arith.muli %add3A_595, %mul3A_667 : i32
      %add3A_669 = arith.addi %mul3A_2, %mul3A_668 : i32
      %add3A_670 = arith.constant 1 : i32
      %add3A_671 = arith.addi %add3A_669, %add3A_670 : i32
      %dma_start3A_672 = arith.constant 0 : i32
      %dma_start3A_673 = tpu.memref_slice %arg5[%add3A_671, %dma_start3A_672] : memref<4096x8192xf32, #tpu.memory_space<hbm>> -> memref<1x8192xf32, #tpu.memory_space<hbm>>
      %dma_start3A_674 = tpu.memref_squeeze %dma_start3A_673 : memref<1x8192xf32, #tpu.memory_space<hbm>> -> memref<8192xf32, #tpu.memory_space<hbm>>
      %dma_start3A_675 = arith.constant 0 : i32
      %dma_start3A_676 = tpu.memref_slice %arg5[%add3A_671, %dma_start3A_675] : memref<4096x8192xf32, #tpu.memory_space<hbm>> -> memref<1x8192xf32, #tpu.memory_space<hbm>>
      %dma_start3A_677 = tpu.memref_squeeze %dma_start3A_676 : memref<1x8192xf32, #tpu.memory_space<hbm>> -> memref<8192xf32, #tpu.memory_space<hbm>>
      tpu.enqueue_dma source(%arg10 : memref<8192xf32, #tpu.memory_space<vmem>>) target(%dma_start3A_677 : memref<8192xf32, #tpu.memory_space<hbm>>) target_semaphore(%arg19 : memref<!tpu.dma_semaphore, #tpu.memory_space<semaphore_mem>>)
      %mul3A_678 = arith.constant 4 : i32
      %mul3A_679 = arith.muli %scan3A_591, %mul3A_678 : i32
      %add3A_680 = arith.constant 1 : i32
      %add3A_681 = arith.addi %mul3A_679, %add3A_680 : i32
      %mul3A_682 = arith.constant 2 : i32
      %mul3A_683 = arith.muli %add3A_681, %mul3A_682 : i32
      %add3A_684 = arith.addi %mul3A_2, %mul3A_683 : i32
      %dma_wait3A_685 = arith.constant 1 : i32
      %dma_wait3A_686 = arith.constant 0 : i32
      %dma_wait3A_687 = arith.constant 0 : i32
      %dma_wait3A_688 = tpu.memref_slice %arg8[%dma_wait3A_685, %dma_wait3A_686, %dma_wait3A_687] : memref<2x2x4096xf32, #tpu.memory_space<vmem>> -> memref<1x2x4096xf32, #tpu.memory_space<vmem>>
      %dma_wait3A_689 = tpu.memref_squeeze %dma_wait3A_688 : memref<1x2x4096xf32, #tpu.memory_space<vmem>> -> memref<2x4096xf32, #tpu.memory_space<vmem>>
      %dma_wait3A_690 = arith.constant 0 : i32
      %dma_wait3A_691 = tpu.memref_slice %arg2[%add3A_684, %dma_wait3A_690] : memref<4096x4096xf32, #tpu.memory_space<hbm>> -> memref<2x4096xf32, #tpu.memory_space<hbm>>
      %dma_wait3A_692 = arith.constant 0 : i32
      %dma_wait3A_693 = arith.constant 0 : i32
      %dma_wait3A_694 = tpu.memref_slice %arg8[%dma_wait3A_685, %dma_wait3A_692, %dma_wait3A_693] : memref<2x2x4096xf32, #tpu.memory_space<vmem>> -> memref<1x2x4096xf32, #tpu.memory_space<vmem>>
      %dma_wait3A_695 = tpu.memref_squeeze %dma_wait3A_694 : memref<1x2x4096xf32, #tpu.memory_space<vmem>> -> memref<2x4096xf32, #tpu.memory_space<vmem>>
      %dma_wait3A_696 = arith.constant 0 : i32
      %dma_wait3A_697 = tpu.memref_slice %arg2[%add3A_684, %dma_wait3A_696] : memref<4096x4096xf32, #tpu.memory_space<hbm>> -> memref<2x4096xf32, #tpu.memory_space<hbm>>
      tpu.wait_dma2 semaphore(%arg18 : memref<!tpu.dma_semaphore, #tpu.memory_space<semaphore_mem>>) src(%dma_wait3A_697 : memref<2x4096xf32, #tpu.memory_space<hbm>>) dst(%dma_wait3A_695 : memref<2x4096xf32, #tpu.memory_space<vmem>>)
      %add3A_698 = arith.constant 1 : i32
      %add3A_699 = arith.addi %add3A_681, %add3A_698 : i32
      %mul3A_700 = arith.constant 2 : i32
      %mul3A_701 = arith.muli %add3A_699, %mul3A_700 : i32
      %add3A_702 = arith.addi %mul3A_2, %mul3A_701 : i32
      %dma_start3A_703 = arith.constant 0 : i32
      %dma_start3A_704 = arith.constant 0 : i32
      %dma_start3A_705 = arith.constant 0 : i32
      %dma_start3A_706 = tpu.memref_slice %arg8[%dma_start3A_703, %dma_start3A_704, %dma_start3A_705] : memref<2x2x4096xf32, #tpu.memory_space<vmem>> -> memref<1x2x4096xf32, #tpu.memory_space<vmem>>
      %dma_start3A_707 = tpu.memref_squeeze %dma_start3A_706 : memref<1x2x4096xf32, #tpu.memory_space<vmem>> -> memref<2x4096xf32, #tpu.memory_space<vmem>>
      %dma_start3A_708 = arith.constant 0 : i32
      %dma_start3A_709 = tpu.memref_slice %arg2[%add3A_702, %dma_start3A_708] : memref<4096x4096xf32, #tpu.memory_space<hbm>> -> memref<2x4096xf32, #tpu.memory_space<hbm>>
      %dma_start3A_710 = arith.constant 0 : i32
      %dma_start3A_711 = arith.constant 0 : i32
      %dma_start3A_712 = tpu.memref_slice %arg8[%dma_start3A_703, %dma_start3A_710, %dma_start3A_711] : memref<2x2x4096xf32, #tpu.memory_space<vmem>> -> memref<1x2x4096xf32, #tpu.memory_space<vmem>>
      %dma_start3A_713 = tpu.memref_squeeze %dma_start3A_712 : memref<1x2x4096xf32, #tpu.memory_space<vmem>> -> memref<2x4096xf32, #tpu.memory_space<vmem>>
      %dma_start3A_714 = arith.constant 0 : i32
      %dma_start3A_715 = tpu.memref_slice %arg2[%add3A_702, %dma_start3A_714] : memref<4096x4096xf32, #tpu.memory_space<hbm>> -> memref<2x4096xf32, #tpu.memory_space<hbm>>
      tpu.enqueue_dma source(%dma_start3A_715 : memref<2x4096xf32, #tpu.memory_space<hbm>>) target(%dma_start3A_713 : memref<2x4096xf32, #tpu.memory_space<vmem>>) target_semaphore(%arg17 : memref<!tpu.dma_semaphore, #tpu.memory_space<semaphore_mem>>)
      %sub3A_716 = arith.constant 3 : i32
      %sub3A_717 = arith.subi %add3A_681, %sub3A_716 : i32
      %mul3A_718 = arith.constant 2 : i32
      %mul3A_719 = arith.muli %sub3A_717, %mul3A_718 : i32
      %add3A_720 = arith.addi %mul3A_2, %mul3A_719 : i32
      %add3A_721 = arith.constant 0 : i32
      %add3A_722 = arith.addi %add3A_720, %add3A_721 : i32
      %dma_wait3A_723 = arith.constant 0 : i32
      %dma_wait3A_724 = tpu.memref_slice %arg5[%add3A_722, %dma_wait3A_723] : memref<4096x8192xf32, #tpu.memory_space<hbm>> -> memref<1x8192xf32, #tpu.memory_space<hbm>>
      %dma_wait3A_725 = tpu.memref_squeeze %dma_wait3A_724 : memref<1x8192xf32, #tpu.memory_space<hbm>> -> memref<8192xf32, #tpu.memory_space<hbm>>
      %dma_wait3A_726 = arith.constant 0 : i32
      %dma_wait3A_727 = tpu.memref_slice %arg5[%add3A_722, %dma_wait3A_726] : memref<4096x8192xf32, #tpu.memory_space<hbm>> -> memref<1x8192xf32, #tpu.memory_space<hbm>>
      %dma_wait3A_728 = tpu.memref_squeeze %dma_wait3A_727 : memref<1x8192xf32, #tpu.memory_space<hbm>> -> memref<8192xf32, #tpu.memory_space<hbm>>
      tpu.wait_dma2 semaphore(%arg21 : memref<!tpu.dma_semaphore, #tpu.memory_space<semaphore_mem>>) src(%arg13 : memref<8192xf32, #tpu.memory_space<vmem>>) dst(%dma_wait3A_728 : memref<8192xf32, #tpu.memory_space<hbm>>)
      %mul3A_729 = arith.constant 2 : i32
      %mul3A_730 = arith.muli %sub3A_717, %mul3A_729 : i32
      %add3A_731 = arith.addi %mul3A_2, %mul3A_730 : i32
      %add3A_732 = arith.constant 1 : i32
      %add3A_733 = arith.addi %add3A_731, %add3A_732 : i32
      %dma_wait3A_734 = arith.constant 0 : i32
      %dma_wait3A_735 = tpu.memref_slice %arg5[%add3A_733, %dma_wait3A_734] : memref<4096x8192xf32, #tpu.memory_space<hbm>> -> memref<1x8192xf32, #tpu.memory_space<hbm>>
      %dma_wait3A_736 = tpu.memref_squeeze %dma_wait3A_735 : memref<1x8192xf32, #tpu.memory_space<hbm>> -> memref<8192xf32, #tpu.memory_space<hbm>>
      %dma_wait3A_737 = arith.constant 0 : i32
      %dma_wait3A_738 = tpu.memref_slice %arg5[%add3A_733, %dma_wait3A_737] : memref<4096x8192xf32, #tpu.memory_space<hbm>> -> memref<1x8192xf32, #tpu.memory_space<hbm>>
      %dma_wait3A_739 = tpu.memref_squeeze %dma_wait3A_738 : memref<1x8192xf32, #tpu.memory_space<hbm>> -> memref<8192xf32, #tpu.memory_space<hbm>>
      tpu.wait_dma2 semaphore(%arg21 : memref<!tpu.dma_semaphore, #tpu.memory_space<semaphore_mem>>) src(%arg14 : memref<8192xf32, #tpu.memory_space<vmem>>) dst(%dma_wait3A_739 : memref<8192xf32, #tpu.memory_space<hbm>>)
      %parallel_loop3A_740 = arith.constant 0 : i32
      %parallel_loop3A_741 = arith.constant 256 : i32
      %parallel_loop3A_742 = arith.constant 1 : i32
      scf.for %parallel_loop3A_939 = %parallel_loop3A_740 to %parallel_loop3A_741 step %parallel_loop3A_742  : i32 {
        %parallel_loop3A_940 = arith.constant 16 : i32
        %parallel_loop3A_941 = arith.muli %parallel_loop3A_939, %parallel_loop3A_940 : i32
        %parallel_loop3A_942 = arith.index_cast %parallel_loop3A_941 : i32 to index
        %parallel_loop3A_943 = tpu.vector_load %arg6[%parallel_loop3A_942] {strides = array<i32>} : memref<4096xi32, #tpu.memory_space<vmem>>, vector<16xi32>,
        %parallel_loop3A_944 = arith.index_cast %parallel_loop3A_941 : i32 to index
        %parallel_loop3A_945 = tpu.vector_load %arg7[%parallel_loop3A_944] {strides = array<i32>} : memref<4096xf32, #tpu.memory_space<vmem>>, vector<16xf32>,
        %parallel_loop3A_946 = arith.constant 1 : i32
        %parallel_loop3A_947 = arith.constant 0 : i32
        %parallel_loop3A_948 = arith.index_cast %parallel_loop3A_946 : i32 to index
        %parallel_loop3A_949 = arith.index_cast %parallel_loop3A_947 : i32 to index
        %parallel_loop3A_950 = arith.index_cast %parallel_loop3A_941 : i32 to index
        %parallel_loop3A_951 = tpu.vector_load %arg8[%parallel_loop3A_948, %parallel_loop3A_949, %parallel_loop3A_950] {strides = array<i32>} : memref<2x2x4096xf32, #tpu.memory_space<vmem>>, vector<16xf32>,
        %parallel_loop3A_952 = arith.mulf %parallel_loop3A_951, %parallel_loop3A_945 : vector<16xf32>
        tpu.vector_store_idx %arg11[%parallel_loop3A_943], %parallel_loop3A_952 {add = true} : memref<8192xf32, #tpu.memory_space<vmem>>[vector<16xi32>], vector<16xf32>,
        %parallel_loop3A_953 = arith.constant 1 : i32
        %parallel_loop3A_954 = arith.constant 1 : i32
        %parallel_loop3A_955 = arith.index_cast %parallel_loop3A_953 : i32 to index
        %parallel_loop3A_956 = arith.index_cast %parallel_loop3A_954 : i32 to index
        %parallel_loop3A_957 = arith.index_cast %parallel_loop3A_941 : i32 to index
        %parallel_loop3A_958 = tpu.vector_load %arg8[%parallel_loop3A_955, %parallel_loop3A_956, %parallel_loop3A_957] {strides = array<i32>} : memref<2x2x4096xf32, #tpu.memory_space<vmem>>, vector<16xf32>,
        %parallel_loop3A_959 = arith.mulf %parallel_loop3A_958, %parallel_loop3A_945 : vector<16xf32>
        tpu.vector_store_idx %arg12[%parallel_loop3A_943], %parallel_loop3A_959 {add = true} : memref<8192xf32, #tpu.memory_space<vmem>>[vector<16xi32>], vector<16xf32>,
        tpu.vector_store_idx %arg13[%parallel_loop3A_943], %broadcast_in_dim3A_15 : memref<8192xf32, #tpu.memory_space<vmem>>[vector<16xi32>], vector<16xf32>,
        tpu.vector_store_idx %arg14[%parallel_loop3A_943], %broadcast_in_dim3A_15 : memref<8192xf32, #tpu.memory_space<vmem>>[vector<16xi32>], vector<16xf32>,
      } {sc.loop_unroll_factor = 4 : i64, sc.parallel_access}
      %mul3A_743 = arith.constant 2 : i32
      %mul3A_744 = arith.muli %add3A_681, %mul3A_743 : i32
      %add3A_745 = arith.addi %mul3A_2, %mul3A_744 : i32
      %add3A_746 = arith.constant 0 : i32
      %add3A_747 = arith.addi %add3A_745, %add3A_746 : i32
      %dma_start3A_748 = arith.constant 0 : i32
      %dma_start3A_749 = tpu.memref_slice %arg5[%add3A_747, %dma_start3A_748] : memref<4096x8192xf32, #tpu.memory_space<hbm>> -> memref<1x8192xf32, #tpu.memory_space<hbm>>
      %dma_start3A_750 = tpu.memref_squeeze %dma_start3A_749 : memref<1x8192xf32, #tpu.memory_space<hbm>> -> memref<8192xf32, #tpu.memory_space<hbm>>
      %dma_start3A_751 = arith.constant 0 : i32
      %dma_start3A_752 = tpu.memref_slice %arg5[%add3A_747, %dma_start3A_751] : memref<4096x8192xf32, #tpu.memory_space<hbm>> -> memref<1x8192xf32, #tpu.memory_space<hbm>>
      %dma_start3A_753 = tpu.memref_squeeze %dma_start3A_752 : memref<1x8192xf32, #tpu.memory_space<hbm>> -> memref<8192xf32, #tpu.memory_space<hbm>>
      tpu.enqueue_dma source(%arg11 : memref<8192xf32, #tpu.memory_space<vmem>>) target(%dma_start3A_753 : memref<8192xf32, #tpu.memory_space<hbm>>) target_semaphore(%arg20 : memref<!tpu.dma_semaphore, #tpu.memory_space<semaphore_mem>>)
      %mul3A_754 = arith.constant 2 : i32
      %mul3A_755 = arith.muli %add3A_681, %mul3A_754 : i32
      %add3A_756 = arith.addi %mul3A_2, %mul3A_755 : i32
      %add3A_757 = arith.constant 1 : i32
      %add3A_758 = arith.addi %add3A_756, %add3A_757 : i32
      %dma_start3A_759 = arith.constant 0 : i32
      %dma_start3A_760 = tpu.memref_slice %arg5[%add3A_758, %dma_start3A_759] : memref<4096x8192xf32, #tpu.memory_space<hbm>> -> memref<1x8192xf32, #tpu.memory_space<hbm>>
      %dma_start3A_761 = tpu.memref_squeeze %dma_start3A_760 : memref<1x8192xf32, #tpu.memory_space<hbm>> -> memref<8192xf32, #tpu.memory_space<hbm>>
      %dma_start3A_762 = arith.constant 0 : i32
      %dma_start3A_763 = tpu.memref_slice %arg5[%add3A_758, %dma_start3A_762] : memref<4096x8192xf32, #tpu.memory_space<hbm>> -> memref<1x8192xf32, #tpu.memory_space<hbm>>
      %dma_start3A_764 = tpu.memref_squeeze %dma_start3A_763 : memref<1x8192xf32, #tpu.memory_space<hbm>> -> memref<8192xf32, #tpu.memory_space<hbm>>
      tpu.enqueue_dma source(%arg12 : memref<8192xf32, #tpu.memory_space<vmem>>) target(%dma_start3A_764 : memref<8192xf32, #tpu.memory_space<hbm>>) target_semaphore(%arg20 : memref<!tpu.dma_semaphore, #tpu.memory_space<semaphore_mem>>)
      %mul3A_765 = arith.constant 4 : i32
      %mul3A_766 = arith.muli %scan3A_591, %mul3A_765 : i32
      %add3A_767 = arith.constant 2 : i32
      %add3A_768 = arith.addi %mul3A_766, %add3A_767 : i32
      %mul3A_769 = arith.constant 2 : i32
      %mul3A_770 = arith.muli %add3A_768, %mul3A_769 : i32
      %add3A_771 = arith.addi %mul3A_2, %mul3A_770 : i32
      %dma_wait3A_772 = arith.constant 0 : i32
      %dma_wait3A_773 = arith.constant 0 : i32
      %dma_wait3A_774 = arith.constant 0 : i32
      %dma_wait3A_775 = tpu.memref_slice %arg8[%dma_wait3A_772, %dma_wait3A_773, %dma_wait3A_774] : memref<2x2x4096xf32, #tpu.memory_space<vmem>> -> memref<1x2x4096xf32, #tpu.memory_space<vmem>>
      %dma_wait3A_776 = tpu.memref_squeeze %dma_wait3A_775 : memref<1x2x4096xf32, #tpu.memory_space<vmem>> -> memref<2x4096xf32, #tpu.memory_space<vmem>>
      %dma_wait3A_777 = arith.constant 0 : i32
      %dma_wait3A_778 = tpu.memref_slice %arg2[%add3A_771, %dma_wait3A_777] : memref<4096x4096xf32, #tpu.memory_space<hbm>> -> memref<2x4096xf32, #tpu.memory_space<hbm>>
      %dma_wait3A_779 = arith.constant 0 : i32
      %dma_wait3A_780 = arith.constant 0 : i32
      %dma_wait3A_781 = tpu.memref_slice %arg8[%dma_wait3A_772, %dma_wait3A_779, %dma_wait3A_780] : memref<2x2x4096xf32, #tpu.memory_space<vmem>> -> memref<1x2x4096xf32, #tpu.memory_space<vmem>>
      %dma_wait3A_782 = tpu.memref_squeeze %dma_wait3A_781 : memref<1x2x4096xf32, #tpu.memory_space<vmem>> -> memref<2x4096xf32, #tpu.memory_space<vmem>>
      %dma_wait3A_783 = arith.constant 0 : i32
      %dma_wait3A_784 = tpu.memref_slice %arg2[%add3A_771, %dma_wait3A_783] : memref<4096x4096xf32, #tpu.memory_space<hbm>> -> memref<2x4096xf32, #tpu.memory_space<hbm>>
      tpu.wait_dma2 semaphore(%arg17 : memref<!tpu.dma_semaphore, #tpu.memory_space<semaphore_mem>>) src(%dma_wait3A_784 : memref<2x4096xf32, #tpu.memory_space<hbm>>) dst(%dma_wait3A_782 : memref<2x4096xf32, #tpu.memory_space<vmem>>)
      %add3A_785 = arith.constant 1 : i32
      %add3A_786 = arith.addi %add3A_768, %add3A_785 : i32
      %mul3A_787 = arith.constant 2 : i32
      %mul3A_788 = arith.muli %add3A_786, %mul3A_787 : i32
      %add3A_789 = arith.addi %mul3A_2, %mul3A_788 : i32
      %dma_start3A_790 = arith.constant 1 : i32
      %dma_start3A_791 = arith.constant 0 : i32
      %dma_start3A_792 = arith.constant 0 : i32
      %dma_start3A_793 = tpu.memref_slice %arg8[%dma_start3A_790, %dma_start3A_791, %dma_start3A_792] : memref<2x2x4096xf32, #tpu.memory_space<vmem>> -> memref<1x2x4096xf32, #tpu.memory_space<vmem>>
      %dma_start3A_794 = tpu.memref_squeeze %dma_start3A_793 : memref<1x2x4096xf32, #tpu.memory_space<vmem>> -> memref<2x4096xf32, #tpu.memory_space<vmem>>
      %dma_start3A_795 = arith.constant 0 : i32
      %dma_start3A_796 = tpu.memref_slice %arg2[%add3A_789, %dma_start3A_795] : memref<4096x4096xf32, #tpu.memory_space<hbm>> -> memref<2x4096xf32, #tpu.memory_space<hbm>>
      %dma_start3A_797 = arith.constant 0 : i32
      %dma_start3A_798 = arith.constant 0 : i32
      %dma_start3A_799 = tpu.memref_slice %arg8[%dma_start3A_790, %dma_start3A_797, %dma_start3A_798] : memref<2x2x4096xf32, #tpu.memory_space<vmem>> -> memref<1x2x4096xf32, #tpu.memory_space<vmem>>
      %dma_start3A_800 = tpu.memref_squeeze %dma_start3A_799 : memref<1x2x4096xf32, #tpu.memory_space<vmem>> -> memref<2x4096xf32, #tpu.memory_space<vmem>>
      %dma_start3A_801 = arith.constant 0 : i32
      %dma_start3A_802 = tpu.memref_slice %arg2[%add3A_789, %dma_start3A_801] : memref<4096x4096xf32, #tpu.memory_space<hbm>> -> memref<2x4096xf32, #tpu.memory_space<hbm>>
      tpu.enqueue_dma source(%dma_start3A_802 : memref<2x4096xf32, #tpu.memory_space<hbm>>) target(%dma_start3A_800 : memref<2x4096xf32, #tpu.memory_space<vmem>>) target_semaphore(%arg18 : memref<!tpu.dma_semaphore, #tpu.memory_space<semaphore_mem>>)
      %sub3A_803 = arith.constant 3 : i32
      %sub3A_804 = arith.subi %add3A_768, %sub3A_803 : i32
      %mul3A_805 = arith.constant 2 : i32
      %mul3A_806 = arith.muli %sub3A_804, %mul3A_805 : i32
      %add3A_807 = arith.addi %mul3A_2, %mul3A_806 : i32
      %add3A_808 = arith.constant 0 : i32
      %add3A_809 = arith.addi %add3A_807, %add3A_808 : i32
      %dma_wait3A_810 = arith.constant 0 : i32
      %dma_wait3A_811 = tpu.memref_slice %arg5[%add3A_809, %dma_wait3A_810] : memref<4096x8192xf32, #tpu.memory_space<hbm>> -> memref<1x8192xf32, #tpu.memory_space<hbm>>
      %dma_wait3A_812 = tpu.memref_squeeze %dma_wait3A_811 : memref<1x8192xf32, #tpu.memory_space<hbm>> -> memref<8192xf32, #tpu.memory_space<hbm>>
      %dma_wait3A_813 = arith.constant 0 : i32
      %dma_wait3A_814 = tpu.memref_slice %arg5[%add3A_809, %dma_wait3A_813] : memref<4096x8192xf32, #tpu.memory_space<hbm>> -> memref<1x8192xf32, #tpu.memory_space<hbm>>
      %dma_wait3A_815 = tpu.memref_squeeze %dma_wait3A_814 : memref<1x8192xf32, #tpu.memory_space<hbm>> -> memref<8192xf32, #tpu.memory_space<hbm>>
      tpu.wait_dma2 semaphore(%arg22 : memref<!tpu.dma_semaphore, #tpu.memory_space<semaphore_mem>>) src(%arg15 : memref<8192xf32, #tpu.memory_space<vmem>>) dst(%dma_wait3A_815 : memref<8192xf32, #tpu.memory_space<hbm>>)
      %mul3A_816 = arith.constant 2 : i32
      %mul3A_817 = arith.muli %sub3A_804, %mul3A_816 : i32
      %add3A_818 = arith.addi %mul3A_2, %mul3A_817 : i32
      %add3A_819 = arith.constant 1 : i32
      %add3A_820 = arith.addi %add3A_818, %add3A_819 : i32
      %dma_wait3A_821 = arith.constant 0 : i32
      %dma_wait3A_822 = tpu.memref_slice %arg5[%add3A_820, %dma_wait3A_821] : memref<4096x8192xf32, #tpu.memory_space<hbm>> -> memref<1x8192xf32, #tpu.memory_space<hbm>>
      %dma_wait3A_823 = tpu.memref_squeeze %dma_wait3A_822 : memref<1x8192xf32, #tpu.memory_space<hbm>> -> memref<8192xf32, #tpu.memory_space<hbm>>
      %dma_wait3A_824 = arith.constant 0 : i32
      %dma_wait3A_825 = tpu.memref_slice %arg5[%add3A_820, %dma_wait3A_824] : memref<4096x8192xf32, #tpu.memory_space<hbm>> -> memref<1x8192xf32, #tpu.memory_space<hbm>>
      %dma_wait3A_826 = tpu.memref_squeeze %dma_wait3A_825 : memref<1x8192xf32, #tpu.memory_space<hbm>> -> memref<8192xf32, #tpu.memory_space<hbm>>
      tpu.wait_dma2 semaphore(%arg22 : memref<!tpu.dma_semaphore, #tpu.memory_space<semaphore_mem>>) src(%arg16 : memref<8192xf32, #tpu.memory_space<vmem>>) dst(%dma_wait3A_826 : memref<8192xf32, #tpu.memory_space<hbm>>)
      %parallel_loop3A_827 = arith.constant 0 : i32
      %parallel_loop3A_828 = arith.constant 256 : i32
      %parallel_loop3A_829 = arith.constant 1 : i32
      scf.for %parallel_loop3A_939 = %parallel_loop3A_827 to %parallel_loop3A_828 step %parallel_loop3A_829  : i32 {
        %parallel_loop3A_940 = arith.constant 16 : i32
        %parallel_loop3A_941 = arith.muli %parallel_loop3A_939, %parallel_loop3A_940 : i32
        %parallel_loop3A_942 = arith.index_cast %parallel_loop3A_941 : i32 to index
        %parallel_loop3A_943 = tpu.vector_load %arg6[%parallel_loop3A_942] {strides = array<i32>} : memref<4096xi32, #tpu.memory_space<vmem>>, vector<16xi32>,
        %parallel_loop3A_944 = arith.index_cast %parallel_loop3A_941 : i32 to index
        %parallel_loop3A_945 = tpu.vector_load %arg7[%parallel_loop3A_944] {strides = array<i32>} : memref<4096xf32, #tpu.memory_space<vmem>>, vector<16xf32>,
        %parallel_loop3A_946 = arith.constant 0 : i32
        %parallel_loop3A_947 = arith.constant 0 : i32
        %parallel_loop3A_948 = arith.index_cast %parallel_loop3A_946 : i32 to index
        %parallel_loop3A_949 = arith.index_cast %parallel_loop3A_947 : i32 to index
        %parallel_loop3A_950 = arith.index_cast %parallel_loop3A_941 : i32 to index
        %parallel_loop3A_951 = tpu.vector_load %arg8[%parallel_loop3A_948, %parallel_loop3A_949, %parallel_loop3A_950] {strides = array<i32>} : memref<2x2x4096xf32, #tpu.memory_space<vmem>>, vector<16xf32>,
        %parallel_loop3A_952 = arith.mulf %parallel_loop3A_951, %parallel_loop3A_945 : vector<16xf32>
        tpu.vector_store_idx %arg13[%parallel_loop3A_943], %parallel_loop3A_952 {add = true} : memref<8192xf32, #tpu.memory_space<vmem>>[vector<16xi32>], vector<16xf32>,
        %parallel_loop3A_953 = arith.constant 0 : i32
        %parallel_loop3A_954 = arith.constant 1 : i32
        %parallel_loop3A_955 = arith.index_cast %parallel_loop3A_953 : i32 to index
        %parallel_loop3A_956 = arith.index_cast %parallel_loop3A_954 : i32 to index
        %parallel_loop3A_957 = arith.index_cast %parallel_loop3A_941 : i32 to index
        %parallel_loop3A_958 = tpu.vector_load %arg8[%parallel_loop3A_955, %parallel_loop3A_956, %parallel_loop3A_957] {strides = array<i32>} : memref<2x2x4096xf32, #tpu.memory_space<vmem>>, vector<16xf32>,
        %parallel_loop3A_959 = arith.mulf %parallel_loop3A_958, %parallel_loop3A_945 : vector<16xf32>
        tpu.vector_store_idx %arg14[%parallel_loop3A_943], %parallel_loop3A_959 {add = true} : memref<8192xf32, #tpu.memory_space<vmem>>[vector<16xi32>], vector<16xf32>,
        tpu.vector_store_idx %arg15[%parallel_loop3A_943], %broadcast_in_dim3A_15 : memref<8192xf32, #tpu.memory_space<vmem>>[vector<16xi32>], vector<16xf32>,
        tpu.vector_store_idx %arg16[%parallel_loop3A_943], %broadcast_in_dim3A_15 : memref<8192xf32, #tpu.memory_space<vmem>>[vector<16xi32>], vector<16xf32>,
      } {sc.loop_unroll_factor = 4 : i64, sc.parallel_access}
      %mul3A_830 = arith.constant 2 : i32
      %mul3A_831 = arith.muli %add3A_768, %mul3A_830 : i32
      %add3A_832 = arith.addi %mul3A_2, %mul3A_831 : i32
      %add3A_833 = arith.constant 0 : i32
      %add3A_834 = arith.addi %add3A_832, %add3A_833 : i32
      %dma_start3A_835 = arith.constant 0 : i32
      %dma_start3A_836 = tpu.memref_slice %arg5[%add3A_834, %dma_start3A_835] : memref<4096x8192xf32, #tpu.memory_space<hbm>> -> memref<1x8192xf32, #tpu.memory_space<hbm>>
      %dma_start3A_837 = tpu.memref_squeeze %dma_start3A_836 : memref<1x8192xf32, #tpu.memory_space<hbm>> -> memref<8192xf32, #tpu.memory_space<hbm>>
      %dma_start3A_838 = arith.constant 0 : i32
      %dma_start3A_839 = tpu.memref_slice %arg5[%add3A_834, %dma_start3A_838] : memref<4096x8192xf32, #tpu.memory_space<hbm>> -> memref<1x8192xf32, #tpu.memory_space<hbm>>
      %dma_start3A_840 = tpu.memref_squeeze %dma_start3A_839 : memref<1x8192xf32, #tpu.memory_space<hbm>> -> memref<8192xf32, #tpu.memory_space<hbm>>
      tpu.enqueue_dma source(%arg13 : memref<8192xf32, #tpu.memory_space<vmem>>) target(%dma_start3A_840 : memref<8192xf32, #tpu.memory_space<hbm>>) target_semaphore(%arg21 : memref<!tpu.dma_semaphore, #tpu.memory_space<semaphore_mem>>)
      %mul3A_841 = arith.constant 2 : i32
      %mul3A_842 = arith.muli %add3A_768, %mul3A_841 : i32
      %add3A_843 = arith.addi %mul3A_2, %mul3A_842 : i32
      %add3A_844 = arith.constant 1 : i32
      %add3A_845 = arith.addi %add3A_843, %add3A_844 : i32
      %dma_start3A_846 = arith.constant 0 : i32
      %dma_start3A_847 = tpu.memref_slice %arg5[%add3A_845, %dma_start3A_846] : memref<4096x8192xf32, #tpu.memory_space<hbm>> -> memref<1x8192xf32, #tpu.memory_space<hbm>>
      %dma_start3A_848 = tpu.memref_squeeze %dma_start3A_847 : memref<1x8192xf32, #tpu.memory_space<hbm>> -> memref<8192xf32, #tpu.memory_space<hbm>>
      %dma_start3A_849 = arith.constant 0 : i32
      %dma_start3A_850 = tpu.memref_slice %arg5[%add3A_845, %dma_start3A_849] : memref<4096x8192xf32, #tpu.memory_space<hbm>> -> memref<1x8192xf32, #tpu.memory_space<hbm>>
      %dma_start3A_851 = tpu.memref_squeeze %dma_start3A_850 : memref<1x8192xf32, #tpu.memory_space<hbm>> -> memref<8192xf32, #tpu.memory_space<hbm>>
      tpu.enqueue_dma source(%arg14 : memref<8192xf32, #tpu.memory_space<vmem>>) target(%dma_start3A_851 : memref<8192xf32, #tpu.memory_space<hbm>>) target_semaphore(%arg21 : memref<!tpu.dma_semaphore, #tpu.memory_space<semaphore_mem>>)
      %mul3A_852 = arith.constant 4 : i32
      %mul3A_853 = arith.muli %scan3A_591, %mul3A_852 : i32
      %add3A_854 = arith.constant 3 : i32
      %add3A_855 = arith.addi %mul3A_853, %add3A_854 : i32
      %mul3A_856 = arith.constant 2 : i32
      %mul3A_857 = arith.muli %add3A_855, %mul3A_856 : i32
      %add3A_858 = arith.addi %mul3A_2, %mul3A_857 : i32
      %dma_wait3A_859 = arith.constant 1 : i32
      %dma_wait3A_860 = arith.constant 0 : i32
      %dma_wait3A_861 = arith.constant 0 : i32
      %dma_wait3A_862 = tpu.memref_slice %arg8[%dma_wait3A_859, %dma_wait3A_860, %dma_wait3A_861] : memref<2x2x4096xf32, #tpu.memory_space<vmem>> -> memref<1x2x4096xf32, #tpu.memory_space<vmem>>
      %dma_wait3A_863 = tpu.memref_squeeze %dma_wait3A_862 : memref<1x2x4096xf32, #tpu.memory_space<vmem>> -> memref<2x4096xf32, #tpu.memory_space<vmem>>
      %dma_wait3A_864 = arith.constant 0 : i32
      %dma_wait3A_865 = tpu.memref_slice %arg2[%add3A_858, %dma_wait3A_864] : memref<4096x4096xf32, #tpu.memory_space<hbm>> -> memref<2x4096xf32, #tpu.memory_space<hbm>>
      %dma_wait3A_866 = arith.constant 0 : i32
      %dma_wait3A_867 = arith.constant 0 : i32
      %dma_wait3A_868 = tpu.memref_slice %arg8[%dma_wait3A_859, %dma_wait3A_866, %dma_wait3A_867] : memref<2x2x4096xf32, #tpu.memory_space<vmem>> -> memref<1x2x4096xf32, #tpu.memory_space<vmem>>
      %dma_wait3A_869 = tpu.memref_squeeze %dma_wait3A_868 : memref<1x2x4096xf32, #tpu.memory_space<vmem>> -> memref<2x4096xf32, #tpu.memory_space<vmem>>
      %dma_wait3A_870 = arith.constant 0 : i32
      %dma_wait3A_871 = tpu.memref_slice %arg2[%add3A_858, %dma_wait3A_870] : memref<4096x4096xf32, #tpu.memory_space<hbm>> -> memref<2x4096xf32, #tpu.memory_space<hbm>>
      tpu.wait_dma2 semaphore(%arg18 : memref<!tpu.dma_semaphore, #tpu.memory_space<semaphore_mem>>) src(%dma_wait3A_871 : memref<2x4096xf32, #tpu.memory_space<hbm>>) dst(%dma_wait3A_869 : memref<2x4096xf32, #tpu.memory_space<vmem>>)
      %add3A_872 = arith.constant 1 : i32
      %add3A_873 = arith.addi %add3A_855, %add3A_872 : i32
      %mul3A_874 = arith.constant 2 : i32
      %mul3A_875 = arith.muli %add3A_873, %mul3A_874 : i32
      %add3A_876 = arith.addi %mul3A_2, %mul3A_875 : i32
      %dma_start3A_877 = arith.constant 0 : i32
      %dma_start3A_878 = arith.constant 0 : i32
      %dma_start3A_879 = arith.constant 0 : i32
      %dma_start3A_880 = tpu.memref_slice %arg8[%dma_start3A_877, %dma_start3A_878, %dma_start3A_879] : memref<2x2x4096xf32, #tpu.memory_space<vmem>> -> memref<1x2x4096xf32, #tpu.memory_space<vmem>>
      %dma_start3A_881 = tpu.memref_squeeze %dma_start3A_880 : memref<1x2x4096xf32, #tpu.memory_space<vmem>> -> memref<2x4096xf32, #tpu.memory_space<vmem>>
      %dma_start3A_882 = arith.constant 0 : i32
      %dma_start3A_883 = tpu.memref_slice %arg2[%add3A_876, %dma_start3A_882] : memref<4096x4096xf32, #tpu.memory_space<hbm>> -> memref<2x4096xf32, #tpu.memory_space<hbm>>
      %dma_start3A_884 = arith.constant 0 : i32
      %dma_start3A_885 = arith.constant 0 : i32
      %dma_start3A_886 = tpu.memref_slice %arg8[%dma_start3A_877, %dma_start3A_884, %dma_start3A_885] : memref<2x2x4096xf32, #tpu.memory_space<vmem>> -> memref<1x2x4096xf32, #tpu.memory_space<vmem>>
      %dma_start3A_887 = tpu.memref_squeeze %dma_start3A_886 : memref<1x2x4096xf32, #tpu.memory_space<vmem>> -> memref<2x4096xf32, #tpu.memory_space<vmem>>
      %dma_start3A_888 = arith.constant 0 : i32
      %dma_start3A_889 = tpu.memref_slice %arg2[%add3A_876, %dma_start3A_888] : memref<4096x4096xf32, #tpu.memory_space<hbm>> -> memref<2x4096xf32, #tpu.memory_space<hbm>>
      tpu.enqueue_dma source(%dma_start3A_889 : memref<2x4096xf32, #tpu.memory_space<hbm>>) target(%dma_start3A_887 : memref<2x4096xf32, #tpu.memory_space<vmem>>) target_semaphore(%arg17 : memref<!tpu.dma_semaphore, #tpu.memory_space<semaphore_mem>>)
      %sub3A_890 = arith.constant 3 : i32
      %sub3A_891 = arith.subi %add3A_855, %sub3A_890 : i32
      %mul3A_892 = arith.constant 2 : i32
      %mul3A_893 = arith.muli %sub3A_891, %mul3A_892 : i32
      %add3A_894 = arith.addi %mul3A_2, %mul3A_893 : i32
      %add3A_895 = arith.constant 0 : i32
      %add3A_896 = arith.addi %add3A_894, %add3A_895 : i32
      %dma_wait3A_897 = arith.constant 0 : i32
      %dma_wait3A_898 = tpu.memref_slice %arg5[%add3A_896, %dma_wait3A_897] : memref<4096x8192xf32, #tpu.memory_space<hbm>> -> memref<1x8192xf32, #tpu.memory_space<hbm>>
      %dma_wait3A_899 = tpu.memref_squeeze %dma_wait3A_898 : memref<1x8192xf32, #tpu.memory_space<hbm>> -> memref<8192xf32, #tpu.memory_space<hbm>>
      %dma_wait3A_900 = arith.constant 0 : i32
      %dma_wait3A_901 = tpu.memref_slice %arg5[%add3A_896, %dma_wait3A_900] : memref<4096x8192xf32, #tpu.memory_space<hbm>> -> memref<1x8192xf32, #tpu.memory_space<hbm>>
      %dma_wait3A_902 = tpu.memref_squeeze %dma_wait3A_901 : memref<1x8192xf32, #tpu.memory_space<hbm>> -> memref<8192xf32, #tpu.memory_space<hbm>>
      tpu.wait_dma2 semaphore(%arg19 : memref<!tpu.dma_semaphore, #tpu.memory_space<semaphore_mem>>) src(%arg9 : memref<8192xf32, #tpu.memory_space<vmem>>) dst(%dma_wait3A_902 : memref<8192xf32, #tpu.memory_space<hbm>>)
      %mul3A_903 = arith.constant 2 : i32
      %mul3A_904 = arith.muli %sub3A_891, %mul3A_903 : i32
      %add3A_905 = arith.addi %mul3A_2, %mul3A_904 : i32
      %add3A_906 = arith.constant 1 : i32
      %add3A_907 = arith.addi %add3A_905, %add3A_906 : i32
      %dma_wait3A_908 = arith.constant 0 : i32
      %dma_wait3A_909 = tpu.memref_slice %arg5[%add3A_907, %dma_wait3A_908] : memref<4096x8192xf32, #tpu.memory_space<hbm>> -> memref<1x8192xf32, #tpu.memory_space<hbm>>
      %dma_wait3A_910 = tpu.memref_squeeze %dma_wait3A_909 : memref<1x8192xf32, #tpu.memory_space<hbm>> -> memref<8192xf32, #tpu.memory_space<hbm>>
      %dma_wait3A_911 = arith.constant 0 : i32
      %dma_wait3A_912 = tpu.memref_slice %arg5[%add3A_907, %dma_wait3A_911] : memref<4096x8192xf32, #tpu.memory_space<hbm>> -> memref<1x8192xf32, #tpu.memory_space<hbm>>
      %dma_wait3A_913 = tpu.memref_squeeze %dma_wait3A_912 : memref<1x8192xf32, #tpu.memory_space<hbm>> -> memref<8192xf32, #tpu.memory_space<hbm>>
      tpu.wait_dma2 semaphore(%arg19 : memref<!tpu.dma_semaphore, #tpu.memory_space<semaphore_mem>>) src(%arg10 : memref<8192xf32, #tpu.memory_space<vmem>>) dst(%dma_wait3A_913 : memref<8192xf32, #tpu.memory_space<hbm>>)
      %parallel_loop3A_914 = arith.constant 0 : i32
      %parallel_loop3A_915 = arith.constant 256 : i32
      %parallel_loop3A_916 = arith.constant 1 : i32
      scf.for %parallel_loop3A_939 = %parallel_loop3A_914 to %parallel_loop3A_915 step %parallel_loop3A_916  : i32 {
        %parallel_loop3A_940 = arith.constant 16 : i32
        %parallel_loop3A_941 = arith.muli %parallel_loop3A_939, %parallel_loop3A_940 : i32
        %parallel_loop3A_942 = arith.index_cast %parallel_loop3A_941 : i32 to index
        %parallel_loop3A_943 = tpu.vector_load %arg6[%parallel_loop3A_942] {strides = array<i32>} : memref<4096xi32, #tpu.memory_space<vmem>>, vector<16xi32>,
        %parallel_loop3A_944 = arith.index_cast %parallel_loop3A_941 : i32 to index
        %parallel_loop3A_945 = tpu.vector_load %arg7[%parallel_loop3A_944] {strides = array<i32>} : memref<4096xf32, #tpu.memory_space<vmem>>, vector<16xf32>,
        %parallel_loop3A_946 = arith.constant 1 : i32
        %parallel_loop3A_947 = arith.constant 0 : i32
        %parallel_loop3A_948 = arith.index_cast %parallel_loop3A_946 : i32 to index
        %parallel_loop3A_949 = arith.index_cast %parallel_loop3A_947 : i32 to index
        %parallel_loop3A_950 = arith.index_cast %parallel_loop3A_941 : i32 to index
        %parallel_loop3A_951 = tpu.vector_load %arg8[%parallel_loop3A_948, %parallel_loop3A_949, %parallel_loop3A_950] {strides = array<i32>} : memref<2x2x4096xf32, #tpu.memory_space<vmem>>, vector<16xf32>,
        %parallel_loop3A_952 = arith.mulf %parallel_loop3A_951, %parallel_loop3A_945 : vector<16xf32>
        tpu.vector_store_idx %arg15[%parallel_loop3A_943], %parallel_loop3A_952 {add = true} : memref<8192xf32, #tpu.memory_space<vmem>>[vector<16xi32>], vector<16xf32>,
        %parallel_loop3A_953 = arith.constant 1 : i32
        %parallel_loop3A_954 = arith.constant 1 : i32
        %parallel_loop3A_955 = arith.index_cast %parallel_loop3A_953 : i32 to index
        %parallel_loop3A_956 = arith.index_cast %parallel_loop3A_954 : i32 to index
        %parallel_loop3A_957 = arith.index_cast %parallel_loop3A_941 : i32 to index
        %parallel_loop3A_958 = tpu.vector_load %arg8[%parallel_loop3A_955, %parallel_loop3A_956, %parallel_loop3A_957] {strides = array<i32>} : memref<2x2x4096xf32, #tpu.memory_space<vmem>>, vector<16xf32>,
        %parallel_loop3A_959 = arith.mulf %parallel_loop3A_958, %parallel_loop3A_945 : vector<16xf32>
        tpu.vector_store_idx %arg16[%parallel_loop3A_943], %parallel_loop3A_959 {add = true} : memref<8192xf32, #tpu.memory_space<vmem>>[vector<16xi32>], vector<16xf32>,
        tpu.vector_store_idx %arg9[%parallel_loop3A_943], %broadcast_in_dim3A_15 : memref<8192xf32, #tpu.memory_space<vmem>>[vector<16xi32>], vector<16xf32>,
        tpu.vector_store_idx %arg10[%parallel_loop3A_943], %broadcast_in_dim3A_15 : memref<8192xf32, #tpu.memory_space<vmem>>[vector<16xi32>], vector<16xf32>,
      } {sc.loop_unroll_factor = 4 : i64, sc.parallel_access}
      %mul3A_917 = arith.constant 2 : i32
      %mul3A_918 = arith.muli %add3A_855, %mul3A_917 : i32
      %add3A_919 = arith.addi %mul3A_2, %mul3A_918 : i32
      %add3A_920 = arith.constant 0 : i32
      %add3A_921 = arith.addi %add3A_919, %add3A_920 : i32
      %dma_start3A_922 = arith.constant 0 : i32
      %dma_start3A_923 = tpu.memref_slice %arg5[%add3A_921, %dma_start3A_922] : memref<4096x8192xf32, #tpu.memory_space<hbm>> -> memref<1x8192xf32, #tpu.memory_space<hbm>>
      %dma_start3A_924 = tpu.memref_squeeze %dma_start3A_923 : memref<1x8192xf32, #tpu.memory_space<hbm>> -> memref<8192xf32, #tpu.memory_space<hbm>>
      %dma_start3A_925 = arith.constant 0 : i32
      %dma_start3A_926 = tpu.memref_slice %arg5[%add3A_921, %dma_start3A_925] : memref<4096x8192xf32, #tpu.memory_space<hbm>> -> memref<1x8192xf32, #tpu.memory_space<hbm>>
      %dma_start3A_927 = tpu.memref_squeeze %dma_start3A_926 : memref<1x8192xf32, #tpu.memory_space<hbm>> -> memref<8192xf32, #tpu.memory_space<hbm>>
      tpu.enqueue_dma source(%arg15 : memref<8192xf32, #tpu.memory_space<vmem>>) target(%dma_start3A_927 : memref<8192xf32, #tpu.memory_space<hbm>>) target_semaphore(%arg22 : memref<!tpu.dma_semaphore, #tpu.memory_space<semaphore_mem>>)
      %mul3A_928 = arith.constant 2 : i32
      %mul3A_929 = arith.muli %add3A_855, %mul3A_928 : i32
      %add3A_930 = arith.addi %mul3A_2, %mul3A_929 : i32
      %add3A_931 = arith.constant 1 : i32
      %add3A_932 = arith.addi %add3A_930, %add3A_931 : i32
      %dma_start3A_933 = arith.constant 0 : i32
      %dma_start3A_934 = tpu.memref_slice %arg5[%add3A_932, %dma_start3A_933] : memref<4096x8192xf32, #tpu.memory_space<hbm>> -> memref<1x8192xf32, #tpu.memory_space<hbm>>
      %dma_start3A_935 = tpu.memref_squeeze %dma_start3A_934 : memref<1x8192xf32, #tpu.memory_space<hbm>> -> memref<8192xf32, #tpu.memory_space<hbm>>
      %dma_start3A_936 = arith.constant 0 : i32
      %dma_start3A_937 = tpu.memref_slice %arg5[%add3A_932, %dma_start3A_936] : memref<4096x8192xf32, #tpu.memory_space<hbm>> -> memref<1x8192xf32, #tpu.memory_space<hbm>>
      %dma_start3A_938 = tpu.memref_squeeze %dma_start3A_937 : memref<1x8192xf32, #tpu.memory_space<hbm>> -> memref<8192xf32, #tpu.memory_space<hbm>>
      tpu.enqueue_dma source(%arg16 : memref<8192xf32, #tpu.memory_space<vmem>>) target(%dma_start3A_938 : memref<8192xf32, #tpu.memory_space<hbm>>) target_semaphore(%arg22 : memref<!tpu.dma_semaphore, #tpu.memory_space<semaphore_mem>>)
    }
    %scan3A_253 = arith.constant 14 : i32
    %add3A_254 = arith.constant 120 : i32
    %add3A_255 = arith.addi %mul3A_2, %add3A_254 : i32
    %dma_wait3A_256 = arith.constant 0 : i32
    %dma_wait3A_257 = arith.constant 0 : i32
    %dma_wait3A_258 = arith.constant 0 : i32
    %dma_wait3A_259 = tpu.memref_slice %arg8[%dma_wait3A_256, %dma_wait3A_257, %dma_wait3A_258] : memref<2x2x4096xf32, #tpu.memory_space<vmem>> -> memref<1x2x4096xf32, #tpu.memory_space<vmem>>
    %dma_wait3A_260 = tpu.memref_squeeze %dma_wait3A_259 : memref<1x2x4096xf32, #tpu.memory_space<vmem>> -> memref<2x4096xf32, #tpu.memory_space<vmem>>
    %dma_wait3A_261 = arith.constant 0 : i32
    %dma_wait3A_262 = tpu.memref_slice %arg2[%add3A_255, %dma_wait3A_261] : memref<4096x4096xf32, #tpu.memory_space<hbm>> -> memref<2x4096xf32, #tpu.memory_space<hbm>>
    %dma_wait3A_263 = arith.constant 0 : i32
    %dma_wait3A_264 = arith.constant 0 : i32
    %dma_wait3A_265 = tpu.memref_slice %arg8[%dma_wait3A_256, %dma_wait3A_263, %dma_wait3A_264] : memref<2x2x4096xf32, #tpu.memory_space<vmem>> -> memref<1x2x4096xf32, #tpu.memory_space<vmem>>
    %dma_wait3A_266 = tpu.memref_squeeze %dma_wait3A_265 : memref<1x2x4096xf32, #tpu.memory_space<vmem>> -> memref<2x4096xf32, #tpu.memory_space<vmem>>
    %dma_wait3A_267 = arith.constant 0 : i32
    %dma_wait3A_268 = tpu.memref_slice %arg2[%add3A_255, %dma_wait3A_267] : memref<4096x4096xf32, #tpu.memory_space<hbm>> -> memref<2x4096xf32, #tpu.memory_space<hbm>>
    tpu.wait_dma2 semaphore(%arg17 : memref<!tpu.dma_semaphore, #tpu.memory_space<semaphore_mem>>) src(%dma_wait3A_268 : memref<2x4096xf32, #tpu.memory_space<hbm>>) dst(%dma_wait3A_266 : memref<2x4096xf32, #tpu.memory_space<vmem>>)
    %add3A_269 = arith.constant 122 : i32
    %add3A_270 = arith.addi %mul3A_2, %add3A_269 : i32
    %dma_start3A_271 = arith.constant 1 : i32
    %dma_start3A_272 = arith.constant 0 : i32
    %dma_start3A_273 = arith.constant 0 : i32
    %dma_start3A_274 = tpu.memref_slice %arg8[%dma_start3A_271, %dma_start3A_272, %dma_start3A_273] : memref<2x2x4096xf32, #tpu.memory_space<vmem>> -> memref<1x2x4096xf32, #tpu.memory_space<vmem>>
    %dma_start3A_275 = tpu.memref_squeeze %dma_start3A_274 : memref<1x2x4096xf32, #tpu.memory_space<vmem>> -> memref<2x4096xf32, #tpu.memory_space<vmem>>
    %dma_start3A_276 = arith.constant 0 : i32
    %dma_start3A_277 = tpu.memref_slice %arg2[%add3A_270, %dma_start3A_276] : memref<4096x4096xf32, #tpu.memory_space<hbm>> -> memref<2x4096xf32, #tpu.memory_space<hbm>>
    %dma_start3A_278 = arith.constant 0 : i32
    %dma_start3A_279 = arith.constant 0 : i32
    %dma_start3A_280 = tpu.memref_slice %arg8[%dma_start3A_271, %dma_start3A_278, %dma_start3A_279] : memref<2x2x4096xf32, #tpu.memory_space<vmem>> -> memref<1x2x4096xf32, #tpu.memory_space<vmem>>
    %dma_start3A_281 = tpu.memref_squeeze %dma_start3A_280 : memref<1x2x4096xf32, #tpu.memory_space<vmem>> -> memref<2x4096xf32, #tpu.memory_space<vmem>>
    %dma_start3A_282 = arith.constant 0 : i32
    %dma_start3A_283 = tpu.memref_slice %arg2[%add3A_270, %dma_start3A_282] : memref<4096x4096xf32, #tpu.memory_space<hbm>> -> memref<2x4096xf32, #tpu.memory_space<hbm>>
    tpu.enqueue_dma source(%dma_start3A_283 : memref<2x4096xf32, #tpu.memory_space<hbm>>) target(%dma_start3A_281 : memref<2x4096xf32, #tpu.memory_space<vmem>>) target_semaphore(%arg18 : memref<!tpu.dma_semaphore, #tpu.memory_space<semaphore_mem>>)
    %add3A_284 = arith.constant 114 : i32
    %add3A_285 = arith.addi %mul3A_2, %add3A_284 : i32
    %add3A_286 = arith.constant 0 : i32
    %add3A_287 = arith.addi %add3A_285, %add3A_286 : i32
    %dma_wait3A_288 = arith.constant 0 : i32
    %dma_wait3A_289 = tpu.memref_slice %arg5[%add3A_287, %dma_wait3A_288] : memref<4096x8192xf32, #tpu.memory_space<hbm>> -> memref<1x8192xf32, #tpu.memory_space<hbm>>
    %dma_wait3A_290 = tpu.memref_squeeze %dma_wait3A_289 : memref<1x8192xf32, #tpu.memory_space<hbm>> -> memref<8192xf32, #tpu.memory_space<hbm>>
    %dma_wait3A_291 = arith.constant 0 : i32
    %dma_wait3A_292 = tpu.memref_slice %arg5[%add3A_287, %dma_wait3A_291] : memref<4096x8192xf32, #tpu.memory_space<hbm>> -> memref<1x8192xf32, #tpu.memory_space<hbm>>
    %dma_wait3A_293 = tpu.memref_squeeze %dma_wait3A_292 : memref<1x8192xf32, #tpu.memory_space<hbm>> -> memref<8192xf32, #tpu.memory_space<hbm>>
    tpu.wait_dma2 semaphore(%arg20 : memref<!tpu.dma_semaphore, #tpu.memory_space<semaphore_mem>>) src(%arg11 : memref<8192xf32, #tpu.memory_space<vmem>>) dst(%dma_wait3A_293 : memref<8192xf32, #tpu.memory_space<hbm>>)
    %add3A_294 = arith.constant 114 : i32
    %add3A_295 = arith.addi %mul3A_2, %add3A_294 : i32
    %add3A_296 = arith.constant 1 : i32
    %add3A_297 = arith.addi %add3A_295, %add3A_296 : i32
    %dma_wait3A_298 = arith.constant 0 : i32
    %dma_wait3A_299 = tpu.memref_slice %arg5[%add3A_297, %dma_wait3A_298] : memref<4096x8192xf32, #tpu.memory_space<hbm>> -> memref<1x8192xf32, #tpu.memory_space<hbm>>
    %dma_wait3A_300 = tpu.memref_squeeze %dma_wait3A_299 : memref<1x8192xf32, #tpu.memory_space<hbm>> -> memref<8192xf32, #tpu.memory_space<hbm>>
    %dma_wait3A_301 = arith.constant 0 : i32
    %dma_wait3A_302 = tpu.memref_slice %arg5[%add3A_297, %dma_wait3A_301] : memref<4096x8192xf32, #tpu.memory_space<hbm>> -> memref<1x8192xf32, #tpu.memory_space<hbm>>
    %dma_wait3A_303 = tpu.memref_squeeze %dma_wait3A_302 : memref<1x8192xf32, #tpu.memory_space<hbm>> -> memref<8192xf32, #tpu.memory_space<hbm>>
    tpu.wait_dma2 semaphore(%arg20 : memref<!tpu.dma_semaphore, #tpu.memory_space<semaphore_mem>>) src(%arg12 : memref<8192xf32, #tpu.memory_space<vmem>>) dst(%dma_wait3A_303 : memref<8192xf32, #tpu.memory_space<hbm>>)
    %parallel_loop3A_304 = arith.constant 0 : i32
    %parallel_loop3A_305 = arith.constant 256 : i32
    %parallel_loop3A_306 = arith.constant 1 : i32
    scf.for %parallel_loop3A_591 = %parallel_loop3A_304 to %parallel_loop3A_305 step %parallel_loop3A_306  : i32 {
      %parallel_loop3A_592 = arith.constant 16 : i32
      %parallel_loop3A_593 = arith.muli %parallel_loop3A_591, %parallel_loop3A_592 : i32
      %parallel_loop3A_594 = arith.index_cast %parallel_loop3A_593 : i32 to index
      %parallel_loop3A_595 = tpu.vector_load %arg6[%parallel_loop3A_594] {strides = array<i32>} : memref<4096xi32, #tpu.memory_space<vmem>>, vector<16xi32>,
      %parallel_loop3A_596 = arith.index_cast %parallel_loop3A_593 : i32 to index
      %parallel_loop3A_597 = tpu.vector_load %arg7[%parallel_loop3A_596] {strides = array<i32>} : memref<4096xf32, #tpu.memory_space<vmem>>, vector<16xf32>,
      %parallel_loop3A_598 = arith.constant 0 : i32
      %parallel_loop3A_599 = arith.constant 0 : i32
      %parallel_loop3A_600 = arith.index_cast %parallel_loop3A_598 : i32 to index
      %parallel_loop3A_601 = arith.index_cast %parallel_loop3A_599 : i32 to index
      %parallel_loop3A_602 = arith.index_cast %parallel_loop3A_593 : i32 to index
      %parallel_loop3A_603 = tpu.vector_load %arg8[%parallel_loop3A_600, %parallel_loop3A_601, %parallel_loop3A_602] {strides = array<i32>} : memref<2x2x4096xf32, #tpu.memory_space<vmem>>, vector<16xf32>,
      %parallel_loop3A_604 = arith.mulf %parallel_loop3A_603, %parallel_loop3A_597 : vector<16xf32>
      tpu.vector_store_idx %arg9[%parallel_loop3A_595], %parallel_loop3A_604 {add = true} : memref<8192xf32, #tpu.memory_space<vmem>>[vector<16xi32>], vector<16xf32>,
      %parallel_loop3A_605 = arith.constant 0 : i32
      %parallel_loop3A_606 = arith.constant 1 : i32
      %parallel_loop3A_607 = arith.index_cast %parallel_loop3A_605 : i32 to index
      %parallel_loop3A_608 = arith.index_cast %parallel_loop3A_606 : i32 to index
      %parallel_loop3A_609 = arith.index_cast %parallel_loop3A_593 : i32 to index
      %parallel_loop3A_610 = tpu.vector_load %arg8[%parallel_loop3A_607, %parallel_loop3A_608, %parallel_loop3A_609] {strides = array<i32>} : memref<2x2x4096xf32, #tpu.memory_space<vmem>>, vector<16xf32>,
      %parallel_loop3A_611 = arith.mulf %parallel_loop3A_610, %parallel_loop3A_597 : vector<16xf32>
      tpu.vector_store_idx %arg10[%parallel_loop3A_595], %parallel_loop3A_611 {add = true} : memref<8192xf32, #tpu.memory_space<vmem>>[vector<16xi32>], vector<16xf32>,
      tpu.vector_store_idx %arg11[%parallel_loop3A_595], %broadcast_in_dim3A_15 : memref<8192xf32, #tpu.memory_space<vmem>>[vector<16xi32>], vector<16xf32>,
      tpu.vector_store_idx %arg12[%parallel_loop3A_595], %broadcast_in_dim3A_15 : memref<8192xf32, #tpu.memory_space<vmem>>[vector<16xi32>], vector<16xf32>,
    } {sc.loop_unroll_factor = 4 : i64, sc.parallel_access}
    %add3A_307 = arith.constant 120 : i32
    %add3A_308 = arith.addi %mul3A_2, %add3A_307 : i32
    %add3A_309 = arith.constant 0 : i32
    %add3A_310 = arith.addi %add3A_308, %add3A_309 : i32
    %dma_start3A_311 = arith.constant 0 : i32
    %dma_start3A_312 = tpu.memref_slice %arg5[%add3A_310, %dma_start3A_311] : memref<4096x8192xf32, #tpu.memory_space<hbm>> -> memref<1x8192xf32, #tpu.memory_space<hbm>>
    %dma_start3A_313 = tpu.memref_squeeze %dma_start3A_312 : memref<1x8192xf32, #tpu.memory_space<hbm>> -> memref<8192xf32, #tpu.memory_space<hbm>>
    %dma_start3A_314 = arith.constant 0 : i32
    %dma_start3A_315 = tpu.memref_slice %arg5[%add3A_310, %dma_start3A_314] : memref<4096x8192xf32, #tpu.memory_space<hbm>> -> memref<1x8192xf32, #tpu.memory_space<hbm>>
    %dma_start3A_316 = tpu.memref_squeeze %dma_start3A_315 : memref<1x8192xf32, #tpu.memory_space<hbm>> -> memref<8192xf32, #tpu.memory_space<hbm>>
    tpu.enqueue_dma source(%arg9 : memref<8192xf32, #tpu.memory_space<vmem>>) target(%dma_start3A_316 : memref<8192xf32, #tpu.memory_space<hbm>>) target_semaphore(%arg19 : memref<!tpu.dma_semaphore, #tpu.memory_space<semaphore_mem>>)
    %add3A_317 = arith.constant 120 : i32
    %add3A_318 = arith.addi %mul3A_2, %add3A_317 : i32
    %add3A_319 = arith.constant 1 : i32
    %add3A_320 = arith.addi %add3A_318, %add3A_319 : i32
    %dma_start3A_321 = arith.constant 0 : i32
    %dma_start3A_322 = tpu.memref_slice %arg5[%add3A_320, %dma_start3A_321] : memref<4096x8192xf32, #tpu.memory_space<hbm>> -> memref<1x8192xf32, #tpu.memory_space<hbm>>
    %dma_start3A_323 = tpu.memref_squeeze %dma_start3A_322 : memref<1x8192xf32, #tpu.memory_space<hbm>> -> memref<8192xf32, #tpu.memory_space<hbm>>
    %dma_start3A_324 = arith.constant 0 : i32
    %dma_start3A_325 = tpu.memref_slice %arg5[%add3A_320, %dma_start3A_324] : memref<4096x8192xf32, #tpu.memory_space<hbm>> -> memref<1x8192xf32, #tpu.memory_space<hbm>>
    %dma_start3A_326 = tpu.memref_squeeze %dma_start3A_325 : memref<1x8192xf32, #tpu.memory_space<hbm>> -> memref<8192xf32, #tpu.memory_space<hbm>>
    tpu.enqueue_dma source(%arg10 : memref<8192xf32, #tpu.memory_space<vmem>>) target(%dma_start3A_326 : memref<8192xf32, #tpu.memory_space<hbm>>) target_semaphore(%arg19 : memref<!tpu.dma_semaphore, #tpu.memory_space<semaphore_mem>>)
    %add3A_327 = arith.constant 122 : i32
    %add3A_328 = arith.addi %mul3A_2, %add3A_327 : i32
    %dma_wait3A_329 = arith.constant 1 : i32
    %dma_wait3A_330 = arith.constant 0 : i32
    %dma_wait3A_331 = arith.constant 0 : i32
    %dma_wait3A_332 = tpu.memref_slice %arg8[%dma_wait3A_329, %dma_wait3A_330, %dma_wait3A_331] : memref<2x2x4096xf32, #tpu.memory_space<vmem>> -> memref<1x2x4096xf32, #tpu.memory_space<vmem>>
    %dma_wait3A_333 = tpu.memref_squeeze %dma_wait3A_332 : memref<1x2x4096xf32, #tpu.memory_space<vmem>> -> memref<2x4096xf32, #tpu.memory_space<vmem>>
    %dma_wait3A_334 = arith.constant 0 : i32
    %dma_wait3A_335 = tpu.memref_slice %arg2[%add3A_328, %dma_wait3A_334] : memref<4096x4096xf32, #tpu.memory_space<hbm>> -> memref<2x4096xf32, #tpu.memory_space<hbm>>
    %dma_wait3A_336 = arith.constant 0 : i32
    %dma_wait3A_337 = arith.constant 0 : i32
    %dma_wait3A_338 = tpu.memref_slice %arg8[%dma_wait3A_329, %dma_wait3A_336, %dma_wait3A_337] : memref<2x2x4096xf32, #tpu.memory_space<vmem>> -> memref<1x2x4096xf32, #tpu.memory_space<vmem>>
    %dma_wait3A_339 = tpu.memref_squeeze %dma_wait3A_338 : memref<1x2x4096xf32, #tpu.memory_space<vmem>> -> memref<2x4096xf32, #tpu.memory_space<vmem>>
    %dma_wait3A_340 = arith.constant 0 : i32
    %dma_wait3A_341 = tpu.memref_slice %arg2[%add3A_328, %dma_wait3A_340] : memref<4096x4096xf32, #tpu.memory_space<hbm>> -> memref<2x4096xf32, #tpu.memory_space<hbm>>
    tpu.wait_dma2 semaphore(%arg18 : memref<!tpu.dma_semaphore, #tpu.memory_space<semaphore_mem>>) src(%dma_wait3A_341 : memref<2x4096xf32, #tpu.memory_space<hbm>>) dst(%dma_wait3A_339 : memref<2x4096xf32, #tpu.memory_space<vmem>>)
    %add3A_342 = arith.constant 124 : i32
    %add3A_343 = arith.addi %mul3A_2, %add3A_342 : i32
    %dma_start3A_344 = arith.constant 0 : i32
    %dma_start3A_345 = arith.constant 0 : i32
    %dma_start3A_346 = arith.constant 0 : i32
    %dma_start3A_347 = tpu.memref_slice %arg8[%dma_start3A_344, %dma_start3A_345, %dma_start3A_346] : memref<2x2x4096xf32, #tpu.memory_space<vmem>> -> memref<1x2x4096xf32, #tpu.memory_space<vmem>>
    %dma_start3A_348 = tpu.memref_squeeze %dma_start3A_347 : memref<1x2x4096xf32, #tpu.memory_space<vmem>> -> memref<2x4096xf32, #tpu.memory_space<vmem>>
    %dma_start3A_349 = arith.constant 0 : i32
    %dma_start3A_350 = tpu.memref_slice %arg2[%add3A_343, %dma_start3A_349] : memref<4096x4096xf32, #tpu.memory_space<hbm>> -> memref<2x4096xf32, #tpu.memory_space<hbm>>
    %dma_start3A_351 = arith.constant 0 : i32
    %dma_start3A_352 = arith.constant 0 : i32
    %dma_start3A_353 = tpu.memref_slice %arg8[%dma_start3A_344, %dma_start3A_351, %dma_start3A_352] : memref<2x2x4096xf32, #tpu.memory_space<vmem>> -> memref<1x2x4096xf32, #tpu.memory_space<vmem>>
    %dma_start3A_354 = tpu.memref_squeeze %dma_start3A_353 : memref<1x2x4096xf32, #tpu.memory_space<vmem>> -> memref<2x4096xf32, #tpu.memory_space<vmem>>
    %dma_start3A_355 = arith.constant 0 : i32
    %dma_start3A_356 = tpu.memref_slice %arg2[%add3A_343, %dma_start3A_355] : memref<4096x4096xf32, #tpu.memory_space<hbm>> -> memref<2x4096xf32, #tpu.memory_space<hbm>>
    tpu.enqueue_dma source(%dma_start3A_356 : memref<2x4096xf32, #tpu.memory_space<hbm>>) target(%dma_start3A_354 : memref<2x4096xf32, #tpu.memory_space<vmem>>) target_semaphore(%arg17 : memref<!tpu.dma_semaphore, #tpu.memory_space<semaphore_mem>>)
    %add3A_357 = arith.constant 116 : i32
    %add3A_358 = arith.addi %mul3A_2, %add3A_357 : i32
    %add3A_359 = arith.constant 0 : i32
    %add3A_360 = arith.addi %add3A_358, %add3A_359 : i32
    %dma_wait3A_361 = arith.constant 0 : i32
    %dma_wait3A_362 = tpu.memref_slice %arg5[%add3A_360, %dma_wait3A_361] : memref<4096x8192xf32, #tpu.memory_space<hbm>> -> memref<1x8192xf32, #tpu.memory_space<hbm>>
    %dma_wait3A_363 = tpu.memref_squeeze %dma_wait3A_362 : memref<1x8192xf32, #tpu.memory_space<hbm>> -> memref<8192xf32, #tpu.memory_space<hbm>>
    %dma_wait3A_364 = arith.constant 0 : i32
    %dma_wait3A_365 = tpu.memref_slice %arg5[%add3A_360, %dma_wait3A_364] : memref<4096x8192xf32, #tpu.memory_space<hbm>> -> memref<1x8192xf32, #tpu.memory_space<hbm>>
    %dma_wait3A_366 = tpu.memref_squeeze %dma_wait3A_365 : memref<1x8192xf32, #tpu.memory_space<hbm>> -> memref<8192xf32, #tpu.memory_space<hbm>>
    tpu.wait_dma2 semaphore(%arg21 : memref<!tpu.dma_semaphore, #tpu.memory_space<semaphore_mem>>) src(%arg13 : memref<8192xf32, #tpu.memory_space<vmem>>) dst(%dma_wait3A_366 : memref<8192xf32, #tpu.memory_space<hbm>>)
    %add3A_367 = arith.constant 116 : i32
    %add3A_368 = arith.addi %mul3A_2, %add3A_367 : i32
    %add3A_369 = arith.constant 1 : i32
    %add3A_370 = arith.addi %add3A_368, %add3A_369 : i32
    %dma_wait3A_371 = arith.constant 0 : i32
    %dma_wait3A_372 = tpu.memref_slice %arg5[%add3A_370, %dma_wait3A_371] : memref<4096x8192xf32, #tpu.memory_space<hbm>> -> memref<1x8192xf32, #tpu.memory_space<hbm>>
    %dma_wait3A_373 = tpu.memref_squeeze %dma_wait3A_372 : memref<1x8192xf32, #tpu.memory_space<hbm>> -> memref<8192xf32, #tpu.memory_space<hbm>>
    %dma_wait3A_374 = arith.constant 0 : i32
    %dma_wait3A_375 = tpu.memref_slice %arg5[%add3A_370, %dma_wait3A_374] : memref<4096x8192xf32, #tpu.memory_space<hbm>> -> memref<1x8192xf32, #tpu.memory_space<hbm>>
    %dma_wait3A_376 = tpu.memref_squeeze %dma_wait3A_375 : memref<1x8192xf32, #tpu.memory_space<hbm>> -> memref<8192xf32, #tpu.memory_space<hbm>>
    tpu.wait_dma2 semaphore(%arg21 : memref<!tpu.dma_semaphore, #tpu.memory_space<semaphore_mem>>) src(%arg14 : memref<8192xf32, #tpu.memory_space<vmem>>) dst(%dma_wait3A_376 : memref<8192xf32, #tpu.memory_space<hbm>>)
    %parallel_loop3A_377 = arith.constant 0 : i32
    %parallel_loop3A_378 = arith.constant 256 : i32
    %parallel_loop3A_379 = arith.constant 1 : i32
    scf.for %parallel_loop3A_591 = %parallel_loop3A_377 to %parallel_loop3A_378 step %parallel_loop3A_379  : i32 {
      %parallel_loop3A_592 = arith.constant 16 : i32
      %parallel_loop3A_593 = arith.muli %parallel_loop3A_591, %parallel_loop3A_592 : i32
      %parallel_loop3A_594 = arith.index_cast %parallel_loop3A_593 : i32 to index
      %parallel_loop3A_595 = tpu.vector_load %arg6[%parallel_loop3A_594] {strides = array<i32>} : memref<4096xi32, #tpu.memory_space<vmem>>, vector<16xi32>,
      %parallel_loop3A_596 = arith.index_cast %parallel_loop3A_593 : i32 to index
      %parallel_loop3A_597 = tpu.vector_load %arg7[%parallel_loop3A_596] {strides = array<i32>} : memref<4096xf32, #tpu.memory_space<vmem>>, vector<16xf32>,
      %parallel_loop3A_598 = arith.constant 1 : i32
      %parallel_loop3A_599 = arith.constant 0 : i32
      %parallel_loop3A_600 = arith.index_cast %parallel_loop3A_598 : i32 to index
      %parallel_loop3A_601 = arith.index_cast %parallel_loop3A_599 : i32 to index
      %parallel_loop3A_602 = arith.index_cast %parallel_loop3A_593 : i32 to index
      %parallel_loop3A_603 = tpu.vector_load %arg8[%parallel_loop3A_600, %parallel_loop3A_601, %parallel_loop3A_602] {strides = array<i32>} : memref<2x2x4096xf32, #tpu.memory_space<vmem>>, vector<16xf32>,
      %parallel_loop3A_604 = arith.mulf %parallel_loop3A_603, %parallel_loop3A_597 : vector<16xf32>
      tpu.vector_store_idx %arg11[%parallel_loop3A_595], %parallel_loop3A_604 {add = true} : memref<8192xf32, #tpu.memory_space<vmem>>[vector<16xi32>], vector<16xf32>,
      %parallel_loop3A_605 = arith.constant 1 : i32
      %parallel_loop3A_606 = arith.constant 1 : i32
      %parallel_loop3A_607 = arith.index_cast %parallel_loop3A_605 : i32 to index
      %parallel_loop3A_608 = arith.index_cast %parallel_loop3A_606 : i32 to index
      %parallel_loop3A_609 = arith.index_cast %parallel_loop3A_593 : i32 to index
      %parallel_loop3A_610 = tpu.vector_load %arg8[%parallel_loop3A_607, %parallel_loop3A_608, %parallel_loop3A_609] {strides = array<i32>} : memref<2x2x4096xf32, #tpu.memory_space<vmem>>, vector<16xf32>,
      %parallel_loop3A_611 = arith.mulf %parallel_loop3A_610, %parallel_loop3A_597 : vector<16xf32>
      tpu.vector_store_idx %arg12[%parallel_loop3A_595], %parallel_loop3A_611 {add = true} : memref<8192xf32, #tpu.memory_space<vmem>>[vector<16xi32>], vector<16xf32>,
      tpu.vector_store_idx %arg13[%parallel_loop3A_595], %broadcast_in_dim3A_15 : memref<8192xf32, #tpu.memory_space<vmem>>[vector<16xi32>], vector<16xf32>,
      tpu.vector_store_idx %arg14[%parallel_loop3A_595], %broadcast_in_dim3A_15 : memref<8192xf32, #tpu.memory_space<vmem>>[vector<16xi32>], vector<16xf32>,
    } {sc.loop_unroll_factor = 4 : i64, sc.parallel_access}
    %add3A_380 = arith.constant 122 : i32
    %add3A_381 = arith.addi %mul3A_2, %add3A_380 : i32
    %add3A_382 = arith.constant 0 : i32
    %add3A_383 = arith.addi %add3A_381, %add3A_382 : i32
    %dma_start3A_384 = arith.constant 0 : i32
    %dma_start3A_385 = tpu.memref_slice %arg5[%add3A_383, %dma_start3A_384] : memref<4096x8192xf32, #tpu.memory_space<hbm>> -> memref<1x8192xf32, #tpu.memory_space<hbm>>
    %dma_start3A_386 = tpu.memref_squeeze %dma_start3A_385 : memref<1x8192xf32, #tpu.memory_space<hbm>> -> memref<8192xf32, #tpu.memory_space<hbm>>
    %dma_start3A_387 = arith.constant 0 : i32
    %dma_start3A_388 = tpu.memref_slice %arg5[%add3A_383, %dma_start3A_387] : memref<4096x8192xf32, #tpu.memory_space<hbm>> -> memref<1x8192xf32, #tpu.memory_space<hbm>>
    %dma_start3A_389 = tpu.memref_squeeze %dma_start3A_388 : memref<1x8192xf32, #tpu.memory_space<hbm>> -> memref<8192xf32, #tpu.memory_space<hbm>>
    tpu.enqueue_dma source(%arg11 : memref<8192xf32, #tpu.memory_space<vmem>>) target(%dma_start3A_389 : memref<8192xf32, #tpu.memory_space<hbm>>) target_semaphore(%arg20 : memref<!tpu.dma_semaphore, #tpu.memory_space<semaphore_mem>>)
    %add3A_390 = arith.constant 122 : i32
    %add3A_391 = arith.addi %mul3A_2, %add3A_390 : i32
    %add3A_392 = arith.constant 1 : i32
    %add3A_393 = arith.addi %add3A_391, %add3A_392 : i32
    %dma_start3A_394 = arith.constant 0 : i32
    %dma_start3A_395 = tpu.memref_slice %arg5[%add3A_393, %dma_start3A_394] : memref<4096x8192xf32, #tpu.memory_space<hbm>> -> memref<1x8192xf32, #tpu.memory_space<hbm>>
    %dma_start3A_396 = tpu.memref_squeeze %dma_start3A_395 : memref<1x8192xf32, #tpu.memory_space<hbm>> -> memref<8192xf32, #tpu.memory_space<hbm>>
    %dma_start3A_397 = arith.constant 0 : i32
    %dma_start3A_398 = tpu.memref_slice %arg5[%add3A_393, %dma_start3A_397] : memref<4096x8192xf32, #tpu.memory_space<hbm>> -> memref<1x8192xf32, #tpu.memory_space<hbm>>
    %dma_start3A_399 = tpu.memref_squeeze %dma_start3A_398 : memref<1x8192xf32, #tpu.memory_space<hbm>> -> memref<8192xf32, #tpu.memory_space<hbm>>
    tpu.enqueue_dma source(%arg12 : memref<8192xf32, #tpu.memory_space<vmem>>) target(%dma_start3A_399 : memref<8192xf32, #tpu.memory_space<hbm>>) target_semaphore(%arg20 : memref<!tpu.dma_semaphore, #tpu.memory_space<semaphore_mem>>)
    %add3A_400 = arith.constant 124 : i32
    %add3A_401 = arith.addi %mul3A_2, %add3A_400 : i32
    %dma_wait3A_402 = arith.constant 0 : i32
    %dma_wait3A_403 = arith.constant 0 : i32
    %dma_wait3A_404 = arith.constant 0 : i32
    %dma_wait3A_405 = tpu.memref_slice %arg8[%dma_wait3A_402, %dma_wait3A_403, %dma_wait3A_404] : memref<2x2x4096xf32, #tpu.memory_space<vmem>> -> memref<1x2x4096xf32, #tpu.memory_space<vmem>>
    %dma_wait3A_406 = tpu.memref_squeeze %dma_wait3A_405 : memref<1x2x4096xf32, #tpu.memory_space<vmem>> -> memref<2x4096xf32, #tpu.memory_space<vmem>>
    %dma_wait3A_407 = arith.constant 0 : i32
    %dma_wait3A_408 = tpu.memref_slice %arg2[%add3A_401, %dma_wait3A_407] : memref<4096x4096xf32, #tpu.memory_space<hbm>> -> memref<2x4096xf32, #tpu.memory_space<hbm>>
    %dma_wait3A_409 = arith.constant 0 : i32
    %dma_wait3A_410 = arith.constant 0 : i32
    %dma_wait3A_411 = tpu.memref_slice %arg8[%dma_wait3A_402, %dma_wait3A_409, %dma_wait3A_410] : memref<2x2x4096xf32, #tpu.memory_space<vmem>> -> memref<1x2x4096xf32, #tpu.memory_space<vmem>>
    %dma_wait3A_412 = tpu.memref_squeeze %dma_wait3A_411 : memref<1x2x4096xf32, #tpu.memory_space<vmem>> -> memref<2x4096xf32, #tpu.memory_space<vmem>>
    %dma_wait3A_413 = arith.constant 0 : i32
    %dma_wait3A_414 = tpu.memref_slice %arg2[%add3A_401, %dma_wait3A_413] : memref<4096x4096xf32, #tpu.memory_space<hbm>> -> memref<2x4096xf32, #tpu.memory_space<hbm>>
    tpu.wait_dma2 semaphore(%arg17 : memref<!tpu.dma_semaphore, #tpu.memory_space<semaphore_mem>>) src(%dma_wait3A_414 : memref<2x4096xf32, #tpu.memory_space<hbm>>) dst(%dma_wait3A_412 : memref<2x4096xf32, #tpu.memory_space<vmem>>)
    %add3A_415 = arith.constant 126 : i32
    %add3A_416 = arith.addi %mul3A_2, %add3A_415 : i32
    %dma_start3A_417 = arith.constant 1 : i32
    %dma_start3A_418 = arith.constant 0 : i32
    %dma_start3A_419 = arith.constant 0 : i32
    %dma_start3A_420 = tpu.memref_slice %arg8[%dma_start3A_417, %dma_start3A_418, %dma_start3A_419] : memref<2x2x4096xf32, #tpu.memory_space<vmem>> -> memref<1x2x4096xf32, #tpu.memory_space<vmem>>
    %dma_start3A_421 = tpu.memref_squeeze %dma_start3A_420 : memref<1x2x4096xf32, #tpu.memory_space<vmem>> -> memref<2x4096xf32, #tpu.memory_space<vmem>>
    %dma_start3A_422 = arith.constant 0 : i32
    %dma_start3A_423 = tpu.memref_slice %arg2[%add3A_416, %dma_start3A_422] : memref<4096x4096xf32, #tpu.memory_space<hbm>> -> memref<2x4096xf32, #tpu.memory_space<hbm>>
    %dma_start3A_424 = arith.constant 0 : i32
    %dma_start3A_425 = arith.constant 0 : i32
    %dma_start3A_426 = tpu.memref_slice %arg8[%dma_start3A_417, %dma_start3A_424, %dma_start3A_425] : memref<2x2x4096xf32, #tpu.memory_space<vmem>> -> memref<1x2x4096xf32, #tpu.memory_space<vmem>>
    %dma_start3A_427 = tpu.memref_squeeze %dma_start3A_426 : memref<1x2x4096xf32, #tpu.memory_space<vmem>> -> memref<2x4096xf32, #tpu.memory_space<vmem>>
    %dma_start3A_428 = arith.constant 0 : i32
    %dma_start3A_429 = tpu.memref_slice %arg2[%add3A_416, %dma_start3A_428] : memref<4096x4096xf32, #tpu.memory_space<hbm>> -> memref<2x4096xf32, #tpu.memory_space<hbm>>
    tpu.enqueue_dma source(%dma_start3A_429 : memref<2x4096xf32, #tpu.memory_space<hbm>>) target(%dma_start3A_427 : memref<2x4096xf32, #tpu.memory_space<vmem>>) target_semaphore(%arg18 : memref<!tpu.dma_semaphore, #tpu.memory_space<semaphore_mem>>)
    %add3A_430 = arith.constant 118 : i32
    %add3A_431 = arith.addi %mul3A_2, %add3A_430 : i32
    %add3A_432 = arith.constant 0 : i32
    %add3A_433 = arith.addi %add3A_431, %add3A_432 : i32
    %dma_wait3A_434 = arith.constant 0 : i32
    %dma_wait3A_435 = tpu.memref_slice %arg5[%add3A_433, %dma_wait3A_434] : memref<4096x8192xf32, #tpu.memory_space<hbm>> -> memref<1x8192xf32, #tpu.memory_space<hbm>>
    %dma_wait3A_436 = tpu.memref_squeeze %dma_wait3A_435 : memref<1x8192xf32, #tpu.memory_space<hbm>> -> memref<8192xf32, #tpu.memory_space<hbm>>
    %dma_wait3A_437 = arith.constant 0 : i32
    %dma_wait3A_438 = tpu.memref_slice %arg5[%add3A_433, %dma_wait3A_437] : memref<4096x8192xf32, #tpu.memory_space<hbm>> -> memref<1x8192xf32, #tpu.memory_space<hbm>>
    %dma_wait3A_439 = tpu.memref_squeeze %dma_wait3A_438 : memref<1x8192xf32, #tpu.memory_space<hbm>> -> memref<8192xf32, #tpu.memory_space<hbm>>
    tpu.wait_dma2 semaphore(%arg22 : memref<!tpu.dma_semaphore, #tpu.memory_space<semaphore_mem>>) src(%arg15 : memref<8192xf32, #tpu.memory_space<vmem>>) dst(%dma_wait3A_439 : memref<8192xf32, #tpu.memory_space<hbm>>)
    %add3A_440 = arith.constant 118 : i32
    %add3A_441 = arith.addi %mul3A_2, %add3A_440 : i32
    %add3A_442 = arith.constant 1 : i32
    %add3A_443 = arith.addi %add3A_441, %add3A_442 : i32
    %dma_wait3A_444 = arith.constant 0 : i32
    %dma_wait3A_445 = tpu.memref_slice %arg5[%add3A_443, %dma_wait3A_444] : memref<4096x8192xf32, #tpu.memory_space<hbm>> -> memref<1x8192xf32, #tpu.memory_space<hbm>>
    %dma_wait3A_446 = tpu.memref_squeeze %dma_wait3A_445 : memref<1x8192xf32, #tpu.memory_space<hbm>> -> memref<8192xf32, #tpu.memory_space<hbm>>
    %dma_wait3A_447 = arith.constant 0 : i32
    %dma_wait3A_448 = tpu.memref_slice %arg5[%add3A_443, %dma_wait3A_447] : memref<4096x8192xf32, #tpu.memory_space<hbm>> -> memref<1x8192xf32, #tpu.memory_space<hbm>>
    %dma_wait3A_449 = tpu.memref_squeeze %dma_wait3A_448 : memref<1x8192xf32, #tpu.memory_space<hbm>> -> memref<8192xf32, #tpu.memory_space<hbm>>
    tpu.wait_dma2 semaphore(%arg22 : memref<!tpu.dma_semaphore, #tpu.memory_space<semaphore_mem>>) src(%arg16 : memref<8192xf32, #tpu.memory_space<vmem>>) dst(%dma_wait3A_449 : memref<8192xf32, #tpu.memory_space<hbm>>)
    %parallel_loop3A_450 = arith.constant 0 : i32
    %parallel_loop3A_451 = arith.constant 256 : i32
    %parallel_loop3A_452 = arith.constant 1 : i32
    scf.for %parallel_loop3A_591 = %parallel_loop3A_450 to %parallel_loop3A_451 step %parallel_loop3A_452  : i32 {
      %parallel_loop3A_592 = arith.constant 16 : i32
      %parallel_loop3A_593 = arith.muli %parallel_loop3A_591, %parallel_loop3A_592 : i32
      %parallel_loop3A_594 = arith.index_cast %parallel_loop3A_593 : i32 to index
      %parallel_loop3A_595 = tpu.vector_load %arg6[%parallel_loop3A_594] {strides = array<i32>} : memref<4096xi32, #tpu.memory_space<vmem>>, vector<16xi32>,
      %parallel_loop3A_596 = arith.index_cast %parallel_loop3A_593 : i32 to index
      %parallel_loop3A_597 = tpu.vector_load %arg7[%parallel_loop3A_596] {strides = array<i32>} : memref<4096xf32, #tpu.memory_space<vmem>>, vector<16xf32>,
      %parallel_loop3A_598 = arith.constant 0 : i32
      %parallel_loop3A_599 = arith.constant 0 : i32
      %parallel_loop3A_600 = arith.index_cast %parallel_loop3A_598 : i32 to index
      %parallel_loop3A_601 = arith.index_cast %parallel_loop3A_599 : i32 to index
      %parallel_loop3A_602 = arith.index_cast %parallel_loop3A_593 : i32 to index
      %parallel_loop3A_603 = tpu.vector_load %arg8[%parallel_loop3A_600, %parallel_loop3A_601, %parallel_loop3A_602] {strides = array<i32>} : memref<2x2x4096xf32, #tpu.memory_space<vmem>>, vector<16xf32>,
      %parallel_loop3A_604 = arith.mulf %parallel_loop3A_603, %parallel_loop3A_597 : vector<16xf32>
      tpu.vector_store_idx %arg13[%parallel_loop3A_595], %parallel_loop3A_604 {add = true} : memref<8192xf32, #tpu.memory_space<vmem>>[vector<16xi32>], vector<16xf32>,
      %parallel_loop3A_605 = arith.constant 0 : i32
      %parallel_loop3A_606 = arith.constant 1 : i32
      %parallel_loop3A_607 = arith.index_cast %parallel_loop3A_605 : i32 to index
      %parallel_loop3A_608 = arith.index_cast %parallel_loop3A_606 : i32 to index
      %parallel_loop3A_609 = arith.index_cast %parallel_loop3A_593 : i32 to index
      %parallel_loop3A_610 = tpu.vector_load %arg8[%parallel_loop3A_607, %parallel_loop3A_608, %parallel_loop3A_609] {strides = array<i32>} : memref<2x2x4096xf32, #tpu.memory_space<vmem>>, vector<16xf32>,
      %parallel_loop3A_611 = arith.mulf %parallel_loop3A_610, %parallel_loop3A_597 : vector<16xf32>
      tpu.vector_store_idx %arg14[%parallel_loop3A_595], %parallel_loop3A_611 {add = true} : memref<8192xf32, #tpu.memory_space<vmem>>[vector<16xi32>], vector<16xf32>,
      tpu.vector_store_idx %arg15[%parallel_loop3A_595], %broadcast_in_dim3A_15 : memref<8192xf32, #tpu.memory_space<vmem>>[vector<16xi32>], vector<16xf32>,
      tpu.vector_store_idx %arg16[%parallel_loop3A_595], %broadcast_in_dim3A_15 : memref<8192xf32, #tpu.memory_space<vmem>>[vector<16xi32>], vector<16xf32>,
    } {sc.loop_unroll_factor = 4 : i64, sc.parallel_access}
    %add3A_453 = arith.constant 124 : i32
    %add3A_454 = arith.addi %mul3A_2, %add3A_453 : i32
    %add3A_455 = arith.constant 0 : i32
    %add3A_456 = arith.addi %add3A_454, %add3A_455 : i32
    %dma_start3A_457 = arith.constant 0 : i32
    %dma_start3A_458 = tpu.memref_slice %arg5[%add3A_456, %dma_start3A_457] : memref<4096x8192xf32, #tpu.memory_space<hbm>> -> memref<1x8192xf32, #tpu.memory_space<hbm>>
    %dma_start3A_459 = tpu.memref_squeeze %dma_start3A_458 : memref<1x8192xf32, #tpu.memory_space<hbm>> -> memref<8192xf32, #tpu.memory_space<hbm>>
    %dma_start3A_460 = arith.constant 0 : i32
    %dma_start3A_461 = tpu.memref_slice %arg5[%add3A_456, %dma_start3A_460] : memref<4096x8192xf32, #tpu.memory_space<hbm>> -> memref<1x8192xf32, #tpu.memory_space<hbm>>
    %dma_start3A_462 = tpu.memref_squeeze %dma_start3A_461 : memref<1x8192xf32, #tpu.memory_space<hbm>> -> memref<8192xf32, #tpu.memory_space<hbm>>
    tpu.enqueue_dma source(%arg13 : memref<8192xf32, #tpu.memory_space<vmem>>) target(%dma_start3A_462 : memref<8192xf32, #tpu.memory_space<hbm>>) target_semaphore(%arg21 : memref<!tpu.dma_semaphore, #tpu.memory_space<semaphore_mem>>)
    %add3A_463 = arith.constant 124 : i32
    %add3A_464 = arith.addi %mul3A_2, %add3A_463 : i32
    %add3A_465 = arith.constant 1 : i32
    %add3A_466 = arith.addi %add3A_464, %add3A_465 : i32
    %dma_start3A_467 = arith.constant 0 : i32
    %dma_start3A_468 = tpu.memref_slice %arg5[%add3A_466, %dma_start3A_467] : memref<4096x8192xf32, #tpu.memory_space<hbm>> -> memref<1x8192xf32, #tpu.memory_space<hbm>>
    %dma_start3A_469 = tpu.memref_squeeze %dma_start3A_468 : memref<1x8192xf32, #tpu.memory_space<hbm>> -> memref<8192xf32, #tpu.memory_space<hbm>>
    %dma_start3A_470 = arith.constant 0 : i32
    %dma_start3A_471 = tpu.memref_slice %arg5[%add3A_466, %dma_start3A_470] : memref<4096x8192xf32, #tpu.memory_space<hbm>> -> memref<1x8192xf32, #tpu.memory_space<hbm>>
    %dma_start3A_472 = tpu.memref_squeeze %dma_start3A_471 : memref<1x8192xf32, #tpu.memory_space<hbm>> -> memref<8192xf32, #tpu.memory_space<hbm>>
    tpu.enqueue_dma source(%arg14 : memref<8192xf32, #tpu.memory_space<vmem>>) target(%dma_start3A_472 : memref<8192xf32, #tpu.memory_space<hbm>>) target_semaphore(%arg21 : memref<!tpu.dma_semaphore, #tpu.memory_space<semaphore_mem>>)
    %add3A_473 = arith.constant 126 : i32
    %add3A_474 = arith.addi %mul3A_2, %add3A_473 : i32
    %dma_wait3A_475 = arith.constant 1 : i32
    %dma_wait3A_476 = arith.constant 0 : i32
    %dma_wait3A_477 = arith.constant 0 : i32
    %dma_wait3A_478 = tpu.memref_slice %arg8[%dma_wait3A_475, %dma_wait3A_476, %dma_wait3A_477] : memref<2x2x4096xf32, #tpu.memory_space<vmem>> -> memref<1x2x4096xf32, #tpu.memory_space<vmem>>
    %dma_wait3A_479 = tpu.memref_squeeze %dma_wait3A_478 : memref<1x2x4096xf32, #tpu.memory_space<vmem>> -> memref<2x4096xf32, #tpu.memory_space<vmem>>
    %dma_wait3A_480 = arith.constant 0 : i32
    %dma_wait3A_481 = tpu.memref_slice %arg2[%add3A_474, %dma_wait3A_480] : memref<4096x4096xf32, #tpu.memory_space<hbm>> -> memref<2x4096xf32, #tpu.memory_space<hbm>>
    %dma_wait3A_482 = arith.constant 0 : i32
    %dma_wait3A_483 = arith.constant 0 : i32
    %dma_wait3A_484 = tpu.memref_slice %arg8[%dma_wait3A_475, %dma_wait3A_482, %dma_wait3A_483] : memref<2x2x4096xf32, #tpu.memory_space<vmem>> -> memref<1x2x4096xf32, #tpu.memory_space<vmem>>
    %dma_wait3A_485 = tpu.memref_squeeze %dma_wait3A_484 : memref<1x2x4096xf32, #tpu.memory_space<vmem>> -> memref<2x4096xf32, #tpu.memory_space<vmem>>
    %dma_wait3A_486 = arith.constant 0 : i32
    %dma_wait3A_487 = tpu.memref_slice %arg2[%add3A_474, %dma_wait3A_486] : memref<4096x4096xf32, #tpu.memory_space<hbm>> -> memref<2x4096xf32, #tpu.memory_space<hbm>>
    tpu.wait_dma2 semaphore(%arg18 : memref<!tpu.dma_semaphore, #tpu.memory_space<semaphore_mem>>) src(%dma_wait3A_487 : memref<2x4096xf32, #tpu.memory_space<hbm>>) dst(%dma_wait3A_485 : memref<2x4096xf32, #tpu.memory_space<vmem>>)
    %add3A_488 = arith.constant 120 : i32
    %add3A_489 = arith.addi %mul3A_2, %add3A_488 : i32
    %add3A_490 = arith.constant 0 : i32
    %add3A_491 = arith.addi %add3A_489, %add3A_490 : i32
    %dma_wait3A_492 = arith.constant 0 : i32
    %dma_wait3A_493 = tpu.memref_slice %arg5[%add3A_491, %dma_wait3A_492] : memref<4096x8192xf32, #tpu.memory_space<hbm>> -> memref<1x8192xf32, #tpu.memory_space<hbm>>
    %dma_wait3A_494 = tpu.memref_squeeze %dma_wait3A_493 : memref<1x8192xf32, #tpu.memory_space<hbm>> -> memref<8192xf32, #tpu.memory_space<hbm>>
    %dma_wait3A_495 = arith.constant 0 : i32
    %dma_wait3A_496 = tpu.memref_slice %arg5[%add3A_491, %dma_wait3A_495] : memref<4096x8192xf32, #tpu.memory_space<hbm>> -> memref<1x8192xf32, #tpu.memory_space<hbm>>
    %dma_wait3A_497 = tpu.memref_squeeze %dma_wait3A_496 : memref<1x8192xf32, #tpu.memory_space<hbm>> -> memref<8192xf32, #tpu.memory_space<hbm>>
    tpu.wait_dma2 semaphore(%arg19 : memref<!tpu.dma_semaphore, #tpu.memory_space<semaphore_mem>>) src(%arg9 : memref<8192xf32, #tpu.memory_space<vmem>>) dst(%dma_wait3A_497 : memref<8192xf32, #tpu.memory_space<hbm>>)
    %add3A_498 = arith.constant 120 : i32
    %add3A_499 = arith.addi %mul3A_2, %add3A_498 : i32
    %add3A_500 = arith.constant 1 : i32
    %add3A_501 = arith.addi %add3A_499, %add3A_500 : i32
    %dma_wait3A_502 = arith.constant 0 : i32
    %dma_wait3A_503 = tpu.memref_slice %arg5[%add3A_501, %dma_wait3A_502] : memref<4096x8192xf32, #tpu.memory_space<hbm>> -> memref<1x8192xf32, #tpu.memory_space<hbm>>
    %dma_wait3A_504 = tpu.memref_squeeze %dma_wait3A_503 : memref<1x8192xf32, #tpu.memory_space<hbm>> -> memref<8192xf32, #tpu.memory_space<hbm>>
    %dma_wait3A_505 = arith.constant 0 : i32
    %dma_wait3A_506 = tpu.memref_slice %arg5[%add3A_501, %dma_wait3A_505] : memref<4096x8192xf32, #tpu.memory_space<hbm>> -> memref<1x8192xf32, #tpu.memory_space<hbm>>
    %dma_wait3A_507 = tpu.memref_squeeze %dma_wait3A_506 : memref<1x8192xf32, #tpu.memory_space<hbm>> -> memref<8192xf32, #tpu.memory_space<hbm>>
    tpu.wait_dma2 semaphore(%arg19 : memref<!tpu.dma_semaphore, #tpu.memory_space<semaphore_mem>>) src(%arg10 : memref<8192xf32, #tpu.memory_space<vmem>>) dst(%dma_wait3A_507 : memref<8192xf32, #tpu.memory_space<hbm>>)
    %parallel_loop3A_508 = arith.constant 0 : i32
    %parallel_loop3A_509 = arith.constant 256 : i32
    %parallel_loop3A_510 = arith.constant 1 : i32
    scf.for %parallel_loop3A_591 = %parallel_loop3A_508 to %parallel_loop3A_509 step %parallel_loop3A_510  : i32 {
      %parallel_loop3A_592 = arith.constant 16 : i32
      %parallel_loop3A_593 = arith.muli %parallel_loop3A_591, %parallel_loop3A_592 : i32
      %parallel_loop3A_594 = arith.index_cast %parallel_loop3A_593 : i32 to index
      %parallel_loop3A_595 = tpu.vector_load %arg6[%parallel_loop3A_594] {strides = array<i32>} : memref<4096xi32, #tpu.memory_space<vmem>>, vector<16xi32>,
      %parallel_loop3A_596 = arith.index_cast %parallel_loop3A_593 : i32 to index
      %parallel_loop3A_597 = tpu.vector_load %arg7[%parallel_loop3A_596] {strides = array<i32>} : memref<4096xf32, #tpu.memory_space<vmem>>, vector<16xf32>,
      %parallel_loop3A_598 = arith.constant 1 : i32
      %parallel_loop3A_599 = arith.constant 0 : i32
      %parallel_loop3A_600 = arith.index_cast %parallel_loop3A_598 : i32 to index
      %parallel_loop3A_601 = arith.index_cast %parallel_loop3A_599 : i32 to index
      %parallel_loop3A_602 = arith.index_cast %parallel_loop3A_593 : i32 to index
      %parallel_loop3A_603 = tpu.vector_load %arg8[%parallel_loop3A_600, %parallel_loop3A_601, %parallel_loop3A_602] {strides = array<i32>} : memref<2x2x4096xf32, #tpu.memory_space<vmem>>, vector<16xf32>,
      %parallel_loop3A_604 = arith.mulf %parallel_loop3A_603, %parallel_loop3A_597 : vector<16xf32>
      tpu.vector_store_idx %arg15[%parallel_loop3A_595], %parallel_loop3A_604 {add = true} : memref<8192xf32, #tpu.memory_space<vmem>>[vector<16xi32>], vector<16xf32>,
      %parallel_loop3A_605 = arith.constant 1 : i32
      %parallel_loop3A_606 = arith.constant 1 : i32
      %parallel_loop3A_607 = arith.index_cast %parallel_loop3A_605 : i32 to index
      %parallel_loop3A_608 = arith.index_cast %parallel_loop3A_606 : i32 to index
      %parallel_loop3A_609 = arith.index_cast %parallel_loop3A_593 : i32 to index
      %parallel_loop3A_610 = tpu.vector_load %arg8[%parallel_loop3A_607, %parallel_loop3A_608, %parallel_loop3A_609] {strides = array<i32>} : memref<2x2x4096xf32, #tpu.memory_space<vmem>>, vector<16xf32>,
      %parallel_loop3A_611 = arith.mulf %parallel_loop3A_610, %parallel_loop3A_597 : vector<16xf32>
      tpu.vector_store_idx %arg16[%parallel_loop3A_595], %parallel_loop3A_611 {add = true} : memref<8192xf32, #tpu.memory_space<vmem>>[vector<16xi32>], vector<16xf32>,
    } {sc.loop_unroll_factor = 4 : i64, sc.parallel_access}
    %add3A_511 = arith.constant 126 : i32
    %add3A_512 = arith.addi %mul3A_2, %add3A_511 : i32
    %add3A_513 = arith.constant 0 : i32
    %add3A_514 = arith.addi %add3A_512, %add3A_513 : i32
    %dma_start3A_515 = arith.constant 0 : i32
    %dma_start3A_516 = tpu.memref_slice %arg5[%add3A_514, %dma_start3A_515] : memref<4096x8192xf32, #tpu.memory_space<hbm>> -> memref<1x8192xf32, #tpu.memory_space<hbm>>
    %dma_start3A_517 = tpu.memref_squeeze %dma_start3A_516 : memref<1x8192xf32, #tpu.memory_space<hbm>> -> memref<8192xf32, #tpu.memory_space<hbm>>
    %dma_start3A_518 = arith.constant 0 : i32
    %dma_start3A_519 = tpu.memref_slice %arg5[%add3A_514, %dma_start3A_518] : memref<4096x8192xf32, #tpu.memory_space<hbm>> -> memref<1x8192xf32, #tpu.memory_space<hbm>>
    %dma_start3A_520 = tpu.memref_squeeze %dma_start3A_519 : memref<1x8192xf32, #tpu.memory_space<hbm>> -> memref<8192xf32, #tpu.memory_space<hbm>>
    tpu.enqueue_dma source(%arg15 : memref<8192xf32, #tpu.memory_space<vmem>>) target(%dma_start3A_520 : memref<8192xf32, #tpu.memory_space<hbm>>) target_semaphore(%arg22 : memref<!tpu.dma_semaphore, #tpu.memory_space<semaphore_mem>>)
    %add3A_521 = arith.constant 126 : i32
    %add3A_522 = arith.addi %mul3A_2, %add3A_521 : i32
    %add3A_523 = arith.constant 1 : i32
    %add3A_524 = arith.addi %add3A_522, %add3A_523 : i32
    %dma_start3A_525 = arith.constant 0 : i32
    %dma_start3A_526 = tpu.memref_slice %arg5[%add3A_524, %dma_start3A_525] : memref<4096x8192xf32, #tpu.memory_space<hbm>> -> memref<1x8192xf32, #tpu.memory_space<hbm>>
    %dma_start3A_527 = tpu.memref_squeeze %dma_start3A_526 : memref<1x8192xf32, #tpu.memory_space<hbm>> -> memref<8192xf32, #tpu.memory_space<hbm>>
    %dma_start3A_528 = arith.constant 0 : i32
    %dma_start3A_529 = tpu.memref_slice %arg5[%add3A_524, %dma_start3A_528] : memref<4096x8192xf32, #tpu.memory_space<hbm>> -> memref<1x8192xf32, #tpu.memory_space<hbm>>
    %dma_start3A_530 = tpu.memref_squeeze %dma_start3A_529 : memref<1x8192xf32, #tpu.memory_space<hbm>> -> memref<8192xf32, #tpu.memory_space<hbm>>
    tpu.enqueue_dma source(%arg16 : memref<8192xf32, #tpu.memory_space<vmem>>) target(%dma_start3A_530 : memref<8192xf32, #tpu.memory_space<hbm>>) target_semaphore(%arg22 : memref<!tpu.dma_semaphore, #tpu.memory_space<semaphore_mem>>)
    %add3A_531 = arith.constant 122 : i32
    %add3A_532 = arith.addi %mul3A_2, %add3A_531 : i32
    %add3A_533 = arith.constant 0 : i32
    %add3A_534 = arith.addi %add3A_532, %add3A_533 : i32
    %dma_wait3A_535 = arith.constant 0 : i32
    %dma_wait3A_536 = tpu.memref_slice %arg5[%add3A_534, %dma_wait3A_535] : memref<4096x8192xf32, #tpu.memory_space<hbm>> -> memref<1x8192xf32, #tpu.memory_space<hbm>>
    %dma_wait3A_537 = tpu.memref_squeeze %dma_wait3A_536 : memref<1x8192xf32, #tpu.memory_space<hbm>> -> memref<8192xf32, #tpu.memory_space<hbm>>
    %dma_wait3A_538 = arith.constant 0 : i32
    %dma_wait3A_539 = tpu.memref_slice %arg5[%add3A_534, %dma_wait3A_538] : memref<4096x8192xf32, #tpu.memory_space<hbm>> -> memref<1x8192xf32, #tpu.memory_space<hbm>>
    %dma_wait3A_540 = tpu.memref_squeeze %dma_wait3A_539 : memref<1x8192xf32, #tpu.memory_space<hbm>> -> memref<8192xf32, #tpu.memory_space<hbm>>
    tpu.wait_dma2 semaphore(%arg20 : memref<!tpu.dma_semaphore, #tpu.memory_space<semaphore_mem>>) src(%arg11 : memref<8192xf32, #tpu.memory_space<vmem>>) dst(%dma_wait3A_540 : memref<8192xf32, #tpu.memory_space<hbm>>)
    %add3A_541 = arith.constant 122 : i32
    %add3A_542 = arith.addi %mul3A_2, %add3A_541 : i32
    %add3A_543 = arith.constant 1 : i32
    %add3A_544 = arith.addi %add3A_542, %add3A_543 : i32
    %dma_wait3A_545 = arith.constant 0 : i32
    %dma_wait3A_546 = tpu.memref_slice %arg5[%add3A_544, %dma_wait3A_545] : memref<4096x8192xf32, #tpu.memory_space<hbm>> -> memref<1x8192xf32, #tpu.memory_space<hbm>>
    %dma_wait3A_547 = tpu.memref_squeeze %dma_wait3A_546 : memref<1x8192xf32, #tpu.memory_space<hbm>> -> memref<8192xf32, #tpu.memory_space<hbm>>
    %dma_wait3A_548 = arith.constant 0 : i32
    %dma_wait3A_549 = tpu.memref_slice %arg5[%add3A_544, %dma_wait3A_548] : memref<4096x8192xf32, #tpu.memory_space<hbm>> -> memref<1x8192xf32, #tpu.memory_space<hbm>>
    %dma_wait3A_550 = tpu.memref_squeeze %dma_wait3A_549 : memref<1x8192xf32, #tpu.memory_space<hbm>> -> memref<8192xf32, #tpu.memory_space<hbm>>
    tpu.wait_dma2 semaphore(%arg20 : memref<!tpu.dma_semaphore, #tpu.memory_space<semaphore_mem>>) src(%arg12 : memref<8192xf32, #tpu.memory_space<vmem>>) dst(%dma_wait3A_550 : memref<8192xf32, #tpu.memory_space<hbm>>)
    %add3A_551 = arith.constant 124 : i32
    %add3A_552 = arith.addi %mul3A_2, %add3A_551 : i32
    %add3A_553 = arith.constant 0 : i32
    %add3A_554 = arith.addi %add3A_552, %add3A_553 : i32
    %dma_wait3A_555 = arith.constant 0 : i32
    %dma_wait3A_556 = tpu.memref_slice %arg5[%add3A_554, %dma_wait3A_555] : memref<4096x8192xf32, #tpu.memory_space<hbm>> -> memref<1x8192xf32, #tpu.memory_space<hbm>>
    %dma_wait3A_557 = tpu.memref_squeeze %dma_wait3A_556 : memref<1x8192xf32, #tpu.memory_space<hbm>> -> memref<8192xf32, #tpu.memory_space<hbm>>
    %dma_wait3A_558 = arith.constant 0 : i32
    %dma_wait3A_559 = tpu.memref_slice %arg5[%add3A_554, %dma_wait3A_558] : memref<4096x8192xf32, #tpu.memory_space<hbm>> -> memref<1x8192xf32, #tpu.memory_space<hbm>>
    %dma_wait3A_560 = tpu.memref_squeeze %dma_wait3A_559 : memref<1x8192xf32, #tpu.memory_space<hbm>> -> memref<8192xf32, #tpu.memory_space<hbm>>
    tpu.wait_dma2 semaphore(%arg21 : memref<!tpu.dma_semaphore, #tpu.memory_space<semaphore_mem>>) src(%arg13 : memref<8192xf32, #tpu.memory_space<vmem>>) dst(%dma_wait3A_560 : memref<8192xf32, #tpu.memory_space<hbm>>)
    %add3A_561 = arith.constant 124 : i32
    %add3A_562 = arith.addi %mul3A_2, %add3A_561 : i32
    %add3A_563 = arith.constant 1 : i32
    %add3A_564 = arith.addi %add3A_562, %add3A_563 : i32
    %dma_wait3A_565 = arith.constant 0 : i32
    %dma_wait3A_566 = tpu.memref_slice %arg5[%add3A_564, %dma_wait3A_565] : memref<4096x8192xf32, #tpu.memory_space<hbm>> -> memref<1x8192xf32, #tpu.memory_space<hbm>>
    %dma_wait3A_567 = tpu.memref_squeeze %dma_wait3A_566 : memref<1x8192xf32, #tpu.memory_space<hbm>> -> memref<8192xf32, #tpu.memory_space<hbm>>
    %dma_wait3A_568 = arith.constant 0 : i32
    %dma_wait3A_569 = tpu.memref_slice %arg5[%add3A_564, %dma_wait3A_568] : memref<4096x8192xf32, #tpu.memory_space<hbm>> -> memref<1x8192xf32, #tpu.memory_space<hbm>>
    %dma_wait3A_570 = tpu.memref_squeeze %dma_wait3A_569 : memref<1x8192xf32, #tpu.memory_space<hbm>> -> memref<8192xf32, #tpu.memory_space<hbm>>
    tpu.wait_dma2 semaphore(%arg21 : memref<!tpu.dma_semaphore, #tpu.memory_space<semaphore_mem>>) src(%arg14 : memref<8192xf32, #tpu.memory_space<vmem>>) dst(%dma_wait3A_570 : memref<8192xf32, #tpu.memory_space<hbm>>)
    %add3A_571 = arith.constant 126 : i32
    %add3A_572 = arith.addi %mul3A_2, %add3A_571 : i32
    %add3A_573 = arith.constant 0 : i32
    %add3A_574 = arith.addi %add3A_572, %add3A_573 : i32
    %dma_wait3A_575 = arith.constant 0 : i32
    %dma_wait3A_576 = tpu.memref_slice %arg5[%add3A_574, %dma_wait3A_575] : memref<4096x8192xf32, #tpu.memory_space<hbm>> -> memref<1x8192xf32, #tpu.memory_space<hbm>>
    %dma_wait3A_577 = tpu.memref_squeeze %dma_wait3A_576 : memref<1x8192xf32, #tpu.memory_space<hbm>> -> memref<8192xf32, #tpu.memory_space<hbm>>
    %dma_wait3A_578 = arith.constant 0 : i32
    %dma_wait3A_579 = tpu.memref_slice %arg5[%add3A_574, %dma_wait3A_578] : memref<4096x8192xf32, #tpu.memory_space<hbm>> -> memref<1x8192xf32, #tpu.memory_space<hbm>>
    %dma_wait3A_580 = tpu.memref_squeeze %dma_wait3A_579 : memref<1x8192xf32, #tpu.memory_space<hbm>> -> memref<8192xf32, #tpu.memory_space<hbm>>
    tpu.wait_dma2 semaphore(%arg22 : memref<!tpu.dma_semaphore, #tpu.memory_space<semaphore_mem>>) src(%arg15 : memref<8192xf32, #tpu.memory_space<vmem>>) dst(%dma_wait3A_580 : memref<8192xf32, #tpu.memory_space<hbm>>)
    %add3A_581 = arith.constant 126 : i32
    %add3A_582 = arith.addi %mul3A_2, %add3A_581 : i32
    %add3A_583 = arith.constant 1 : i32
    %add3A_584 = arith.addi %add3A_582, %add3A_583 : i32
    %dma_wait3A_585 = arith.constant 0 : i32
    %dma_wait3A_586 = tpu.memref_slice %arg5[%add3A_584, %dma_wait3A_585] : memref<4096x8192xf32, #tpu.memory_space<hbm>> -> memref<1x8192xf32, #tpu.memory_space<hbm>>
    %dma_wait3A_587 = tpu.memref_squeeze %dma_wait3A_586 : memref<1x8192xf32, #tpu.memory_space<hbm>> -> memref<8192xf32, #tpu.memory_space<hbm>>
    %dma_wait3A_588 = arith.constant 0 : i32
    %dma_wait3A_589 = tpu.memref_slice %arg5[%add3A_584, %dma_wait3A_588] : memref<4096x8192xf32, #tpu.memory_space<hbm>> -> memref<1x8192xf32, #tpu.memory_space<hbm>>
    %dma_wait3A_590 = tpu.memref_squeeze %dma_wait3A_589 : memref<1x8192xf32, #tpu.memory_space<hbm>> -> memref<8192xf32, #tpu.memory_space<hbm>>
    tpu.wait_dma2 semaphore(%arg22 : memref<!tpu.dma_semaphore, #tpu.memory_space<semaphore_mem>>) src(%arg16 : memref<8192xf32, #tpu.memory_space<vmem>>) dst(%dma_wait3A_590 : memref<8192xf32, #tpu.memory_space<hbm>>)
    return
  }
}

</mosaic_0001>

<sc_bundles>
// kernel: kernel.3.cloned.1.call-start
scs
__scs_entry_jumppad:
0x0: {  	(pc) =	sbr.rel $0x88, $3  }
0x1: {  	(tag) =	ssettag $0x0;
	lr =	simm.s32 $0x1  }
0x2: {  	[smem:$0x3F9E] =	sst lr;
	_ =	strace $0xD0000000  }
0x3: {  	_ = 	snop  }
0x4: {  	_ = 	snop  }
0x5: {  	_ = 	snop  }
0x6: {  	_ = 	snop  }
0x7: {  	_ = 	snop  }
__scs_overlays_trampoline_lowered:
0x8: {  	[smem:$0x3FAD] =	sst s0  }
0x9: {  	[smem:$0x3FAE] =	sst s1  }
0xa: {  	[smem:$0x3FAF] =	sst s2  }
0xb: {  	[smem:$0x3FB0] =	sst s3  }
0xc: {  	[smem:$0x3FB1] =	sst s4  }
0xd: {  	[smem:$0x3FB2] =	sst s5  }
0xe: {  	[smem:$0x3FB3] =	sst s6  }
0xf: {  	[smem:$0x3FB4] =	sst s7  }
0x10: {  	[smem:$0x3FB5] =	sst s8  }
0x11: {  	[smem:$0x3FB6] =	sst s9;
	s0 =	simm.s32 @!p0 $0x0  }
0x12: {  	s1 =	sld [smem:$0x3F9C];
	s0 =	simm.s32 @p0 $0x1  }
0x13: {  	[smem:$0x3FB7] =	sst s0;
	s0 =	simm.s32 @!p1 $0x0  }
0x14: {  	s2 =	sld [smem:$0x3F9B];
	s0 =	simm.s32 @p1 $0x1  }
0x15: {  	[smem:$0x3FB8] =	sst s0;
	s0 =	simm.s32 @!p2 $0x0  }
0x16: {  	s3 =	sld [smem:$0x3FDB];
	s0 =	simm.s32 @p2 $0x1  }
0x17: {  	s4 =	simm.s32 $0x1BF5;
	[smem:$0x3FBA] =	sst s0  }
0x18: {  	s0 =	sld [smem:$0x3F9D];
	_ =	swait.ge [sflag:s4], $0x0  }
0x19: {  	s7 =	sld [smem:$0x3F9E]  }
0x1a: {  	s8 =	sadd.s32 $0xFFFFE003, lr  }
0x1b: {  	s9 =	sadd.s32 $0xFFFFFEF7, lr;
	s5 =	simm.s32 $0xFFFFFFFF;
	p2 =	slt.u32 s8, $0xFFFFF086  }
0x1c: {  	p1 =	slt.u32 s9, $0xF7A;
	s5 =	simm.s32 @!p2 $0x0  }
0x1d: {  	s5 =	simm.s32 @p1 $0x1;
	p0 =	seq.s32 s7, s2  }
0x1e: {  	s7 =	smul.u32 @!p0 $0xF7A, s2;
	p2 =	seq.s32 @!p0 s5, $0x0  }
0x1f: {  	s9 =	smul.u32 $0xF7A, s1;
	s8 =	simm.s32 @!p0 $0x1BF5;
	p2 =	por !p2, p0  }
0x20: {  	[sflag:s8] =	ssyncset.s32 @!p0 $0xFFFFF086;
	s6 =	sadd.s32 @!p0 s3, s7;
	s7 =	simm.s32 @!p0 $0x108  }
0x21: {  	s3 =	sadd.s32 s3, s9;
	s6 =	sadd.s32 @!p0 $0x88, s6;
	s7 =	simm.s32 @p2 $0x1082  }
0x22: {  	[simem:s7], [sflag:s8] =	dma.local @!p0 [hbm:s6], $0xF7A  }
0x23: {  	s9 =	sor.u32 $0xD0000000, s2;
	s6 =	simm.s32 $0x108;
	_ =	swait.ge @!p0 [sflag:s8], $0x0  }
0x24: {  	s3 =	sadd.s32 $0x88, s3;
	s6 =	simm.s32 @!p1 $0x1082;
	[sflag:s4] =	ssyncset.s32 $0xFFFFF086  }
0x25: {  	[simem:s6], [sflag:s4] =	dma.local [hbm:s3], $0xF7A  }
0x26: {  	[smem:$0x3F9E] =	sst s1;
	(tag) =	ssettag s2;
	_ =	strace s9  }
0x27: {  	s1 =	sld [smem:$0x3FAE]  }
0x28: {  	s2 =	sld [smem:$0x3FAF]  }
0x29: {  	s4 =	sld [smem:$0x3FB1]  }
0x2a: {  	p0 =	seq.s32 s5, $0x0;
	s5 =	sld [smem:$0x3FB2]  }
0x2b: {  	s6 =	sld [smem:$0x3FB3]  }
0x2c: {  	s7 =	sld [smem:$0x3FB4]  }
0x2d: {  	s3 =	simm.s32 $0x108;
	s8 =	sld [smem:$0x3FB5]  }
0x2e: {  	s3 =	simm.s32 @!p0 $0x1082;
	s9 =	sld [smem:$0x3FB6]  }
0x2f: {  	lr =	sadd.s32 s0, s3;
	s0 =	sld [smem:$0x3FAD]  }
0x30: {  	s3 =	sld [smem:$0x3FB0]  }
0x31: {  	[smem:$0x3FB9] =	sst s10  }
0x32: {  	s10 =	sld [smem:$0x3FB7];
	_ =	sdelay $0x3  }
0x33: {  	p0 =	seq.s32 s10, $0x1;
	s10 =	sld [smem:$0x3FB9];
	_ =	sdelay $0x3  }
0x34: {  	[smem:$0x3FB9] =	sst s10  }
0x35: {  	s10 =	sld [smem:$0x3FB8];
	_ =	sdelay $0x3  }
0x36: {  	p1 =	seq.s32 s10, $0x1;
	s10 =	sld [smem:$0x3FB9];
	_ =	sdelay $0x3  }
0x37: {  	[smem:$0x3FB9] =	sst s10  }
0x38: {  	s10 =	sld [smem:$0x3FBA]  }
0x39: {  	_ = 	snop;
	(pc) =	sbr.ind lr, $3  }
0x3a: {  	_ = 	snop  }
0x3b: {  	_ = 	snop  }
0x3c: {  	p2 =	seq.s32 s10, $0x1;
	s10 =	sld [smem:$0x3FB9]  }
0x3d: {  	_ =	shalt  }
0x3e: {  	_ =	shalt  }
0x3f: {  	_ =	shalt  }
0x40: {  	_ =	shalt  }
0x41: {  	_ =	shalt  }
0x42: {  	_ =	shalt  }
0x43: {  	_ =	shalt  }
0x44: {  	_ =	shalt  }
0x45: {  	_ =	shalt  }
0x46: {  	_ =	shalt  }
0x47: {  	_ =	shalt  }
0x48: {  	_ =	shalt  }
0x49: {  	_ =	shalt  }
0x4a: {  	_ =	shalt  }
0x4b: {  	_ =	shalt  }
0x4c: {  	_ =	shalt  }
0x4d: {  	_ =	shalt  }
0x4e: {  	_ =	shalt  }
0x4f: {  	_ =	shalt  }
0x50: {  	_ =	shalt  }
0x51: {  	_ =	shalt  }
0x52: {  	_ =	shalt  }
0x53: {  	_ =	shalt  }
0x54: {  	_ =	shalt  }
0x55: {  	_ =	shalt  }
0x56: {  	_ =	shalt  }
0x57: {  	_ =	shalt  }
0x58: {  	_ =	shalt  }
0x59: {  	_ =	shalt  }
0x5a: {  	_ =	shalt  }
0x5b: {  	_ =	shalt  }
0x5c: {  	_ =	shalt  }
0x5d: {  	_ =	shalt  }
0x5e: {  	_ =	shalt  }
0x5f: {  	_ =	shalt  }
0x60: {  	_ =	shalt  }
0x61: {  	_ =	shalt  }
0x62: {  	_ =	shalt  }
0x63: {  	_ =	shalt  }
0x64: {  	_ =	shalt  }
0x65: {  	_ =	shalt  }
0x66: {  	_ =	shalt  }
0x67: {  	_ =	shalt  }
0x68: {  	_ =	shalt  }
0x69: {  	_ =	shalt  }
0x6a: {  	_ =	shalt  }
0x6b: {  	_ =	shalt  }
0x6c: {  	_ =	shalt  }
0x6d: {  	_ =	shalt  }
0x6e: {  	_ =	shalt  }
0x6f: {  	_ =	shalt  }
0x70: {  	_ =	shalt  }
0x71: {  	_ =	shalt  }
0x72: {  	_ =	shalt  }
0x73: {  	_ =	shalt  }
0x74: {  	_ =	shalt  }
0x75: {  	_ =	shalt  }
0x76: {  	_ =	shalt  }
0x77: {  	_ =	shalt  }
0x78: {  	_ =	shalt  }
0x79: {  	_ =	shalt  }
0x7a: {  	_ =	shalt  }
0x7b: {  	_ =	shalt  }
0x7c: {  	_ =	shalt  }
0x7d: {  	_ =	shalt  }
0x7e: {  	_ =	shalt  }
0x7f: {  	_ =	shalt  }
0x80: {  	_ =	shalt  }
0x81: {  	_ =	shalt  }
0x82: {  	_ =	shalt  }
0x83: {  	_ =	shalt  }
0x84: {  	_ =	shalt  }
0x85: {  	_ =	shalt  }
0x86: {  	_ =	shalt  }
0x87: {  	_ =	shalt  }
.Lfunc_end0:
.L_simem_size_0:
called_computation_lowered:
.L_overlay_start_0:
0x88: {  	s2 =	sld [smem:$0x3FD9]  }
0x89: {  	s3 =	sld [smem:$0x3FFE];
	_ =	sdelay $0x1  }
0x8a: {  	s1 =	srdreg.scid  }
0x8b: {  	s0 =	sand.u32 $0x1, s1  }
0x8c: {  	s18 =	sshll.u32 s0, $0xA;
	s2 =	sadd.s32 s3, s2  }
0x8d: {  	s2 =	sadd.s32 s2, s18  }
0x8e: {  	[smem:$0x3FC5] =	sst s2  }
0x8f: {  	_ = 	snop  }
0x90: {  	s2 =	sld [smem:$0x3FC9]  }
0x91: {  	s19 =	sld [smem:$0x3FC8]  }
0x92: {  	s4 =	sld [smem:$0x3FC7]  }
0x93: {  	s5 =	sld [smem:$0x3FD0];
	(tm) =	ssettm $0x1  }
0x94: {  	s6 =	sld [smem:$0x3FFB];
	_ =	sdelay $0x3  }
0x95: {  	_ =	strace s6  }
0x96: {  	s6 =	sld [smem:$0x3FFC];
	_ =	sdelay $0x3  }
0x97: {  	_ =	strace s6  }
0x98: {  	s6 =	sld [smem:$0x3FFD];
	_ =	sdelay $0x3  }
0x99: {  	_ =	strace s6  }
0x9a: {  	_ =	strace $0x8FFFFFFF  }
0x9b: {  	s20 =	sld [smem:$0x3FDB];
	_ =	sdelay $0x1  }
0x9c: {  	s7 =	simm.s32 $_scs_section_size  }
0x9d: {  	s8 =	simm.s32 $_size__tile_overlayer_lowered;
	s9 =	simm.s32 $_tile_overlayer_lowered  }
0x9e: {  	s23 =	simm.s32 $0x1BFF;
	s22 =	sshll.u32 s9, $0x1;
	s6 =	sadd.s32 s7, s20  }
0x9f: {  	s10 =	simm.s32 $0x0;
	s21 =	sshll.u32 s8, $0x1;
	s8 =	sadd.s32 s22, s6  }
0xa0: {  	[timem:s10], [sflag:s23] =	dma.local [hbm:s8], s21  }
0xa1: {  	_ =	swait.ge [sflag:s23], s21  }
0xa2: {  	s7 =	ssub.s32 $0x0, s21;
	[sflag:s23] =	ssyncset.done $0x0  }
0xa3: {  	[sflag:s23] =	ssyncadd.s32 s7;
	_ =	sdelay $0x1  }
0xa4: {  	s24 =	simm.s32 $0x1B8B  }
0xa5: {  	_ =	swait.ge [sflag:s24], $0x1  }
0xa6: {  	[sflag:s24] =	ssyncset.done $0x0  }
0xa7: {  	s25 =	simm.s32 $0x1B8E;
	[sflag:s24] =	ssyncadd.s32 $0xFFFFFFFF  }
0xa8: {  	s26 =	simm.s32 $execute0_lowered;
	[smem:$0x3FD2] =	sst s25  }
0xa9: {  	s7 =	sshll.u32 s26, $0x1;
	_ =	strace $0x80000046;
	[dreg:$0x1] =	wrdreg $0xFFFFFFFF  }
0xaa: {  	s28 =	simm.s32 $_size_execute0_lowered;
	s6 =	sadd.s32 s6, s7;
	[dreg:$0x0] =	wrdreg $0x0  }
0xab: {  	s7 =	sshll.u32 s28, $0x1;
	[dreg:$0x2] =	wrdreg s6  }
0xac: {  	[dreg:$0x3] =	wrdreg s7  }
0xad: {  	[dreg:$0x4] =	wrdreg $0xC0  }
0xae: {  	_ =	task [dreg:s10], $0x5FFFF  }
0xaf: {  	[dreg:$0x1] =	wrdreg $0xFFFFFFFF  }
0xb0: {  	[dreg:$0x0] =	wrdreg $0x60  }
0xb1: {  	[dreg:$0x2] =	wrdreg s2  }
0xb2: {  	[dreg:$0x3] =	wrdreg s19  }
0xb3: {  	[dreg:$0x4] =	wrdreg s4  }
0xb4: {  	[dreg:$0x5] =	wrdreg s5  }
0xb5: {  	[dreg:$0x6] =	wrdreg $0x9  }
0xb6: {  	_ =	task.clear_ibuf [dreg:s10], $0x7FFFF;
	_ =	strace $0x90000046  }
0xb7: {  	s29 =	simm.s32 $0x9;
	_ =	strace $0x80000048  }
0xb8: {  	_ =	swait.ge [sflag:s29], $0x1  }
0xb9: {  	[sflag:s29] =	ssyncadd.s32 $0xFFFFFFFF  }
0xba: {  	_ =	strace $0x90000048  }
0xbb: {  	_ =	sfence  }
0xbc: {  	s30 =	sld [smem:$0x0];
	_ =	sdelay $0x2  }
0xbd: {  	s31 =	sshll.u32 s1, $0xD;
	s1 =	sshrl.u32 s1, $0x2  }
0xbe: {  	s3 =	sand.u32 $0x4000, s31;
	s1 =	sadd.s32 s1, s30  }
0xbf: {  	s0 =	sor.u32 s3, s0;
	s1 =	sshll.u32 s1, $0x11  }
0xc0: {  	s0 =	sor.u32 s1, s0  }
0xc1: {  	s0 =	sadd.s32 $0x8F2B, s0  }
0xc2: {  	[sflag:s0] =	ssyncadd.remote.s32 $0x1  }
0xc3: {  	_ =	sfence.sel $0xFFFF  }
0xc4: {  	[dreg:$0x0] =	wrdreg $0xFFFFFFFF;
	(pc) =	sbr.abs _section_cstart, $3  }
0xc5: {  	[dreg:$0x1] =	wrdreg $0xFFFFFFFF  }
0xc6: {  	_ =	task.clear_ibuf [dreg:s10], $0x2FFFF;
	_ =	strace $0x9FFFFFFF  }
0xc7: {  	(tm) =	ssettm $0x7FFFFFFF  }
tec
execute0_lowered:
.L_overlay_start_1:
0x0: {  	(tag) =	ssettag $0x1  }
0x1: {  	s3 =	rddreg [dreg:$0x0]  }
0x2: {  	s4 =	rddreg [dreg:$0x3];
	s5 =	simm.s32 $0x0  }
0x3: {  	s0 =	srdreg.scid;
	[smem:$0x7FF] =	sst s5;
	s8 =	sadd.s32 $0x10, s4  }
0x4: {  	s11 =	sadd.s32 $0x30, s4;
	_ =	strace $0x80000047;
	[dreg:$0x9] =	wrdreg s8  }
0x5: {  	s1 =	stileid.u32;
	s14 =	sadd.s32 $0x50, s4;
	[dreg:$0xf] =	wrdreg s11  }
0x6: {  	s0 =	sand.u32 $0x1, s0;
	s7 =	sadd.s32 $0x20, s3;
	[dreg:$0x16] =	wrdreg s14  }
0x7: {  	s1 =	sshll.u32 s1, $0x8;
	s26 =	sadd.s32 $0x40, s3;
	[dreg:$0x7] =	wrdreg s7  }
0x8: {  	s28 =	sadd.s32 $0x20, s4;
	s29 =	sadd.s32 $0x40, s4;
	[dreg:$0xc] =	wrdreg s26  }
0x9: {  	s15 =	sadd.s32 $0x60, s4;
	s2 =	sshll.u32 s0, $0x7;
	[dreg:$0xe] =	wrdreg s28  }
0xa: {  	s0 =	ssub.s32 $0x2, s0;
	[dreg:$0x14] =	wrdreg s29;
	s5 =	sor.u32 s2, s1  }
0xb: {  	[dreg:$0x18] =	wrdreg s15;
	s23 =	sshrl.u32 s0, $0x1;
	s2 =	sshll.u32 s5, $0x9  }
0xc: {  	s0 =	ssub.s32 s0, s23;
	[dreg:$0x5] =	wrdreg s5;
	s23 =	sor.u32 $0x8, s5  }
0xd: {  	s25 =	sshll.u32 s5, $0xA;
	s24 =	sadd.s32 s2, s7;
	[smem:$0x7F8] =	sst s23  }
0xe: {  	s8 =	sadd.s32 s25, s8;
	[dreg:$0x8] =	wrdreg s24  }
0xf: {  	s10 =	sadd.s32 s2, s26;
	[dreg:$0xb] =	wrdreg s8  }
0x10: {  	s12 =	sadd.s32 s25, s28;
	[dreg:$0xd] =	wrdreg s10  }
0x11: {  	s11 =	sadd.s32 s25, s11;
	[dreg:$0x10] =	wrdreg s12  }
0x12: {  	s13 =	sadd.s32 s25, s29;
	[dreg:$0x11] =	wrdreg s11  }
0x13: {  	s9 =	sadd.s32 s4, s25;
	s4 =	sadd.s32 $0x70, s4;
	[dreg:$0x15] =	wrdreg s13  }
0x14: {  	s6 =	sadd.s32 s3, s2;
	s3 =	sadd.s32 $0x60, s3;
	[dreg:$0x19] =	wrdreg s4  }
0x15: {  	s0 =	smax.u32 s0, $0x1;
	[dreg:$0x12] =	wrdreg s3  }
0x16: {  	[smem:$0x7F6] =	sst s0  }
0x17: {  	[dreg:$0x6] =	wrdreg s6  }
0x18: {  	s2 =	sadd.s32 s2, s3;
	[dreg:$0xa] =	wrdreg s9  }
0x19: {  	s13 =	sadd.s32 s25, s15;
	[dreg:$0x13] =	wrdreg s2  }
0x1a: {  	s1 =	sadd.s32 s25, s4;
	[dreg:$0x1a] =	wrdreg s13  }
0x1b: {  	s30 =	simm.s32 $0x100;
	s22 =	sadd.s32 $0x1000, s6;
	[dreg:$0x1b] =	wrdreg s1  }
0x1c: {  	s12 =	sshrl.u32 s5, $0x3;
	s24 =	sadd.s32 $0x1E000, s9;
	[smem:$0x7F7] =	sst s22  }
0x1d: {  	s2 =	sor.u32 $0xF, s12;
	s12 =	sadd.s32 s25, s14;
	[smem:$0x7F9] =	sst s24  }
0x1e: {  	s25 =	sadd.s32 $0x1E010, s9;
	[dreg:$0x17] =	wrdreg s12;
	s16 =	sshll.u32 s2, $0xC  }
0x1f: {  	s31 =	simm.s32 $0x400;
	[smem:$0x7FA] =	sst s25;
	s17 =	sadd.s32 s16, s7  }
0x20: {  	s23 =	simm.s32 $0xE000;
	s18 =	sadd.s32 s16, s26;
	[dreg:$0x1c] =	wrdreg s17  }
0x21: {  	s2 =	sshll.u32 s2, $0xD;
	s1 =	sadd.s32 s16, s3;
	[dreg:$0x1d] =	wrdreg s18  }
0x22: {  	s6 =	simm.s32 $0x6000;
	s19 =	sadd.s32 s2, s28;
	[dreg:$0x1e] =	wrdreg s1  }
0x23: {  	s10 =	simm.s32 $0x8000;
	s20 =	sadd.s32 s2, s29;
	[dreg:$0x1f] =	wrdreg s19  }
0x24: {  	s8 =	simm.s32 $0x12000;
	s21 =	sadd.s32 s2, s15;
	[smem:$0x7F4] =	sst s20  }
0x25: {  	s25 =	simm.s32 $0x10000;
	s26 =	sadd.s32 $0x1E030, s9;
	[smem:$0x7F5] =	sst s21  }
0x26: {  	s12 =	simm.s32 $0x14000;
	s28 =	sadd.s32 $0x1E050, s9;
	[smem:$0x7FB] =	sst s26  }
0x27: {  	s29 =	sadd.s32 $0x1E070, s9;
	s2 =	simm.s32 $0x0;
	[smem:$0x7FC] =	sst s28  }
0x28: {  	v0 =	vimm.f32 $0.0e+00;
	[smem:$0x7FD] =	sst s29;
	s19 =	simm.s32 $0xA000;
	s21 =	simm.s32 $0xC000  }
.LBB2_1:
0x29: {  	[smem:$0x7F3] =	sst s2  }
0x2a: {  	s0 =	rddreg [dreg:$0x1];
	s1 =	simm.s32 $0x0  }
0x2b: {  	[tilespmem:s1], [sflag:$0x3] =	stream.linear.gather [hbm4b:s0+s1], $0x1000, $0x38;
	[tilespmem:$0x16000] =	vst v63  }
0x2c: {  	s18 =	rddreg [dreg:$0x2];
	s20 =	simm.s32 $0x1000  }
0x2d: {  	[tilespmem:s20], [sflag:$0x4] =	stream.linear.gather [hbm4b:s18+s1], $0x1000, $0x38;
	[tilespmem:$0x16000] =	vst v63  }
0x2e: {  	s22 =	rddreg [dreg:$0x6];
	s24 =	simm.s32 $0x2000;
	s26 =	simm.s32 $0x6040  }
0x2f: {  	[tilespmem:s24], [sflag:$0x1] =	stream.strided.gather [hbm4b:s22+s30], $0x2000, s31, s30, $0x38;
	[tilespmem:$0x16000] =	vst v63  }
0x30: {  	[tilespmem:s26+$0xFFFFFFE0] =	vst v0  }
0x31: {  	[tilespmem:s26+$0xFFFFFFF0] =	vst v0  }
0x32: {  	[tilespmem:s26+$0x10] =	vst v0  }
0x33: {  	[tilespmem:s26+$0xFFFFFFD0] =	vst v0  }
0x34: {  	[tilespmem:s26+$0x0] =	vst v0  }
0x35: {  	[tilespmem:s26+$0x30] =	vst v0  }
0x36: {  	[tilespmem:s26+$0xFFFFFFC0] =	vst v0  }
0x37: {  	s16 =	simm.s32 $0x8040;
	[tilespmem:s26+$0x20] =	vst v0  }
0x38: {  	[tilespmem:s16+$0x20] =	vst v0  }
0x39: {  	[tilespmem:s16+$0xFFFFFFC0] =	vst v0  }
0x3a: {  	[tilespmem:s16+$0x30] =	vst v0  }
0x3b: {  	[tilespmem:s16+$0x0] =	vst v0  }
0x3c: {  	[tilespmem:s16+$0xFFFFFFD0] =	vst v0  }
0x3d: {  	s20 =	simm.s32 $0xA040;
	[tilespmem:s16+$0x10] =	vst v0  }
0x3e: {  	[tilespmem:s20+$0x20] =	vst v0  }
0x3f: {  	[tilespmem:s20+$0xFFFFFFC0] =	vst v0  }
0x40: {  	[tilespmem:s20+$0x30] =	vst v0  }
0x41: {  	[tilespmem:s20+$0x10] =	vst v0  }
0x42: {  	[tilespmem:s20+$0xFFFFFFD0] =	vst v0  }
0x43: {  	s17 =	simm.s32 $0xC040;
	[tilespmem:s20+$0x0] =	vst v0  }
0x44: {  	[tilespmem:s17+$0x20] =	vst v0  }
0x45: {  	[tilespmem:s17+$0x30] =	vst v0  }
0x46: {  	[tilespmem:s17+$0xFFFFFFC0] =	vst v0  }
0x47: {  	s14 =	simm.s32 $0xE040;
	[tilespmem:s17+$0x10] =	vst v0  }
0x48: {  	[tilespmem:s14+$0x20] =	vst v0  }
0x49: {  	[tilespmem:s14+$0xFFFFFFC0] =	vst v0  }
0x4a: {  	s9 =	simm.s32 $0x10040;
	[tilespmem:s14+$0x30] =	vst v0  }
0x4b: {  	[tilespmem:s9+$0x20] =	vst v0  }
0x4c: {  	s7 =	simm.s32 $0x12040;
	[tilespmem:s9+$0xFFFFFFC0] =	vst v0  }
0x4d: {  	s11 =	simm.s32 $0x14040;
	[tilespmem:s7+$0x20] =	vst v0  }
0x4e: {  	s28 =	simm.s32 $0x100C0;
	s4 =	simm.s32 $0x60C0;
	s29 =	simm.s32 $0xC0C0;
	[tilespmem:s7+$0xFFFFFFC0] =	vst v0  }
0x4f: {  	s2 =	simm.s32 $0xE0C0;
	s15 =	simm.s32 $0x8040;
	s24 =	simm.s32 $0x0;
	[tilespmem:s11+$0x20] =	vst v0  }
0x50: {  	s31 =	simm.s32 $0x140C0;
	s22 =	simm.s32 $0xA040;
	s26 =	simm.s32 $0x120C0;
	[tilespmem:s11+$0xFFFFFFC0] =	vst v0  }
.LBB2_2:
0x51: {  	s24 =	sadd.s32 $0x8, s24;
	[tilespmem:s17+$0x0] =	vst v0;
	s16 =	sadd.s32 $0x80, s16;
	s20 =	sadd.s32 $0x80, s20  }
0x52: {  	p0 =	slt.u32 s24, $0x1F8;
	[tilespmem:s15+$0xFFFFFFE0] =	vst v0  }
0x53: {  	[tilespmem:s14+$0x10] =	vst v0  }
0x54: {  	[tilespmem:s9+$0x10] =	vst v0  }
0x55: {  	[tilespmem:s17+$0xFFFFFFD0] =	vst v0  }
0x56: {  	[tilespmem:s15+$0xFFFFFFF0] =	vst v0;
	s15 =	smov.u32 s16  }
0x57: {  	[tilespmem:s14+$0x0] =	vst v0  }
0x58: {  	[tilespmem:s9+$0x0] =	vst v0  }
0x59: {  	[tilespmem:s7+$0x0] =	vst v0  }
0x5a: {  	[tilespmem:s11+$0x0] =	vst v0  }
0x5b: {  	[tilespmem:s22+$0xFFFFFFE0] =	vst v0  }
0x5c: {  	[tilespmem:s7+$0x10] =	vst v0  }
0x5d: {  	[tilespmem:s9+$0x30] =	vst v0  }
0x5e: {  	[tilespmem:s14+$0xFFFFFFD0] =	vst v0  }
0x5f: {  	[tilespmem:s22+$0xFFFFFFF0] =	vst v0;
	s22 =	smov.u32 s20  }
0x60: {  	[tilespmem:s9+$0xFFFFFFD0] =	vst v0  }
0x61: {  	[tilespmem:s17+$0xFFFFFFF0] =	vst v0  }
0x62: {  	[tilespmem:s14+$0xFFFFFFF0] =	vst v0  }
0x63: {  	[tilespmem:s11+$0x10] =	vst v0  }
0x64: {  	[tilespmem:s17+$0xFFFFFFE0] =	vst v0;
	s17 =	smov.u32 s29  }
0x65: {  	[tilespmem:s7+$0x30] =	vst v0  }
0x66: {  	[tilespmem:s11+$0x30] =	vst v0  }
0x67: {  	[tilespmem:s7+$0xFFFFFFD0] =	vst v0  }
0x68: {  	[tilespmem:s14+$0xFFFFFFE0] =	vst v0;
	s14 =	smov.u32 s2  }
0x69: {  	[tilespmem:s9+$0xFFFFFFE0] =	vst v0  }
0x6a: {  	[tilespmem:s11+$0xFFFFFFD0] =	vst v0  }
0x6b: {  	[tilespmem:s9+$0xFFFFFFF0] =	vst v0;
	s9 =	smov.u32 s28  }
0x6c: {  	[tilespmem:s7+$0xFFFFFFE0] =	vst v0  }
0x6d: {  	[tilespmem:s11+$0xFFFFFFE0] =	vst v0  }
0x6e: {  	[tilespmem:s7+$0xFFFFFFF0] =	vst v0;
	s7 =	smov.u32 s26  }
0x6f: {  	[tilespmem:s11+$0xFFFFFFF0] =	vst v0;
	s11 =	smov.u32 s31  }
0x70: {  	[tilespmem:s4+$0xFFFFFFE0] =	vst v0  }
0x71: {  	[tilespmem:s4+$0xFFFFFFF0] =	vst v0  }
0x72: {  	[tilespmem:s4+$0x10] =	vst v0  }
0x73: {  	[tilespmem:s4+$0xFFFFFFD0] =	vst v0  }
0x74: {  	[tilespmem:s4+$0x0] =	vst v0  }
0x75: {  	[tilespmem:s4+$0x30] =	vst v0  }
0x76: {  	[tilespmem:s4+$0xFFFFFFC0] =	vst v0  }
0x77: {  	[tilespmem:s4+$0x20] =	vst v0  }
0x78: {  	[tilespmem:s16+$0x20] =	vst v0  }
0x79: {  	[tilespmem:s20+$0x20] =	vst v0  }
0x7a: {  	[tilespmem:s29+$0x20] =	vst v0  }
0x7b: {  	[tilespmem:s2+$0x20] =	vst v0  }
0x7c: {  	[tilespmem:s28+$0x20] =	vst v0  }
0x7d: {  	[tilespmem:s26+$0x20] =	vst v0  }
0x7e: {  	[tilespmem:s31+$0x20] =	vst v0  }
0x7f: {  	[tilespmem:s16+$0xFFFFFFC0] =	vst v0  }
0x80: {  	[tilespmem:s20+$0xFFFFFFC0] =	vst v0  }
0x81: {  	[tilespmem:s16+$0x30] =	vst v0  }
0x82: {  	[tilespmem:s20+$0x30] =	vst v0  }
0x83: {  	[tilespmem:s29+$0x30] =	vst v0  }
0x84: {  	[tilespmem:s29+$0xFFFFFFC0] =	vst v0  }
0x85: {  	[tilespmem:s16+$0x0] =	vst v0  }
0x86: {  	[tilespmem:s16+$0xFFFFFFD0] =	vst v0  }
0x87: {  	[tilespmem:s2+$0xFFFFFFC0] =	vst v0  }
0x88: {  	[tilespmem:s16+$0x10] =	vst v0  }
0x89: {  	[tilespmem:s20+$0x10] =	vst v0  }
0x8a: {  	[tilespmem:s29+$0x10] =	vst v0  }
0x8b: {  	[tilespmem:s20+$0xFFFFFFD0] =	vst v0  }
.Ltmp0:
0x8c: {  	[tilespmem:s2+$0x30] =	vst v0;
	(pc) =	sbr.rel @p0 .LBB2_2-.Ltmp0, $4  }
0x8d: {  	[tilespmem:s20+$0x0] =	vst v0  }
0x8e: {  	[tilespmem:s28+$0xFFFFFFC0] =	vst v0  }
0x8f: {  	s26 =	sadd.s32 $0x80, s26;
	s31 =	sadd.s32 $0x80, s31;
	s28 =	sadd.s32 $0x80, s28;
	[tilespmem:s7+$0xFFFFFFC0] =	vst v0  }
0x90: {  	s4 =	sadd.s32 $0x80, s4;
	s29 =	sadd.s32 $0x80, s29;
	s2 =	sadd.s32 $0x80, s2;
	[tilespmem:s11+$0xFFFFFFC0] =	vst v0  }
0x91: {  	[tilespmem:s17+$0x0] =	vst v0  }
0x92: {  	[tilespmem:s15+$0xFFFFFFE0] =	vst v0  }
0x93: {  	[tilespmem:s14+$0x10] =	vst v0  }
0x94: {  	[tilespmem:s17+$0xFFFFFFD0] =	vst v0  }
0x95: {  	[tilespmem:s15+$0xFFFFFFF0] =	vst v0  }
0x96: {  	[tilespmem:s9+$0x30] =	vst v0  }
0x97: {  	[tilespmem:s9+$0x10] =	vst v0  }
0x98: {  	[tilespmem:s14+$0x0] =	vst v0  }
0x99: {  	[tilespmem:s22+$0xFFFFFFE0] =	vst v0  }
0x9a: {  	[tilespmem:s14+$0xFFFFFFD0] =	vst v0  }
0x9b: {  	[tilespmem:s22+$0xFFFFFFF0] =	vst v0  }
0x9c: {  	[tilespmem:s7+$0x30] =	vst v0  }
0x9d: {  	[tilespmem:s9+$0x0] =	vst v0  }
0x9e: {  	[tilespmem:s7+$0x10] =	vst v0  }
0x9f: {  	[tilespmem:s9+$0xFFFFFFD0] =	vst v0  }
0xa0: {  	[tilespmem:s17+$0xFFFFFFF0] =	vst v0  }
0xa1: {  	[tilespmem:s17+$0xFFFFFFE0] =	vst v0  }
0xa2: {  	[tilespmem:s11+$0x30] =	vst v0  }
0xa3: {  	[tilespmem:s7+$0x0] =	vst v0  }
0xa4: {  	[tilespmem:s14+$0xFFFFFFF0] =	vst v0  }
0xa5: {  	[tilespmem:s11+$0x10] =	vst v0  }
0xa6: {  	[tilespmem:s7+$0xFFFFFFD0] =	vst v0  }
0xa7: {  	[tilespmem:s14+$0xFFFFFFE0] =	vst v0  }
0xa8: {  	[tilespmem:s11+$0x0] =	vst v0  }
0xa9: {  	[tilespmem:s9+$0xFFFFFFE0] =	vst v0  }
0xaa: {  	[tilespmem:s11+$0xFFFFFFD0] =	vst v0  }
0xab: {  	[tilespmem:s9+$0xFFFFFFF0] =	vst v0  }
0xac: {  	[tilespmem:s7+$0xFFFFFFE0] =	vst v0  }
0xad: {  	[tilespmem:s7+$0xFFFFFFF0] =	vst v0  }
0xae: {  	[tilespmem:s11+$0xFFFFFFE0] =	vst v0  }
0xaf: {  	s0 =	simm.s32 $0x3;
	[tilespmem:s11+$0xFFFFFFF0] =	vst v0  }
0xb0: {  	_ =	swait.ge [sflag:s0], $0x1000  }
0xb1: {  	[sflag:s0] =	ssyncset.done $0x0  }
0xb2: {  	s4 =	simm.s32 $0x4;
	[sflag:s0] =	ssyncadd.s32 $0xFFFFF000  }
0xb3: {  	_ =	swait.ge [sflag:s4], $0x1000  }
0xb4: {  	[sflag:s4] =	ssyncset.done $0x0  }
0xb5: {  	s5 =	simm.s32 $0x1;
	[sflag:s4] =	ssyncadd.s32 $0xFFFFF000  }
0xb6: {  	_ =	swait.ge [sflag:s5], $0x2000  }
0xb7: {  	s1 =	simm.s32 $0x400;
	[sflag:s5] =	ssyncset.done $0x0  }
0xb8: {  	s2 =	simm.s32 $0x4000;
	s7 =	rddreg [dreg:$0x8];
	[sflag:s5] =	ssyncadd.s32 $0xFFFFE000  }
0xb9: {  	[tilespmem:s2], [sflag:$0x2] =	stream.strided.gather [hbm4b:s7+s30], $0x2000, s1, s30, $0x38;
	[tilespmem:$0x16000] =	vst v63  }
0xba: {  	s2 =	simm.s32 $0x0  }
0xbb: {  	s9 =	sand.u32 $0x40, s2  }
0xbc: {  	s4 =	simm.s32 $0x1000;
	s13 =	sand.u32 $0xF80, s2;
	s16 =	sor.u32 $0x30, s9  }
0xbd: {  	v6 =	vld [tilespmem:s4+$0x0];
	s17 =	sand.u32 $0x1F00, s2;
	s18 =	sor.u32 s13, s16  }
0xbe: {  	s14 =	sor.u32 $0x2000, s17;
	v7 =	vld [tilespmem:s18+$0x1000]  }
0xbf: {  	s11 =	sor.u32 s16, s14;
	v8 =	vld [tilespmem:s18+$0x0]  }
0xc0: {  	v2 =	vld [tilespmem:s11+$0x0]  }
0xc1: {  	p0 =	por $0x0, $0x0;
	v1 =	vld [tilespmem:s2+$0x0];
	s20 =	sor.u32 $0x10, s9;
	s22 =	sor.u32 s9, s14  }
0xc2: {  	s15 =	simm.s32 $0x1;
	s7 =	sor.u32 $0x20, s9;
	s16 =	sor.u32 s13, s20;
	v9 =	vld [tilespmem:s22+$0x0]  }
0xc3: {  	s15 =	simm.s32 @!p0 $0x0;
	s9 =	sor.u32 s13, s7;
	v4 =	vld [tilespmem:s16+$0x1000]  }
0xc4: {  	s24 =	sshll.u32 s15, $0x6;
	s11 =	sor.u32 s20, s14;
	v5 =	vld [tilespmem:s9+$0x1000]  }
0xc5: {  	v10 =	vld [tilespmem:s11+$0x0];
	s11 =	sadd.s32 $0x0, s24;
	v3 =	vmul.f32 v2, v7  }
0xc6: {  	s26 =	sadd.s32 $0x30, s11;
	v2 =	vld [tilespmem:s16+$0x0]  }
0xc7: {  	s15 =	sor.u32 $0x80, s26;
	[tilespmem:v8+s6+$0x0] =	vst.idx.add.f32.msk $0xffff, v3  }
0xc8: {  	v11 =	vld [tilespmem:s15+$0x2000]  }
0xc9: {  	s7 =	sor.u32 s7, s14;
	v9 =	vmul.f32 v9, v6;
	v3 =	vld [tilespmem:s9+$0x0]  }
0xca: {  	v12 =	vld [tilespmem:s7+$0x0]  }
0xcb: {  	s28 =	sor.u32 $0x80, s11;
	[tilespmem:v1+s6+$0x0] =	vst.idx.add.f32.msk $0xffff, v9  }
0xcc: {  	v10 =	vmul.f32 v10, v4;
	v9 =	vld [tilespmem:s28+$0x2000]  }
0xcd: {  	v7 =	vmul.f32 v11, v7  }
0xce: {  	s29 =	sadd.s32 $0x10, s11;
	[tilespmem:v2+s6+$0x0] =	vst.idx.add.f32.msk $0xffff, v10  }
0xcf: {  	s7 =	sor.u32 $0x80, s29;
	v10 =	vmul.f32 v12, v5;
	[tilespmem:v8+s10+$0x0] =	vst.idx.add.f32.msk $0xffff, v7  }
0xd0: {  	s31 =	sadd.s32 $0x20, s11;
	v7 =	vld [tilespmem:s7+$0x2000]  }
0xd1: {  	s9 =	sor.u32 $0x80, s31;
	[tilespmem:v3+s6+$0x0] =	vst.idx.add.f32.msk $0xffff, v10;
	v8 =	vmul.f32 v9, v6  }
0xd2: {  	s11 =	simm.s32 $0x40;
	s7 =	simm.s32 $0x0;
	v6 =	vld [tilespmem:s9+$0x2000];
	s9 =	simm.s32 $0x40  }
.LBB2_4:
0xd3: {  	s14 =	sand.u32 $0x40, s9;
	[tilespmem:v1+s10+$0x0] =	vst.idx.add.f32.msk $0xffff, v8;
	s2 =	sadd.s32 $0x80, s2;
	s4 =	sadd.s32 $0x40, s4  }
0xd4: {  	s15 =	sand.u32 $0xF80, s9;
	s7 =	sadd.s32 $0x4, s7;
	v8 =	vld [tilespmem:s4+$0x0];
	s16 =	sor.u32 $0x30, s14  }
0xd5: {  	s17 =	sand.u32 $0x1F00, s2;
	p1 =	slt.u32 s7, $0xFC;
	v1 =	vld [tilespmem:s11+$0x0];
	s20 =	sor.u32 s15, s16;
	v7 =	vmul.f32 v7, v4  }
0xd6: {  	s22 =	sor.u32 $0x10, s14;
	s24 =	sor.u32 $0x20, s14;
	s17 =	sor.u32 $0x2000, s17;
	v9 =	vld [tilespmem:s20+$0x1000]  }
0xd7: {  	s26 =	sor.u32 s15, s22;
	s15 =	sor.u32 s15, s24;
	s16 =	sor.u32 s16, s17;
	v10 =	vld [tilespmem:s20+$0x0];
	v6 =	vmul.f32 v6, v5  }
0xd8: {  	s14 =	sor.u32 s14, s17;
	s20 =	sor.u32 s22, s17;
	s17 =	sor.u32 s24, s17;
	v11 =	vld [tilespmem:s16+$0x0]  }
0xd9: {  	v12 =	vld [tilespmem:s14+$0x0]  }
0xda: {  	p0 =	por !p0, !p0;
	s14 =	simm.s32 $0x1;
	v4 =	vld [tilespmem:s26+$0x1000]  }
0xdb: {  	s14 =	simm.s32 @!p0 $0x0;
	v13 =	vld [tilespmem:s20+$0x0]  }
0xdc: {  	s14 =	sshll.u32 s14, $0x6;
	v5 =	vld [tilespmem:s15+$0x1000]  }
0xdd: {  	s14 =	sadd.s32 s14, s2;
	v14 =	vld [tilespmem:s17+$0x0];
	v11 =	vmul.f32 v11, v9  }
0xde: {  	s16 =	sadd.s32 $0x10, s14;
	s17 =	sadd.s32 $0x20, s14;
	s20 =	sadd.s32 $0x30, s14;
	v12 =	vmul.f32 v12, v8;
	v15 =	vld [tilespmem:s26+$0x0]  }
0xdf: {  	s16 =	sor.u32 $0x80, s16;
	s17 =	sor.u32 $0x80, s17;
	s20 =	sor.u32 $0x80, s20;
	[tilespmem:v10+s6+$0x0] =	vst.idx.add.f32.msk $0xffff, v11  }
0xe0: {  	s14 =	sor.u32 $0x80, s14;
	v11 =	vmul.f32 v13, v4;
	v13 =	vld [tilespmem:s20+$0x2000]  }
0xe1: {  	v16 =	vld [tilespmem:s15+$0x0]  }
0xe2: {  	[tilespmem:v1+s6+$0x0] =	vst.idx.add.f32.msk $0xffff, v12;
	v12 =	vmul.f32 v14, v5  }
0xe3: {  	v14 =	vld [tilespmem:s14+$0x2000]  }
0xe4: {  	[tilespmem:v2+s10+$0x0] =	vst.idx.add.f32.msk $0xffff, v7;
	v2 =	vmov v15  }
0xe5: {  	v7 =	vmul.f32 v13, v9;
	[tilespmem:v3+s10+$0x0] =	vst.idx.add.f32.msk $0xffff, v6  }
.Ltmp1:
0xe6: {  	[tilespmem:v15+s6+$0x0] =	vst.idx.add.f32.msk $0xffff, v11;
	v3 =	vmov v16;
	(pc) =	sbr.rel @p1 .LBB2_4-.Ltmp1, $4  }
0xe7: {  	[tilespmem:v10+s10+$0x0] =	vst.idx.add.f32.msk $0xffff, v7  }
0xe8: {  	v8 =	vmul.f32 v14, v8;
	v7 =	vld [tilespmem:s16+$0x2000]  }
0xe9: {  	[tilespmem:v16+s6+$0x0] =	vst.idx.add.f32.msk $0xffff, v12  }
0xea: {  	s9 =	sadd.s32 $0x40, s9;
	s11 =	sadd.s32 $0x40, s11;
	v6 =	vld [tilespmem:s17+$0x2000]  }
0xeb: {  	_ =	sdelay $0x2  }
0xec: {  	v4 =	vmul.f32 v7, v4  }
0xed: {  	[tilespmem:v1+s10+$0x0] =	vst.idx.add.f32.msk $0xffff, v8;
	v1 =	vmul.f32 v6, v5  }
0xee: {  	[tilespmem:v2+s10+$0x0] =	vst.idx.add.f32.msk $0xffff, v4  }
0xef: {  	[tilespmem:v3+s10+$0x0] =	vst.idx.add.f32.msk $0xffff, v1  }
0xf0: {  	s2 =	simm.s32 $0x80;
	s0 =	rddreg [dreg:$0xa]  }
0xf1: {  	[hbm4b:s0+s2] =	stream.strided.scatter [tilespmem:s6], [sflag:$0x3], $0x2000, s1, s2, $0x38;
	[tilespmem:$0x16000] =	vst v63  }
0xf2: {  	s17 =	simm.s32 $0x2;
	s20 =	simm.s32 $0x2000;
	s16 =	rddreg [dreg:$0xb]  }
0xf3: {  	[hbm4b:s16+s2] =	stream.strided.scatter [tilespmem:s10], [sflag:$0x3], $0x2000, s1, s2, $0x38;
	[tilespmem:$0x16000] =	vst v63  }
0xf4: {  	s4 =	simm.s32 $0x1000;
	s2 =	simm.s32 $0x0;
	_ =	swait.ge [sflag:s17], $0x2000  }
0xf5: {  	s7 =	sand.u32 $0x40, s2;
	s9 =	sand.u32 $0xF80, s2;
	[sflag:s17] =	ssyncset.done $0x0  }
0xf6: {  	s18 =	rddreg [dreg:$0xd];
	s11 =	sor.u32 $0x30, s7;
	[sflag:s17] =	ssyncadd.s32 $0xFFFFE000  }
0xf7: {  	[tilespmem:s20], [sflag:$0x1] =	stream.strided.gather [hbm4b:s18+s30], $0x2000, s1, s30, $0x38;
	[tilespmem:$0x16000] =	vst v63  }
0xf8: {  	s14 =	sand.u32 $0x1F00, s2;
	s15 =	sor.u32 s9, s11;
	v6 =	vld [tilespmem:s4+$0x0]  }
0xf9: {  	s16 =	sor.u32 $0x4000, s14;
	v7 =	vld [tilespmem:s15+$0x1000]  }
0xfa: {  	s22 =	sor.u32 s11, s16;
	v8 =	vld [tilespmem:s15+$0x0]  }
0xfb: {  	v2 =	vld [tilespmem:s22+$0x0]  }
0xfc: {  	s24 =	sor.u32 $0x10, s7;
	s17 =	sor.u32 s7, s16;
	v1 =	vld [tilespmem:s2+$0x0]  }
0xfd: {  	s26 =	sor.u32 $0x20, s7;
	s20 =	sor.u32 s9, s24;
	v9 =	vld [tilespmem:s17+$0x0]  }
0xfe: {  	s9 =	sor.u32 s9, s26;
	v5 =	vld [tilespmem:s20+$0x1000]  }
0xff: {  	s22 =	sor.u32 s24, s16;
	v4 =	vld [tilespmem:s9+$0x1000]  }
0x100: {  	v10 =	vld [tilespmem:s22+$0x0];
	v3 =	vmul.f32 v2, v7  }
0x101: {  	s14 =	sor.u32 $0x4080, s14;
	v2 =	vld [tilespmem:s20+$0x0]  }
0x102: {  	s11 =	sor.u32 s11, s14;
	[tilespmem:v8+s19+$0x0] =	vst.idx.add.f32.msk $0xffff, v3  }
0x103: {  	v11 =	vld [tilespmem:s11+$0x0]  }
0x104: {  	s28 =	sor.u32 s26, s16;
	v9 =	vmul.f32 v9, v6;
	v3 =	vld [tilespmem:s9+$0x0]  }
0x105: {  	v12 =	vld [tilespmem:s28+$0x0]  }
0x106: {  	s7 =	sor.u32 s7, s14;
	[tilespmem:v1+s19+$0x0] =	vst.idx.add.f32.msk $0xffff, v9  }
0x107: {  	v10 =	vmul.f32 v10, v5;
	v9 =	vld [tilespmem:s7+$0x0]  }
0x108: {  	v7 =	vmul.f32 v11, v7  }
0x109: {  	[tilespmem:v2+s19+$0x0] =	vst.idx.add.f32.msk $0xffff, v10  }
0x10a: {  	s29 =	sor.u32 s24, s14;
	v10 =	vmul.f32 v12, v4;
	[tilespmem:v8+s21+$0x0] =	vst.idx.add.f32.msk $0xffff, v7  }
0x10b: {  	v7 =	vld [tilespmem:s29+$0x0]  }
0x10c: {  	s31 =	sor.u32 s26, s14;
	[tilespmem:v3+s19+$0x0] =	vst.idx.add.f32.msk $0xffff, v10;
	v8 =	vmul.f32 v9, v6  }
0x10d: {  	s9 =	simm.s32 $0x40;
	s7 =	simm.s32 $0x0;
	s11 =	simm.s32 $0x40;
	v6 =	vld [tilespmem:s31+$0x0]  }
.LBB2_6:
0x10e: {  	s14 =	sand.u32 $0x40, s9;
	[tilespmem:v1+s21+$0x0] =	vst.idx.add.f32.msk $0xffff, v8;
	s2 =	sadd.s32 $0x80, s2;
	s4 =	sadd.s32 $0x40, s4  }
0x10f: {  	s15 =	sand.u32 $0xF80, s9;
	s7 =	sadd.s32 $0x4, s7;
	v8 =	vld [tilespmem:s4+$0x0];
	s16 =	sor.u32 $0x30, s14  }
0x110: {  	s17 =	sand.u32 $0x1F00, s2;
	p0 =	slt.u32 s7, $0xFC;
	v1 =	vld [tilespmem:s11+$0x0];
	s20 =	sor.u32 s15, s16;
	v7 =	vmul.f32 v7, v5  }
0x111: {  	s24 =	sor.u32 $0x10, s14;
	s26 =	sor.u32 $0x20, s14;
	s22 =	sor.u32 $0x4000, s17;
	v9 =	vld [tilespmem:s20+$0x1000]  }
0x112: {  	s28 =	sor.u32 s15, s24;
	s15 =	sor.u32 s15, s26;
	v10 =	vld [tilespmem:s20+$0x0];
	s20 =	sor.u32 s16, s22;
	v6 =	vmul.f32 v6, v4  }
0x113: {  	s29 =	sor.u32 s14, s22;
	s31 =	sor.u32 s24, s22;
	s22 =	sor.u32 s26, s22;
	v11 =	vld [tilespmem:s20+$0x0]  }
0x114: {  	v12 =	vld [tilespmem:s29+$0x0]  }
0x115: {  	v5 =	vld [tilespmem:s28+$0x1000]  }
0x116: {  	v13 =	vld [tilespmem:s31+$0x0]  }
0x117: {  	v4 =	vld [tilespmem:s15+$0x1000]  }
0x118: {  	v14 =	vld [tilespmem:s22+$0x0];
	v11 =	vmul.f32 v11, v9  }
0x119: {  	s17 =	sor.u32 $0x4080, s17;
	v12 =	vmul.f32 v12, v8;
	v15 =	vld [tilespmem:s28+$0x0]  }
0x11a: {  	s14 =	sor.u32 s14, s17;
	s16 =	sor.u32 s16, s17;
	s20 =	sor.u32 s24, s17;
	[tilespmem:v10+s19+$0x0] =	vst.idx.add.f32.msk $0xffff, v11  }
0x11b: {  	s17 =	sor.u32 s26, s17;
	v11 =	vmul.f32 v13, v5;
	v13 =	vld [tilespmem:s16+$0x0]  }
0x11c: {  	v16 =	vld [tilespmem:s15+$0x0]  }
0x11d: {  	[tilespmem:v1+s19+$0x0] =	vst.idx.add.f32.msk $0xffff, v12;
	v12 =	vmul.f32 v14, v4  }
0x11e: {  	v14 =	vld [tilespmem:s14+$0x0]  }
0x11f: {  	[tilespmem:v2+s21+$0x0] =	vst.idx.add.f32.msk $0xffff, v7;
	v2 =	vmov v15  }
0x120: {  	v7 =	vmul.f32 v13, v9;
	[tilespmem:v3+s21+$0x0] =	vst.idx.add.f32.msk $0xffff, v6  }
.Ltmp2:
0x121: {  	[tilespmem:v15+s19+$0x0] =	vst.idx.add.f32.msk $0xffff, v11;
	v3 =	vmov v16;
	(pc) =	sbr.rel @p0 .LBB2_6-.Ltmp2, $4  }
0x122: {  	[tilespmem:v10+s21+$0x0] =	vst.idx.add.f32.msk $0xffff, v7  }
0x123: {  	v8 =	vmul.f32 v14, v8;
	v7 =	vld [tilespmem:s20+$0x0]  }
0x124: {  	[tilespmem:v16+s19+$0x0] =	vst.idx.add.f32.msk $0xffff, v12  }
0x125: {  	s9 =	sadd.s32 $0x40, s9;
	s11 =	sadd.s32 $0x40, s11;
	v6 =	vld [tilespmem:s17+$0x0]  }
0x126: {  	_ =	sdelay $0x2  }
0x127: {  	v5 =	vmul.f32 v7, v5  }
0x128: {  	[tilespmem:v1+s21+$0x0] =	vst.idx.add.f32.msk $0xffff, v8;
	v1 =	vmul.f32 v6, v4  }
0x129: {  	[tilespmem:v2+s21+$0x0] =	vst.idx.add.f32.msk $0xffff, v5  }
0x12a: {  	[tilespmem:v3+s21+$0x0] =	vst.idx.add.f32.msk $0xffff, v1  }
0x12b: {  	s1 =	simm.s32 $0x400;
	s2 =	simm.s32 $0x80;
	s0 =	rddreg [dreg:$0x10]  }
0x12c: {  	[hbm4b:s0+s2] =	stream.strided.scatter [tilespmem:s19], [sflag:$0x4], $0x2000, s1, s2, $0x38;
	[tilespmem:$0x16000] =	vst v63  }
0x12d: {  	s16 =	simm.s32 $0x1;
	s18 =	simm.s32 $0x4000;
	s15 =	rddreg [dreg:$0x11]  }
0x12e: {  	[hbm4b:s15+s2] =	stream.strided.scatter [tilespmem:s21], [sflag:$0x4], $0x2000, s1, s2, $0x38;
	[tilespmem:$0x16000] =	vst v63  }
0x12f: {  	s4 =	simm.s32 $0x1000;
	s2 =	simm.s32 $0x0;
	_ =	swait.ge [sflag:s16], $0x2000  }
0x130: {  	s7 =	sand.u32 $0x40, s2;
	s9 =	sand.u32 $0xF80, s2;
	[sflag:s16] =	ssyncset.done $0x0  }
0x131: {  	s17 =	rddreg [dreg:$0x13];
	s11 =	sor.u32 $0x30, s7;
	[sflag:s16] =	ssyncadd.s32 $0xFFFFE000  }
0x132: {  	[tilespmem:s18], [sflag:$0x2] =	stream.strided.gather [hbm4b:s17+s30], $0x2000, s1, s30, $0x38;
	[tilespmem:$0x16000] =	vst v63  }
0x133: {  	s14 =	sand.u32 $0x1F00, s2;
	s15 =	sor.u32 s9, s11;
	v6 =	vld [tilespmem:s4+$0x0]  }
0x134: {  	s14 =	sor.u32 $0x2000, s14;
	v7 =	vld [tilespmem:s15+$0x1000]  }
0x135: {  	s11 =	sor.u32 s11, s14;
	v8 =	vld [tilespmem:s15+$0x0]  }
0x136: {  	v2 =	vld [tilespmem:s11+$0x0]  }
0x137: {  	p0 =	por $0x0, $0x0;
	s20 =	sor.u32 $0x10, s7;
	s22 =	sor.u32 s7, s14;
	v1 =	vld [tilespmem:s2+$0x0]  }
0x138: {  	s16 =	sor.u32 s9, s20;
	s7 =	sor.u32 $0x20, s7;
	v9 =	vld [tilespmem:s22+$0x0];
	s15 =	simm.s32 $0x1  }
0x139: {  	s9 =	sor.u32 s9, s7;
	v4 =	vld [tilespmem:s16+$0x1000];
	s15 =	simm.s32 @!p0 $0x0  }
0x13a: {  	s11 =	sor.u32 s20, s14;
	v5 =	vld [tilespmem:s9+$0x1000];
	s24 =	sshll.u32 s15, $0x6  }
0x13b: {  	v10 =	vld [tilespmem:s11+$0x0];
	s11 =	sadd.s32 $0x0, s24;
	v3 =	vmul.f32 v2, v7  }
0x13c: {  	s26 =	sadd.s32 $0x30, s11;
	v2 =	vld [tilespmem:s16+$0x0]  }
0x13d: {  	s15 =	sor.u32 $0x80, s26;
	[tilespmem:v8+s23+$0x0] =	vst.idx.add.f32.msk $0xffff, v3  }
0x13e: {  	v11 =	vld [tilespmem:s15+$0x2000]  }
0x13f: {  	s7 =	sor.u32 s7, s14;
	v9 =	vmul.f32 v9, v6;
	v3 =	vld [tilespmem:s9+$0x0]  }
0x140: {  	v12 =	vld [tilespmem:s7+$0x0]  }
0x141: {  	s28 =	sor.u32 $0x80, s11;
	[tilespmem:v1+s23+$0x0] =	vst.idx.add.f32.msk $0xffff, v9  }
0x142: {  	v10 =	vmul.f32 v10, v4;
	v9 =	vld [tilespmem:s28+$0x2000]  }
0x143: {  	v7 =	vmul.f32 v11, v7  }
0x144: {  	s29 =	sadd.s32 $0x10, s11;
	[tilespmem:v2+s23+$0x0] =	vst.idx.add.f32.msk $0xffff, v10  }
0x145: {  	s7 =	sor.u32 $0x80, s29;
	v10 =	vmul.f32 v12, v5;
	[tilespmem:v8+s25+$0x0] =	vst.idx.add.f32.msk $0xffff, v7  }
0x146: {  	s31 =	sadd.s32 $0x20, s11;
	v7 =	vld [tilespmem:s7+$0x2000]  }
0x147: {  	s9 =	sor.u32 $0x80, s31;
	[tilespmem:v3+s23+$0x0] =	vst.idx.add.f32.msk $0xffff, v10;
	v8 =	vmul.f32 v9, v6  }
0x148: {  	s11 =	simm.s32 $0x40;
	s7 =	simm.s32 $0x0;
	v6 =	vld [tilespmem:s9+$0x2000];
	s9 =	simm.s32 $0x40  }
.LBB2_8:
0x149: {  	s14 =	sand.u32 $0x40, s9;
	[tilespmem:v1+s25+$0x0] =	vst.idx.add.f32.msk $0xffff, v8;
	s2 =	sadd.s32 $0x80, s2;
	s4 =	sadd.s32 $0x40, s4  }
0x14a: {  	s15 =	sand.u32 $0xF80, s9;
	s7 =	sadd.s32 $0x4, s7;
	v8 =	vld [tilespmem:s4+$0x0];
	s16 =	sor.u32 $0x30, s14  }
0x14b: {  	s17 =	sand.u32 $0x1F00, s2;
	p1 =	slt.u32 s7, $0xFC;
	v1 =	vld [tilespmem:s11+$0x0];
	s20 =	sor.u32 s15, s16;
	v7 =	vmul.f32 v7, v4  }
0x14c: {  	s22 =	sor.u32 $0x10, s14;
	s24 =	sor.u32 $0x20, s14;
	s17 =	sor.u32 $0x2000, s17;
	v9 =	vld [tilespmem:s20+$0x1000]  }
0x14d: {  	s26 =	sor.u32 s15, s22;
	s15 =	sor.u32 s15, s24;
	s16 =	sor.u32 s16, s17;
	v10 =	vld [tilespmem:s20+$0x0];
	v6 =	vmul.f32 v6, v5  }
0x14e: {  	s14 =	sor.u32 s14, s17;
	s20 =	sor.u32 s22, s17;
	s17 =	sor.u32 s24, s17;
	v11 =	vld [tilespmem:s16+$0x0]  }
0x14f: {  	v12 =	vld [tilespmem:s14+$0x0]  }
0x150: {  	p0 =	por !p0, !p0;
	s14 =	simm.s32 $0x1;
	v4 =	vld [tilespmem:s26+$0x1000]  }
0x151: {  	s14 =	simm.s32 @!p0 $0x0;
	v13 =	vld [tilespmem:s20+$0x0]  }
0x152: {  	s14 =	sshll.u32 s14, $0x6;
	v5 =	vld [tilespmem:s15+$0x1000]  }
0x153: {  	s14 =	sadd.s32 s14, s2;
	v14 =	vld [tilespmem:s17+$0x0];
	v11 =	vmul.f32 v11, v9  }
0x154: {  	s16 =	sadd.s32 $0x10, s14;
	s17 =	sadd.s32 $0x20, s14;
	s20 =	sadd.s32 $0x30, s14;
	v12 =	vmul.f32 v12, v8;
	v15 =	vld [tilespmem:s26+$0x0]  }
0x155: {  	s16 =	sor.u32 $0x80, s16;
	s17 =	sor.u32 $0x80, s17;
	s20 =	sor.u32 $0x80, s20;
	[tilespmem:v10+s23+$0x0] =	vst.idx.add.f32.msk $0xffff, v11  }
0x156: {  	s14 =	sor.u32 $0x80, s14;
	v11 =	vmul.f32 v13, v4;
	v13 =	vld [tilespmem:s20+$0x2000]  }
0x157: {  	v16 =	vld [tilespmem:s15+$0x0]  }
0x158: {  	[tilespmem:v1+s23+$0x0] =	vst.idx.add.f32.msk $0xffff, v12;
	v12 =	vmul.f32 v14, v5  }
0x159: {  	v14 =	vld [tilespmem:s14+$0x2000]  }
0x15a: {  	[tilespmem:v2+s25+$0x0] =	vst.idx.add.f32.msk $0xffff, v7;
	v2 =	vmov v15  }
0x15b: {  	v7 =	vmul.f32 v13, v9;
	[tilespmem:v3+s25+$0x0] =	vst.idx.add.f32.msk $0xffff, v6  }
.Ltmp3:
0x15c: {  	[tilespmem:v15+s23+$0x0] =	vst.idx.add.f32.msk $0xffff, v11;
	v3 =	vmov v16;
	(pc) =	sbr.rel @p1 .LBB2_8-.Ltmp3, $4  }
0x15d: {  	[tilespmem:v10+s25+$0x0] =	vst.idx.add.f32.msk $0xffff, v7  }
0x15e: {  	v8 =	vmul.f32 v14, v8;
	v7 =	vld [tilespmem:s16+$0x2000]  }
0x15f: {  	[tilespmem:v16+s23+$0x0] =	vst.idx.add.f32.msk $0xffff, v12  }
0x160: {  	s9 =	sadd.s32 $0x40, s9;
	s11 =	sadd.s32 $0x40, s11;
	v6 =	vld [tilespmem:s17+$0x2000]  }
0x161: {  	_ =	sdelay $0x2  }
0x162: {  	v4 =	vmul.f32 v7, v4  }
0x163: {  	[tilespmem:v1+s25+$0x0] =	vst.idx.add.f32.msk $0xffff, v8;
	v1 =	vmul.f32 v6, v5  }
0x164: {  	[tilespmem:v2+s25+$0x0] =	vst.idx.add.f32.msk $0xffff, v4  }
0x165: {  	[tilespmem:v3+s25+$0x0] =	vst.idx.add.f32.msk $0xffff, v1  }
0x166: {  	s2 =	simm.s32 $0x80;
	s0 =	rddreg [dreg:$0x15]  }
0x167: {  	[hbm4b:s0+s2] =	stream.strided.scatter [tilespmem:s23], [sflag:$0x5], $0x2000, s1, s2, $0x38;
	[tilespmem:$0x16000] =	vst v63  }
0x168: {  	s16 =	simm.s32 $0x2;
	s15 =	rddreg [dreg:$0x17]  }
0x169: {  	[hbm4b:s15+s2] =	stream.strided.scatter [tilespmem:s25], [sflag:$0x5], $0x2000, s1, s2, $0x38;
	[tilespmem:$0x16000] =	vst v63  }
0x16a: {  	_ =	swait.ge [sflag:s16], $0x2000  }
0x16b: {  	s17 =	sld [smem:$0x7F7]  }
0x16c: {  	[sflag:s16] =	ssyncset.done $0x0  }
0x16d: {  	s18 =	simm.s32 $0x2000;
	s20 =	simm.s32 $0x3;
	[sflag:s16] =	ssyncadd.s32 $0xFFFFE000  }
0x16e: {  	[tilespmem:s18], [sflag:$0x1] =	stream.strided.gather [hbm4b:s17+s30], $0x2000, s1, s30, $0x38;
	[tilespmem:$0x16000] =	vst v63  }
0x16f: {  	_ =	swait.ge [sflag:s20], $0x2000  }
0x170: {  	[sflag:s20] =	ssyncset.done $0x0  }
0x171: {  	[sflag:s20] =	ssyncadd.s32 $0xFFFFE000  }
0x172: {  	s22 =	simm.s32 $0x0;
	_ =	swait.ge [sflag:s20], $0x2000  }
0x173: {  	s7 =	simm.s32 $0x1000;
	s4 =	sand.u32 $0x1F00, s22;
	[sflag:s20] =	ssyncset.done $0x0  }
0x174: {  	s9 =	sand.u32 $0x40, s22;
	s11 =	sor.u32 $0x4000, s4;
	[sflag:s20] =	ssyncadd.s32 $0xFFFFE000  }
0x175: {  	s15 =	sor.u32 s9, s11;
	v13 =	vld [tilespmem:s7+$0x0]  }
0x176: {  	v5 =	vld [tilespmem:s15+$0x0]  }
0x177: {  	s31 =	simm.s32 $0x1040;
	v14 =	vld [tilespmem:s22+$0x0]  }
0x178: {  	s29 =	simm.s32 $0x40;
	s14 =	sand.u32 $0xF80, s22;
	s7 =	sor.u32 $0x10, s9;
	v10 =	vld [tilespmem:s31+$0x0]  }
0x179: {  	v6 =	vld [tilespmem:s29+$0x0];
	s16 =	sor.u32 s14, s7  }
0x17a: {  	s15 =	sor.u32 $0x30, s9;
	s17 =	sor.u32 s7, s11;
	v15 =	vld [tilespmem:s16+$0x1000]  }
0x17b: {  	s24 =	sor.u32 s15, s11;
	v16 =	vld [tilespmem:s17+$0x0]  }
0x17c: {  	s26 =	sor.u32 s14, s15;
	v17 =	vld [tilespmem:s24+$0x0]  }
0x17d: {  	s2 =	sor.u32 $0x20, s9;
	v18 =	vld [tilespmem:s26+$0x1000]  }
0x17e: {  	s14 =	sor.u32 s14, s2;
	v1 =	vld [tilespmem:s26+$0x0]  }
0x17f: {  	v4 =	vld [tilespmem:s14+$0x1000]  }
0x180: {  	s0 =	sand.u32 $0x40, s29;
	v2 =	vld [tilespmem:s16+$0x0]  }
0x181: {  	s22 =	sor.u32 $0x30, s0;
	s11 =	sor.u32 s2, s11;
	v3 =	vld [tilespmem:s14+$0x0];
	s14 =	sand.u32 $0xF80, s29  }
0x182: {  	s28 =	simm.s32 $0x80;
	s20 =	sor.u32 $0x10, s0;
	v19 =	vld [tilespmem:s11+$0x0];
	s13 =	sor.u32 s14, s22  }
0x183: {  	s11 =	sand.u32 $0x1F00, s28;
	s18 =	sor.u32 s14, s20;
	v7 =	vld [tilespmem:s13+$0x1000]  }
0x184: {  	s1 =	sor.u32 $0x4000, s11;
	v8 =	vld [tilespmem:s18+$0x1000]  }
0x185: {  	s3 =	sor.u32 s0, s1;
	v9 =	vld [tilespmem:s18+$0x0]  }
0x186: {  	s5 =	sor.u32 s20, s1;
	v21 =	vld [tilespmem:s3+$0x0]  }
0x187: {  	s26 =	sor.u32 $0x20, s0;
	s24 =	sor.u32 s22, s1;
	v22 =	vld [tilespmem:s5+$0x0]  }
0x188: {  	s28 =	sor.u32 s26, s1;
	v23 =	vld [tilespmem:s24+$0x0]  }
0x189: {  	v5 =	vmul.f32 v5, v13;
	s24 =	sor.u32 s14, s26;
	v24 =	vld [tilespmem:s28+$0x0]  }
0x18a: {  	v12 =	vld [tilespmem:s24+$0x1000]  }
0x18b: {  	s4 =	sor.u32 $0x4080, s4;
	[tilespmem:v14+s8+$0x0] =	vst.idx.add.f32.msk $0xffff, v5  }
0x18c: {  	s9 =	sor.u32 s9, s4;
	v16 =	vmul.f32 v16, v15;
	v5 =	vld [tilespmem:s13+$0x0]  }
0x18d: {  	v17 =	vmul.f32 v17, v18;
	v20 =	vld [tilespmem:s9+$0x0]  }
0x18e: {  	[tilespmem:v2+s8+$0x0] =	vst.idx.add.f32.msk $0xffff, v16  }
0x18f: {  	s7 =	sor.u32 s7, s4;
	v16 =	vmul.f32 v19, v4;
	[tilespmem:v1+s8+$0x0] =	vst.idx.add.f32.msk $0xffff, v17  }
0x190: {  	v25 =	vld [tilespmem:s7+$0x0]  }
0x191: {  	s29 =	sor.u32 s15, s4;
	[tilespmem:v3+s8+$0x0] =	vst.idx.add.f32.msk $0xffff, v16;
	v16 =	vmul.f32 v21, v10  }
0x192: {  	v19 =	vld [tilespmem:s29+$0x0]  }
0x193: {  	s2 =	sor.u32 s2, s4;
	v13 =	vmul.f32 v20, v13;
	[tilespmem:v6+s8+$0x0] =	vst.idx.add.f32.msk $0xffff, v16  }
0x194: {  	v63 =	vmul.f32 v23, v7;
	v16 =	vld [tilespmem:s2+$0x0]  }
0x195: {  	[tilespmem:v14+s12+$0x0] =	vst.idx.add.f32.msk $0xffff, v13  }
0x196: {  	s11 =	sor.u32 $0x4080, s11;
	[tilespmem:v5+s8+$0x0] =	vst.idx.add.f32.msk $0xffff, v63  }
0x197: {  	s15 =	simm.s32 $0x80;
	s16 =	simm.s32 $0x1080;
	s31 =	sor.u32 s0, s11;
	v11 =	vld [tilespmem:s24+$0x0];
	v13 =	vmul.f32 v22, v8;
	[tilespmem:v14+s6+$0x0] =	vst.idx.msk $0xffff, v0  }
0x198: {  	s4 =	sor.u32 s20, s11;
	s14 =	simm.s32 $0x100;
	s9 =	simm.s32 $0x4;
	v17 =	vmul.f32 v25, v15;
	[tilespmem:v14+s10+$0x0] =	vst.idx.msk $0xffff, v0;
	v14 =	vld [tilespmem:s31+$0x0]  }
0x199: {  	s7 =	sor.u32 s26, s11;
	s2 =	sor.u32 s22, s11;
	s11 =	simm.s32 $0x80;
	v15 =	vmul.f32 v19, v18;
	[tilespmem:v9+s8+$0x0] =	vst.idx.add.f32.msk $0xffff, v13;
	v13 =	vmul.f32 v24, v12  }
.LBB2_10:
0x19a: {  	s17 =	sand.u32 $0x40, s15;
	s20 =	sand.u32 $0x1F00, s14;
	s22 =	sand.u32 $0xF80, s15;
	[tilespmem:v2+s12+$0x0] =	vst.idx.add.f32.msk $0xffff, v17;
	v16 =	vmul.f32 v16, v4;
	v4 =	vmov v12  }
0x19b: {  	v12 =	vld [tilespmem:s16+$0x0];
	s24 =	sor.u32 $0x4000, s20;
	s26 =	sor.u32 $0x10, s17;
	s28 =	sor.u32 $0x30, s17;
	[tilespmem:v2+s6+$0x0] =	vst.idx.msk $0xffff, v0  }
0x19c: {  	s29 =	sor.u32 s17, s24;
	s31 =	sor.u32 s22, s26;
	s18 =	sor.u32 s28, s24;
	[tilespmem:v3+s12+$0x0] =	vst.idx.add.f32.msk $0xffff, v16  }
0x19d: {  	s1 =	sor.u32 $0x20, s17;
	s5 =	sor.u32 s22, s28;
	v16 =	vld [tilespmem:s29+$0x0];
	s29 =	sor.u32 s26, s24;
	v14 =	vmul.f32 v14, v10;
	[tilespmem:v3+s6+$0x0] =	vst.idx.msk $0xffff, v0  }
0x19e: {  	s20 =	sor.u32 $0x4080, s20;
	s22 =	sor.u32 s22, s1;
	s24 =	sor.u32 s1, s24;
	v18 =	vld [tilespmem:s31+$0x1000];
	[tilespmem:v3+s10+$0x0] =	vst.idx.msk $0xffff, v0;
	v3 =	vmov v11  }
0x19f: {  	s9 =	sadd.s32 $0x4, s9;
	s17 =	sor.u32 s17, s20;
	s26 =	sor.u32 s26, s20;
	[tilespmem:v1+s12+$0x0] =	vst.idx.add.f32.msk $0xffff, v15  }
0x1a0: {  	p0 =	slt.u32 s9, $0xFC;
	s1 =	sor.u32 s1, s20;
	s20 =	sor.u32 s28, s20;
	v15 =	vld [tilespmem:s11+$0x0];
	[tilespmem:v1+s6+$0x0] =	vst.idx.msk $0xffff, v0;
	v10 =	vmov v12  }
0x1a1: {  	[tilespmem:v11+s8+$0x0] =	vst.idx.add.f32.msk $0xffff, v13  }
0x1a2: {  	v13 =	vld [tilespmem:s29+$0x0];
	[tilespmem:v2+s10+$0x0] =	vst.idx.msk $0xffff, v0;
	v2 =	vmov v9  }
0x1a3: {  	v17 =	vld [tilespmem:s18+$0x0];
	[tilespmem:v1+s10+$0x0] =	vst.idx.msk $0xffff, v0;
	v1 =	vmov v5  }
0x1a4: {  	v19 =	vld [tilespmem:s5+$0x1000]  }
0x1a5: {  	v5 =	vld [tilespmem:s5+$0x0]  }
0x1a6: {  	v12 =	vld [tilespmem:s22+$0x1000]  }
0x1a7: {  	v9 =	vld [tilespmem:s31+$0x0]  }
0x1a8: {  	v11 =	vld [tilespmem:s22+$0x0]  }
0x1a9: {  	v20 =	vmul.f32 v13, v18;
	v13 =	vld [tilespmem:s24+$0x0]  }
0x1aa: {  	v21 =	vmul.f32 v17, v19;
	v17 =	vld [tilespmem:s4+$0x0];
	s4 =	smov.u32 s26  }
0x1ab: {  	v22 =	vmul.f32 v16, v10;
	[tilespmem:v6+s12+$0x0] =	vst.idx.add.f32.msk $0xffff, v14  }
0x1ac: {  	[tilespmem:v6+s6+$0x0] =	vst.idx.msk $0xffff, v0;
	v23 =	vld [tilespmem:s2+$0x0];
	s2 =	smov.u32 s20  }
.Ltmp4:
0x1ad: {  	[tilespmem:v6+s10+$0x0] =	vst.idx.msk $0xffff, v0;
	v16 =	vld [tilespmem:s7+$0x0];
	v6 =	vmov v15;
	s7 =	smov.u32 s1;
	(pc) =	sbr.rel @p0 .LBB2_10-.Ltmp4, $4  }
0x1ae: {  	[tilespmem:v15+s8+$0x0] =	vst.idx.add.f32.msk $0xffff, v22;
	v13 =	vmul.f32 v13, v12  }
0x1af: {  	[tilespmem:v9+s8+$0x0] =	vst.idx.add.f32.msk $0xffff, v20;
	v17 =	vmul.f32 v17, v8;
	v8 =	vmov v18  }
0x1b0: {  	s11 =	sadd.s32 $0x40, s11;
	v14 =	vld [tilespmem:s17+$0x0]  }
0x1b1: {  	s14 =	sadd.s32 $0x80, s14;
	s15 =	sadd.s32 $0x40, s15;
	s16 =	sadd.s32 $0x40, s16;
	[tilespmem:v5+s8+$0x0] =	vst.idx.add.f32.msk $0xffff, v21;
	v15 =	vmul.f32 v23, v7;
	v7 =	vmov v19  }
0x1b2: {  	_ =	sdelay $0x3  }
0x1b3: {  	[tilespmem:v2+s12+$0x0] =	vst.idx.add.f32.msk $0xffff, v17  }
0x1b4: {  	[tilespmem:v11+s8+$0x0] =	vst.idx.add.f32.msk $0xffff, v13  }
0x1b5: {  	v4 =	vmul.f32 v16, v4;
	[tilespmem:v2+s6+$0x0] =	vst.idx.msk $0xffff, v0  }
0x1b6: {  	[tilespmem:v1+s12+$0x0] =	vst.idx.add.f32.msk $0xffff, v15  }
0x1b7: {  	[tilespmem:v3+s12+$0x0] =	vst.idx.add.f32.msk $0xffff, v4  }
0x1b8: {  	[tilespmem:v1+s6+$0x0] =	vst.idx.msk $0xffff, v0  }
0x1b9: {  	[tilespmem:v2+s10+$0x0] =	vst.idx.msk $0xffff, v0;
	v2 =	vld [tilespmem:s7+$0x0]  }
0x1ba: {  	[tilespmem:v3+s6+$0x0] =	vst.idx.msk $0xffff, v0  }
0x1bb: {  	v63 =	vmul.f32 v14, v10;
	[tilespmem:v1+s10+$0x0] =	vst.idx.msk $0xffff, v0;
	v1 =	vld [tilespmem:s2+$0x0]  }
0x1bc: {  	[tilespmem:v3+s10+$0x0] =	vst.idx.msk $0xffff, v0;
	v3 =	vld [tilespmem:s4+$0x0]  }
0x1bd: {  	[tilespmem:v6+s12+$0x0] =	vst.idx.add.f32.msk $0xffff, v63  }
0x1be: {  	[tilespmem:v6+s6+$0x0] =	vst.idx.msk $0xffff, v0;
	v2 =	vmul.f32 v2, v12  }
0x1bf: {  	[tilespmem:v6+s10+$0x0] =	vst.idx.msk $0xffff, v0  }
0x1c0: {  	v1 =	vmul.f32 v1, v7;
	[tilespmem:v11+s12+$0x0] =	vst.idx.add.f32.msk $0xffff, v2  }
0x1c1: {  	v3 =	vmul.f32 v3, v8;
	[tilespmem:v11+s6+$0x0] =	vst.idx.msk $0xffff, v0  }
0x1c2: {  	[tilespmem:v5+s12+$0x0] =	vst.idx.add.f32.msk $0xffff, v1  }
0x1c3: {  	[tilespmem:v9+s12+$0x0] =	vst.idx.add.f32.msk $0xffff, v3  }
0x1c4: {  	[tilespmem:v11+s10+$0x0] =	vst.idx.msk $0xffff, v0  }
0x1c5: {  	[tilespmem:v5+s6+$0x0] =	vst.idx.msk $0xffff, v0  }
0x1c6: {  	[tilespmem:v9+s6+$0x0] =	vst.idx.msk $0xffff, v0  }
0x1c7: {  	[tilespmem:v5+s10+$0x0] =	vst.idx.msk $0xffff, v0  }
0x1c8: {  	[tilespmem:v9+s10+$0x0] =	vst.idx.msk $0xffff, v0  }
0x1c9: {  	s31 =	simm.s32 $0x400;
	s1 =	simm.s32 $0x80;
	s0 =	rddreg [dreg:$0x1a]  }
0x1ca: {  	[hbm4b:s0+s1] =	stream.strided.scatter [tilespmem:s8], [sflag:$0x6], $0x2000, s31, s1, $0x38;
	[tilespmem:$0x16000] =	vst v63  }
0x1cb: {  	s7 =	simm.s32 $0x1;
	s29 =	rddreg [dreg:$0x1b]  }
0x1cc: {  	[hbm4b:s29+s1] =	stream.strided.scatter [tilespmem:s12], [sflag:$0x6], $0x2000, s31, s1, $0x38;
	[tilespmem:$0x16000] =	vst v63  }
.LBB2_12:
0x1cd: {  	s9 =	sshll.u32 s7, $0x3;
	s0 =	rddreg [dreg:$0x5]  }
0x1ce: {  	s15 =	simm.s32 $0x1;
	s14 =	sor.u32 s9, s0  }
0x1cf: {  	s17 =	simm.s32 $0x4000;
	_ =	swait.ge [sflag:s15], $0x2000;
	s1 =	sshll.u32 s14, $0x9  }
0x1d0: {  	[sflag:s15] =	ssyncset.done $0x0;
	s16 =	rddreg [dreg:$0x7];
	s11 =	sand.u32 $0x1FFFF000, s1  }
0x1d1: {  	s18 =	simm.s32 $0x4;
	[sflag:s15] =	ssyncadd.s32 $0xFFFFE000;
	s1 =	sadd.s32 s11, s16  }
0x1d2: {  	[tilespmem:s17], [sflag:$0x2] =	stream.strided.gather [hbm4b:s1+s30], $0x2000, s31, s30, $0x38;
	[tilespmem:$0x16000] =	vst v63  }
0x1d3: {  	_ =	swait.ge [sflag:s18], $0x2000  }
0x1d4: {  	[sflag:s18] =	ssyncset.done $0x0  }
0x1d5: {  	[sflag:s18] =	ssyncadd.s32 $0xFFFFE000  }
0x1d6: {  	_ =	swait.ge [sflag:s18], $0x2000  }
0x1d7: {  	s20 =	simm.s32 $0x0;
	[sflag:s18] =	ssyncset.done $0x0  }
0x1d8: {  	s2 =	sand.u32 $0x1F00, s20;
	[sflag:s18] =	ssyncadd.s32 $0xFFFFE000  }
0x1d9: {  	s4 =	simm.s32 $0x1000;
	s5 =	sand.u32 $0x40, s20;
	s2 =	sor.u32 $0x2000, s2;
	v11 =	vld [tilespmem:s20+$0x0]  }
0x1da: {  	s15 =	sor.u32 $0x20, s5;
	s22 =	sor.u32 s5, s2;
	s1 =	sand.u32 $0xF80, s20;
	v7 =	vld [tilespmem:s4+$0x0]  }
0x1db: {  	s16 =	sor.u32 s1, s15;
	v1 =	vld [tilespmem:s22+$0x0]  }
0x1dc: {  	s24 =	sor.u32 $0x30, s5;
	v4 =	vld [tilespmem:s16+$0x1000]  }
0x1dd: {  	s5 =	sor.u32 $0x10, s5;
	s17 =	sor.u32 s1, s24;
	v9 =	vld [tilespmem:s16+$0x0]  }
0x1de: {  	s26 =	sor.u32 s5, s2;
	s15 =	sor.u32 s15, s2;
	s2 =	sor.u32 s24, s2;
	v10 =	vld [tilespmem:s17+$0x1000]  }
0x1df: {  	v3 =	vld [tilespmem:s2+$0x0]  }
0x1e0: {  	s13 =	simm.s32 $0x80;
	v14 =	vld [tilespmem:s17+$0x0]  }
0x1e1: {  	s29 =	simm.s32 $0x40;
	v2 =	vld [tilespmem:s15+$0x0];
	s15 =	sand.u32 $0x1F00, s13  }
0x1e2: {  	s1 =	sor.u32 s1, s5;
	v5 =	vld [tilespmem:s26+$0x0];
	s16 =	sand.u32 $0x40, s29;
	s5 =	sor.u32 $0x2000, s15  }
0x1e3: {  	v12 =	vld [tilespmem:s1+$0x1000];
	s17 =	sor.u32 s16, s5  }
0x1e4: {  	p0 =	por $0x0, $0x0;
	s0 =	simm.s32 $0x1040;
	s2 =	simm.s32 $0x1;
	v16 =	vld [tilespmem:s17+$0x0];
	v1 =	vmul.f32 v1, v7  }
0x1e5: {  	s2 =	simm.s32 @!p0 $0x0;
	v6 =	vmul.f32 v3, v10;
	v3 =	vld [tilespmem:s0+$0x0]  }
0x1e6: {  	s2 =	sshll.u32 s2, $0x6;
	[tilespmem:v11+s6+$0x0] =	vst.idx.add.f32.msk $0xffff, v1  }
0x1e7: {  	s2 =	sadd.s32 $0x0, s2;
	v1 =	vmul.f32 v2, v4;
	v2 =	vld [tilespmem:s1+$0x0]  }
0x1e8: {  	s28 =	sor.u32 $0x80, s2;
	[tilespmem:v14+s6+$0x0] =	vst.idx.add.f32.msk $0xffff, v6  }
0x1e9: {  	s31 =	sadd.s32 $0x20, s2;
	v13 =	vld [tilespmem:s28+$0x2000]  }
0x1ea: {  	s4 =	sor.u32 $0x80, s31;
	[tilespmem:v9+s6+$0x0] =	vst.idx.add.f32.msk $0xffff, v1  }
0x1eb: {  	s18 =	sor.u32 $0x20, s16;
	s1 =	sand.u32 $0xF80, s29;
	v8 =	vld [tilespmem:s4+$0x2000]  }
0x1ec: {  	s3 =	sadd.s32 $0x30, s2;
	s20 =	sor.u32 s1, s18;
	v1 =	vld [tilespmem:s29+$0x0]  }
0x1ed: {  	v5 =	vmul.f32 v5, v12;
	v6 =	vld [tilespmem:s20+$0x1000];
	s4 =	sor.u32 $0x80, s3  }
0x1ee: {  	v15 =	vld [tilespmem:s4+$0x2000]  }
0x1ef: {  	s22 =	sor.u32 $0x30, s16;
	[tilespmem:v2+s6+$0x0] =	vst.idx.add.f32.msk $0xffff, v5  }
0x1f0: {  	s24 =	sor.u32 s1, s22;
	v7 =	vmul.f32 v13, v7;
	v8 =	vmul.f32 v8, v4;
	v4 =	vld [tilespmem:s20+$0x0]  }
0x1f1: {  	s26 =	sor.u32 $0x10, s16;
	v5 =	vld [tilespmem:s24+$0x1000]  }
0x1f2: {  	s2 =	sadd.s32 $0x10, s2;
	s1 =	sor.u32 s1, s26;
	[tilespmem:v11+s10+$0x0] =	vst.idx.add.f32.msk $0xffff, v7  }
0x1f3: {  	s2 =	sor.u32 $0x80, s2;
	v7 =	vld [tilespmem:s1+$0x1000]  }
0x1f4: {  	v17 =	vld [tilespmem:s2+$0x2000]  }
0x1f5: {  	s15 =	sor.u32 s26, s5;
	[tilespmem:v9+s10+$0x0] =	vst.idx.add.f32.msk $0xffff, v8  }
0x1f6: {  	s2 =	sor.u32 s22, s5;
	v8 =	vld [tilespmem:s15+$0x0];
	[tilespmem:v9+s19+$0x0] =	vst.idx.msk $0xffff, v0  }
0x1f7: {  	s5 =	sor.u32 s18, s5;
	v63 =	vld [tilespmem:s2+$0x0];
	[tilespmem:v9+s21+$0x0] =	vst.idx.msk $0xffff, v0;
	v9 =	vmul.f32 v15, v10  }
0x1f8: {  	[tilespmem:v11+s19+$0x0] =	vst.idx.msk $0xffff, v0;
	v13 =	vld [tilespmem:s5+$0x0]  }
0x1f9: {  	p0 =	por !p0, !p0;
	s4 =	simm.s32 $0x1;
	v10 =	vmul.f32 v16, v3;
	[tilespmem:v14+s10+$0x0] =	vst.idx.add.f32.msk $0xffff, v9  }
0x1fa: {  	s16 =	simm.s32 $0x80;
	s4 =	simm.s32 @!p0 $0x0;
	[tilespmem:v11+s21+$0x0] =	vst.idx.msk $0xffff, v0;
	v9 =	vld [tilespmem:s24+$0x0]  }
0x1fb: {  	s17 =	simm.s32 $0x100;
	p0 =	por !p0, !p0;
	s28 =	sshll.u32 s4, $0x6;
	v12 =	vmul.f32 v17, v12;
	[tilespmem:v1+s6+$0x0] =	vst.idx.add.f32.msk $0xffff, v10  }
0x1fc: {  	s4 =	simm.s32 $0x1080;
	s2 =	simm.s32 $0x4;
	s5 =	sadd.s32 $0x80, s28;
	v10 =	vld [tilespmem:s1+$0x0];
	[tilespmem:v14+s19+$0x0] =	vst.idx.msk $0xffff, v0  }
0x1fd: {  	s15 =	simm.s32 $0x80;
	s29 =	sor.u32 $0x80, s5;
	s31 =	sadd.s32 $0x20, s5;
	v13 =	vmul.f32 v13, v6;
	[tilespmem:v2+s10+$0x0] =	vst.idx.add.f32.msk $0xffff, v12  }
0x1fe: {  	s22 =	sadd.s32 $0x30, s5;
	s26 =	sor.u32 $0x80, s31;
	s24 =	sadd.s32 $0x10, s5;
	v11 =	vld [tilespmem:s29+$0x2000];
	v12 =	vmul.f32 v63, v5;
	[tilespmem:v14+s21+$0x0] =	vst.idx.msk $0xffff, v0  }
.LBB2_13:
0x1ff: {  	s1 =	sand.u32 $0x40, s15;
	s5 =	sand.u32 $0x1F00, s17;
	s18 =	sand.u32 $0xF80, s15;
	v8 =	vmul.f32 v8, v7;
	[tilespmem:v4+s6+$0x0] =	vst.idx.add.f32.msk $0xffff, v13  }
0x200: {  	v14 =	vld [tilespmem:s16+$0x0];
	s5 =	sor.u32 $0x2000, s5;
	s28 =	sor.u32 $0x10, s1;
	s29 =	sor.u32 $0x20, s1;
	[tilespmem:v2+s19+$0x0] =	vst.idx.msk $0xffff, v0;
	v15 =	vmov v9  }
0x201: {  	s20 =	sor.u32 s18, s28;
	s28 =	sor.u32 s28, s5;
	s31 =	sor.u32 s18, s29;
	v13 =	vld [tilespmem:s26+$0x2000];
	[tilespmem:v2+s21+$0x0] =	vst.idx.msk $0xffff, v0  }
0x202: {  	s26 =	sor.u32 s1, s5;
	s29 =	sor.u32 s29, s5;
	s1 =	sor.u32 $0x30, s1;
	v16 =	vld [tilespmem:s4+$0x0];
	v2 =	vmov v10  }
0x203: {  	s2 =	sadd.s32 $0x4, s2;
	s22 =	sor.u32 $0x80, s22;
	s5 =	sor.u32 s1, s5;
	[tilespmem:v9+s6+$0x0] =	vst.idx.add.f32.msk $0xffff, v12  }
0x204: {  	p1 =	slt.u32 s2, $0xFC;
	v9 =	vld [tilespmem:s22+$0x2000]  }
0x205: {  	s1 =	sor.u32 s18, s1;
	[tilespmem:v10+s6+$0x0] =	vst.idx.add.f32.msk $0xffff, v8  }
0x206: {  	s18 =	sor.u32 $0x80, s24;
	v10 =	vld [tilespmem:s26+$0x0];
	v12 =	vmul.f32 v13, v6  }
0x207: {  	v13 =	vld [tilespmem:s18+$0x2000]  }
0x208: {  	v6 =	vld [tilespmem:s31+$0x1000]  }
0x209: {  	v17 =	vld [tilespmem:s31+$0x0];
	v9 =	vmul.f32 v9, v5  }
0x20a: {  	v5 =	vld [tilespmem:s1+$0x1000]  }
0x20b: {  	v11 =	vmul.f32 v11, v3;
	v3 =	vmov v16;
	v8 =	vld [tilespmem:s28+$0x0]  }
0x20c: {  	v7 =	vmul.f32 v13, v7;
	[tilespmem:v4+s10+$0x0] =	vst.idx.add.f32.msk $0xffff, v12  }
0x20d: {  	v12 =	vld [tilespmem:s5+$0x0];
	[tilespmem:v4+s19+$0x0] =	vst.idx.msk $0xffff, v0  }
0x20e: {  	v13 =	vld [tilespmem:s29+$0x0];
	[tilespmem:v4+s21+$0x0] =	vst.idx.msk $0xffff, v0;
	v4 =	vmov v17  }
0x20f: {  	[tilespmem:v2+s10+$0x0] =	vst.idx.add.f32.msk $0xffff, v7  }
0x210: {  	[tilespmem:v1+s10+$0x0] =	vst.idx.add.f32.msk $0xffff, v11  }
0x211: {  	v10 =	vmul.f32 v10, v3;
	s5 =	simm.s32 $0x1;
	[tilespmem:v15+s10+$0x0] =	vst.idx.add.f32.msk $0xffff, v9  }
.Ltmp5:
0x212: {  	s5 =	simm.s32 @!p0 $0x0;
	v7 =	vld [tilespmem:s20+$0x1000];
	[tilespmem:v15+s19+$0x0] =	vst.idx.msk $0xffff, v0;
	(pc) =	sbr.rel @p1 .LBB2_13-.Ltmp5, $4  }
0x213: {  	s4 =	sadd.s32 $0x40, s4;
	p0 =	por !p0, !p0;
	s5 =	sshll.u32 s5, $0x6;
	v12 =	vmul.f32 v12, v5;
	v13 =	vmul.f32 v13, v6;
	v9 =	vld [tilespmem:s1+$0x0];
	[tilespmem:v1+s19+$0x0] =	vst.idx.msk $0xffff, v0  }
0x214: {  	s15 =	sadd.s32 $0x40, s15;
	s16 =	sadd.s32 $0x40, s16;
	s1 =	sadd.s32 s5, s17;
	[tilespmem:v14+s6+$0x0] =	vst.idx.add.f32.msk $0xffff, v10  }
0x215: {  	s5 =	sor.u32 $0x80, s1;
	s18 =	sadd.s32 $0x20, s1;
	s22 =	sadd.s32 $0x30, s1;
	v10 =	vld [tilespmem:s20+$0x0];
	[tilespmem:v1+s21+$0x0] =	vst.idx.msk $0xffff, v0;
	v1 =	vmov v14  }
0x216: {  	s17 =	sadd.s32 $0x80, s17;
	s24 =	sadd.s32 $0x10, s1;
	s26 =	sor.u32 $0x80, s18;
	v11 =	vld [tilespmem:s5+$0x2000];
	[tilespmem:v15+s21+$0x0] =	vst.idx.msk $0xffff, v0  }
0x217: {  	_ =	sdelay $0x3  }
0x218: {  	[tilespmem:v4+s6+$0x0] =	vst.idx.add.f32.msk $0xffff, v13  }
0x219: {  	v13 =	vld [tilespmem:s26+$0x2000]  }
0x21a: {  	v8 =	vmul.f32 v8, v7;
	s15 =	sor.u32 $0x80, s22;
	[tilespmem:v9+s6+$0x0] =	vst.idx.add.f32.msk $0xffff, v12  }
0x21b: {  	[tilespmem:v2+s19+$0x0] =	vst.idx.msk $0xffff, v0;
	v12 =	vld [tilespmem:s15+$0x2000]  }
0x21c: {  	s1 =	sor.u32 $0x80, s24;
	[tilespmem:v10+s6+$0x0] =	vst.idx.add.f32.msk $0xffff, v8;
	v3 =	vmul.f32 v11, v3  }
0x21d: {  	[tilespmem:v2+s21+$0x0] =	vst.idx.msk $0xffff, v0;
	v8 =	vld [tilespmem:s1+$0x2000]  }
0x21e: {  	v6 =	vmul.f32 v13, v6;
	[tilespmem:v1+s10+$0x0] =	vst.idx.add.f32.msk $0xffff, v3  }
0x21f: {  	[tilespmem:v1+s19+$0x0] =	vst.idx.msk $0xffff, v0  }
0x220: {  	[tilespmem:v4+s10+$0x0] =	vst.idx.add.f32.msk $0xffff, v6  }
0x221: {  	[tilespmem:v1+s21+$0x0] =	vst.idx.msk $0xffff, v0  }
0x222: {  	v2 =	vmul.f32 v8, v7;
	[tilespmem:v4+s19+$0x0] =	vst.idx.msk $0xffff, v0  }
0x223: {  	[tilespmem:v4+s21+$0x0] =	vst.idx.msk $0xffff, v0;
	v4 =	vmul.f32 v12, v5  }
0x224: {  	[tilespmem:v10+s10+$0x0] =	vst.idx.add.f32.msk $0xffff, v2  }
0x225: {  	[tilespmem:v9+s10+$0x0] =	vst.idx.add.f32.msk $0xffff, v4  }
0x226: {  	[tilespmem:v10+s19+$0x0] =	vst.idx.msk $0xffff, v0  }
0x227: {  	[tilespmem:v9+s19+$0x0] =	vst.idx.msk $0xffff, v0  }
0x228: {  	s17 =	sshll.u32 s14, $0xA;
	s0 =	rddreg [dreg:$0x3];
	[tilespmem:v10+s21+$0x0] =	vst.idx.msk $0xffff, v0  }
0x229: {  	s2 =	simm.s32 $0x400;
	s3 =	simm.s32 $0x80;
	s16 =	sadd.s32 s0, s17;
	[tilespmem:v9+s21+$0x0] =	vst.idx.msk $0xffff, v0  }
0x22a: {  	[hbm4b:s16+s3] =	stream.strided.scatter [tilespmem:s6], [sflag:$0x3], $0x2000, s2, s3, $0x38;
	[tilespmem:$0x16000] =	vst v63  }
0x22b: {  	s18 =	rddreg [dreg:$0x9]  }
0x22c: {  	s22 =	simm.s32 $0x2;
	s20 =	sadd.s32 s17, s18  }
0x22d: {  	[hbm4b:s20+s3] =	stream.strided.scatter [tilespmem:s10], [sflag:$0x3], $0x2000, s2, s3, $0x38;
	[tilespmem:$0x16000] =	vst v63  }
0x22e: {  	_ =	swait.ge [sflag:s22], $0x2000  }
0x22f: {  	s28 =	simm.s32 $0x2000;
	[sflag:s22] =	ssyncset.done $0x0;
	s24 =	rddreg [dreg:$0xc]  }
0x230: {  	s29 =	simm.s32 $0x5;
	[sflag:s22] =	ssyncadd.s32 $0xFFFFE000;
	s26 =	sadd.s32 s11, s24  }
0x231: {  	[tilespmem:s28], [sflag:$0x1] =	stream.strided.gather [hbm4b:s26+s30], $0x2000, s2, s30, $0x38;
	[tilespmem:$0x16000] =	vst v63  }
0x232: {  	_ =	swait.ge [sflag:s29], $0x2000  }
0x233: {  	[sflag:s29] =	ssyncset.done $0x0  }
0x234: {  	[sflag:s29] =	ssyncadd.s32 $0xFFFFE000  }
0x235: {  	s30 =	simm.s32 $0x0;
	_ =	swait.ge [sflag:s29], $0x2000  }
0x236: {  	s4 =	simm.s32 $0x1000;
	s31 =	sand.u32 $0x1F00, s30;
	[sflag:s29] =	ssyncset.done $0x0  }
0x237: {  	s5 =	sand.u32 $0x40, s30;
	s0 =	sor.u32 $0x4000, s31;
	[sflag:s29] =	ssyncadd.s32 $0xFFFFE000  }
0x238: {  	s16 =	sor.u32 s5, s0;
	v13 =	vld [tilespmem:s4+$0x0]  }
0x239: {  	s1 =	sor.u32 $0x20, s5;
	v5 =	vld [tilespmem:s16+$0x0]  }
0x23a: {  	s14 =	sor.u32 s1, s0;
	v14 =	vld [tilespmem:s30+$0x0]  }
0x23b: {  	s26 =	simm.s32 $0x1040;
	v19 =	vld [tilespmem:s14+$0x0]  }
0x23c: {  	s24 =	simm.s32 $0x40;
	s15 =	sand.u32 $0xF80, s30;
	s4 =	sor.u32 $0x10, s5;
	v10 =	vld [tilespmem:s26+$0x0]  }
0x23d: {  	v6 =	vld [tilespmem:s24+$0x0];
	s18 =	sor.u32 s15, s4  }
0x23e: {  	s16 =	sor.u32 $0x30, s5;
	s20 =	sor.u32 s4, s0;
	v15 =	vld [tilespmem:s18+$0x1000]  }
0x23f: {  	s3 =	sor.u32 s16, s0;
	v16 =	vld [tilespmem:s20+$0x0]  }
0x240: {  	s13 =	sor.u32 s15, s16;
	v17 =	vld [tilespmem:s3+$0x0]  }
0x241: {  	v18 =	vld [tilespmem:s13+$0x1000]  }
0x242: {  	s22 =	simm.s32 $0x80;
	s15 =	sor.u32 s15, s1;
	v1 =	vld [tilespmem:s13+$0x0]  }
0x243: {  	s14 =	sand.u32 $0x1F00, s22;
	v4 =	vld [tilespmem:s15+$0x1000]  }
0x244: {  	s28 =	sor.u32 $0x4000, s14;
	v2 =	vld [tilespmem:s18+$0x0];
	s18 =	sand.u32 $0x40, s24  }
0x245: {  	v3 =	vld [tilespmem:s15+$0x0];
	s29 =	sor.u32 s18, s28;
	s22 =	sor.u32 $0x10, s18  }
0x246: {  	s15 =	sand.u32 $0xF80, s24;
	v21 =	vld [tilespmem:s29+$0x0];
	s30 =	sor.u32 s22, s28  }
0x247: {  	s3 =	sor.u32 s15, s22;
	v22 =	vld [tilespmem:s30+$0x0]  }
0x248: {  	v5 =	vmul.f32 v5, v13;
	v8 =	vld [tilespmem:s3+$0x1000]  }
0x249: {  	s2 =	sor.u32 $0x4080, s31;
	v9 =	vld [tilespmem:s3+$0x0]  }
0x24a: {  	s5 =	sor.u32 s5, s2;
	v16 =	vmul.f32 v16, v15;
	[tilespmem:v14+s19+$0x0] =	vst.idx.add.f32.msk $0xffff, v5  }
0x24b: {  	v17 =	vmul.f32 v17, v18;
	v20 =	vld [tilespmem:s5+$0x0]  }
0x24c: {  	s5 =	sor.u32 $0x30, s18;
	[tilespmem:v2+s19+$0x0] =	vst.idx.add.f32.msk $0xffff, v16  }
0x24d: {  	s31 =	sor.u32 s5, s28;
	[tilespmem:v1+s19+$0x0] =	vst.idx.add.f32.msk $0xffff, v17  }
0x24e: {  	s0 =	sor.u32 s15, s5;
	v23 =	vld [tilespmem:s31+$0x0]  }
0x24f: {  	s13 =	sor.u32 $0x20, s18;
	v7 =	vld [tilespmem:s0+$0x1000]  }
0x250: {  	s15 =	sor.u32 s15, s13;
	v5 =	vld [tilespmem:s0+$0x0]  }
0x251: {  	s28 =	sor.u32 s13, s28;
	v12 =	vld [tilespmem:s15+$0x1000]  }
0x252: {  	s4 =	sor.u32 s4, s2;
	v16 =	vmul.f32 v19, v4;
	v24 =	vld [tilespmem:s28+$0x0]  }
0x253: {  	v25 =	vld [tilespmem:s4+$0x0]  }
0x254: {  	s29 =	sor.u32 s16, s2;
	[tilespmem:v3+s19+$0x0] =	vst.idx.add.f32.msk $0xffff, v16;
	v16 =	vmul.f32 v21, v10  }
0x255: {  	v19 =	vld [tilespmem:s29+$0x0]  }
0x256: {  	s1 =	sor.u32 s1, s2;
	v13 =	vmul.f32 v20, v13;
	[tilespmem:v6+s19+$0x0] =	vst.idx.add.f32.msk $0xffff, v16  }
0x257: {  	v16 =	vld [tilespmem:s1+$0x0]  }
0x258: {  	[tilespmem:v14+s21+$0x0] =	vst.idx.add.f32.msk $0xffff, v13;
	v13 =	vmul.f32 v22, v8  }
0x259: {  	s30 =	sor.u32 $0x4080, s14;
	v11 =	vld [tilespmem:s15+$0x0];
	[tilespmem:v14+s23+$0x0] =	vst.idx.msk $0xffff, v0  }
0x25a: {  	s20 =	simm.s32 $0x100;
	s24 =	simm.s32 $0x1080;
	s31 =	sor.u32 s18, s30;
	v63 =	vmul.f32 v23, v7;
	[tilespmem:v9+s19+$0x0] =	vst.idx.add.f32.msk $0xffff, v13  }
0x25b: {  	s16 =	simm.s32 $0x80;
	s14 =	sor.u32 s13, s30;
	s2 =	sor.u32 s5, s30;
	v17 =	vmul.f32 v25, v15;
	[tilespmem:v14+s25+$0x0] =	vst.idx.msk $0xffff, v0;
	v14 =	vld [tilespmem:s31+$0x0]  }
0x25c: {  	s4 =	sor.u32 s22, s30;
	s15 =	simm.s32 $0x4;
	s22 =	simm.s32 $0x80;
	v15 =	vmul.f32 v19, v18;
	v13 =	vmul.f32 v24, v12;
	[tilespmem:v5+s19+$0x0] =	vst.idx.add.f32.msk $0xffff, v63  }
.LBB2_15:
0x25d: {  	s1 =	sand.u32 $0x40, s22;
	s5 =	sand.u32 $0x1F00, s20;
	s18 =	sand.u32 $0xF80, s22;
	[tilespmem:v2+s21+$0x0] =	vst.idx.add.f32.msk $0xffff, v17;
	v16 =	vmul.f32 v16, v4;
	v4 =	vmov v12  }
0x25e: {  	v12 =	vld [tilespmem:s24+$0x0];
	s26 =	sor.u32 $0x4000, s5;
	s28 =	sor.u32 $0x10, s1;
	s29 =	sor.u32 $0x30, s1;
	[tilespmem:v2+s23+$0x0] =	vst.idx.msk $0xffff, v0  }
0x25f: {  	s31 =	sor.u32 s1, s26;
	s0 =	sor.u32 s18, s28;
	s3 =	sor.u32 s29, s26;
	[tilespmem:v3+s21+$0x0] =	vst.idx.add.f32.msk $0xffff, v16  }
0x260: {  	s13 =	sor.u32 $0x20, s1;
	s30 =	sor.u32 s18, s29;
	v16 =	vld [tilespmem:s31+$0x0];
	s31 =	sor.u32 s28, s26;
	v14 =	vmul.f32 v14, v10;
	[tilespmem:v3+s23+$0x0] =	vst.idx.msk $0xffff, v0  }
0x261: {  	s5 =	sor.u32 $0x4080, s5;
	s18 =	sor.u32 s18, s13;
	s26 =	sor.u32 s13, s26;
	v18 =	vld [tilespmem:s0+$0x1000];
	[tilespmem:v3+s25+$0x0] =	vst.idx.msk $0xffff, v0;
	v3 =	vmov v11  }
0x262: {  	s15 =	sadd.s32 $0x4, s15;
	s1 =	sor.u32 s1, s5;
	s28 =	sor.u32 s28, s5;
	[tilespmem:v1+s21+$0x0] =	vst.idx.add.f32.msk $0xffff, v15  }
0x263: {  	p0 =	slt.u32 s15, $0xFC;
	s13 =	sor.u32 s13, s5;
	s5 =	sor.u32 s29, s5;
	v15 =	vld [tilespmem:s16+$0x0];
	[tilespmem:v1+s23+$0x0] =	vst.idx.msk $0xffff, v0;
	v10 =	vmov v12  }
0x264: {  	[tilespmem:v11+s19+$0x0] =	vst.idx.add.f32.msk $0xffff, v13  }
0x265: {  	v13 =	vld [tilespmem:s31+$0x0];
	[tilespmem:v2+s25+$0x0] =	vst.idx.msk $0xffff, v0;
	v2 =	vmov v9  }
0x266: {  	v17 =	vld [tilespmem:s3+$0x0];
	[tilespmem:v1+s25+$0x0] =	vst.idx.msk $0xffff, v0;
	v1 =	vmov v5  }
0x267: {  	v19 =	vld [tilespmem:s30+$0x1000]  }
0x268: {  	v5 =	vld [tilespmem:s30+$0x0]  }
0x269: {  	v12 =	vld [tilespmem:s18+$0x1000]  }
0x26a: {  	v9 =	vld [tilespmem:s0+$0x0]  }
0x26b: {  	v11 =	vld [tilespmem:s18+$0x0]  }
0x26c: {  	v20 =	vmul.f32 v13, v18;
	v13 =	vld [tilespmem:s26+$0x0]  }
0x26d: {  	v21 =	vmul.f32 v17, v19;
	v17 =	vld [tilespmem:s4+$0x0];
	s4 =	smov.u32 s28  }
0x26e: {  	v22 =	vmul.f32 v16, v10;
	[tilespmem:v6+s21+$0x0] =	vst.idx.add.f32.msk $0xffff, v14  }
0x26f: {  	[tilespmem:v6+s23+$0x0] =	vst.idx.msk $0xffff, v0;
	v23 =	vld [tilespmem:s2+$0x0];
	s2 =	smov.u32 s5  }
.Ltmp6:
0x270: {  	[tilespmem:v6+s25+$0x0] =	vst.idx.msk $0xffff, v0;
	v16 =	vld [tilespmem:s14+$0x0];
	v6 =	vmov v15;
	s14 =	smov.u32 s13;
	(pc) =	sbr.rel @p0 .LBB2_15-.Ltmp6, $4  }
0x271: {  	[tilespmem:v15+s19+$0x0] =	vst.idx.add.f32.msk $0xffff, v22;
	v13 =	vmul.f32 v13, v12  }
0x272: {  	[tilespmem:v9+s19+$0x0] =	vst.idx.add.f32.msk $0xffff, v20;
	v17 =	vmul.f32 v17, v8;
	v8 =	vmov v18  }
0x273: {  	s16 =	sadd.s32 $0x40, s16;
	v14 =	vld [tilespmem:s1+$0x0]  }
0x274: {  	s20 =	sadd.s32 $0x80, s20;
	s22 =	sadd.s32 $0x40, s22;
	s24 =	sadd.s32 $0x40, s24;
	[tilespmem:v5+s19+$0x0] =	vst.idx.add.f32.msk $0xffff, v21;
	v15 =	vmul.f32 v23, v7;
	v7 =	vmov v19  }
0x275: {  	_ =	sdelay $0x3  }
0x276: {  	[tilespmem:v2+s21+$0x0] =	vst.idx.add.f32.msk $0xffff, v17  }
0x277: {  	[tilespmem:v11+s19+$0x0] =	vst.idx.add.f32.msk $0xffff, v13  }
0x278: {  	v4 =	vmul.f32 v16, v4;
	[tilespmem:v2+s23+$0x0] =	vst.idx.msk $0xffff, v0  }
0x279: {  	[tilespmem:v1+s21+$0x0] =	vst.idx.add.f32.msk $0xffff, v15  }
0x27a: {  	[tilespmem:v3+s21+$0x0] =	vst.idx.add.f32.msk $0xffff, v4  }
0x27b: {  	[tilespmem:v1+s23+$0x0] =	vst.idx.msk $0xffff, v0  }
0x27c: {  	[tilespmem:v2+s25+$0x0] =	vst.idx.msk $0xffff, v0;
	v2 =	vld [tilespmem:s14+$0x0]  }
0x27d: {  	[tilespmem:v3+s23+$0x0] =	vst.idx.msk $0xffff, v0  }
0x27e: {  	v4 =	vmul.f32 v14, v10;
	[tilespmem:v1+s25+$0x0] =	vst.idx.msk $0xffff, v0;
	v1 =	vld [tilespmem:s2+$0x0]  }
0x27f: {  	[tilespmem:v3+s25+$0x0] =	vst.idx.msk $0xffff, v0;
	v3 =	vld [tilespmem:s4+$0x0]  }
0x280: {  	[tilespmem:v6+s21+$0x0] =	vst.idx.add.f32.msk $0xffff, v4  }
0x281: {  	[tilespmem:v6+s23+$0x0] =	vst.idx.msk $0xffff, v0;
	v2 =	vmul.f32 v2, v12  }
0x282: {  	[tilespmem:v6+s25+$0x0] =	vst.idx.msk $0xffff, v0  }
0x283: {  	v1 =	vmul.f32 v1, v7;
	[tilespmem:v11+s21+$0x0] =	vst.idx.add.f32.msk $0xffff, v2  }
0x284: {  	v3 =	vmul.f32 v3, v8;
	[tilespmem:v11+s23+$0x0] =	vst.idx.msk $0xffff, v0  }
0x285: {  	[tilespmem:v5+s21+$0x0] =	vst.idx.add.f32.msk $0xffff, v1  }
0x286: {  	[tilespmem:v9+s21+$0x0] =	vst.idx.add.f32.msk $0xffff, v3  }
0x287: {  	[tilespmem:v11+s25+$0x0] =	vst.idx.msk $0xffff, v0  }
0x288: {  	[tilespmem:v5+s23+$0x0] =	vst.idx.msk $0xffff, v0  }
0x289: {  	[tilespmem:v9+s23+$0x0] =	vst.idx.msk $0xffff, v0  }
0x28a: {  	[tilespmem:v5+s25+$0x0] =	vst.idx.msk $0xffff, v0  }
0x28b: {  	s31 =	simm.s32 $0x400;
	[tilespmem:v9+s25+$0x0] =	vst.idx.msk $0xffff, v0  }
0x28c: {  	s1 =	simm.s32 $0x80;
	s14 =	sand.u32 $0x1FFFE000, s17;
	s0 =	rddreg [dreg:$0xe]  }
0x28d: {  	s17 =	sand.u32 $0x3FE000, s17;
	s2 =	rddreg [dreg:$0xf];
	s0 =	sadd.s32 s14, s0  }
0x28e: {  	[hbm4b:s0+s1] =	stream.strided.scatter [tilespmem:s19], [sflag:$0x4], $0x2000, s31, s1, $0x38;
	[tilespmem:$0x16000] =	vst v63  }
0x28f: {  	s3 =	simm.s32 $0x1;
	s0 =	sadd.s32 s17, s2  }
0x290: {  	[hbm4b:s0+s1] =	stream.strided.scatter [tilespmem:s21], [sflag:$0x4], $0x2000, s31, s1, $0x38;
	[tilespmem:$0x16000] =	vst v63  }
0x291: {  	s28 =	simm.s32 $0x100;
	_ =	swait.ge [sflag:s3], $0x2000  }
0x292: {  	s5 =	simm.s32 $0x4000;
	[sflag:s3] =	ssyncset.done $0x0;
	s4 =	rddreg [dreg:$0x12]  }
0x293: {  	[sflag:s3] =	ssyncadd.s32 $0xFFFFE000;
	s0 =	sadd.s32 s11, s4;
	s11 =	simm.s32 $0x6  }
0x294: {  	[tilespmem:s5], [sflag:$0x2] =	stream.strided.gather [hbm4b:s0+s28], $0x2000, s31, s28, $0x38;
	[tilespmem:$0x16000] =	vst v63  }
0x295: {  	_ =	swait.ge [sflag:s11], $0x2000  }
0x296: {  	[sflag:s11] =	ssyncset.done $0x0  }
0x297: {  	[sflag:s11] =	ssyncadd.s32 $0xFFFFE000  }
0x298: {  	_ =	swait.ge [sflag:s11], $0x2000  }
0x299: {  	s13 =	simm.s32 $0x0;
	[sflag:s11] =	ssyncset.done $0x0  }
0x29a: {  	s15 =	sand.u32 $0x1F00, s13;
	[sflag:s11] =	ssyncadd.s32 $0xFFFFE000  }
0x29b: {  	s16 =	simm.s32 $0x1000;
	s1 =	sor.u32 $0x2000, s15;
	s3 =	sand.u32 $0x40, s13;
	v11 =	vld [tilespmem:s13+$0x0]  }
0x29c: {  	s0 =	sand.u32 $0xF80, s13;
	s18 =	sor.u32 $0x20, s3;
	s20 =	sor.u32 s3, s1;
	v7 =	vld [tilespmem:s16+$0x0]  }
0x29d: {  	s5 =	sor.u32 s0, s18;
	v1 =	vld [tilespmem:s20+$0x0]  }
0x29e: {  	s22 =	sor.u32 $0x30, s3;
	s3 =	sor.u32 $0x10, s3;
	v4 =	vld [tilespmem:s5+$0x1000]  }
0x29f: {  	s26 =	sor.u32 s3, s1;
	s4 =	sor.u32 s18, s1;
	s1 =	sor.u32 s22, s1;
	v9 =	vld [tilespmem:s5+$0x0]  }
0x2a0: {  	p0 =	por $0x0, $0x0;
	s24 =	sor.u32 s0, s22;
	v3 =	vld [tilespmem:s1+$0x0];
	s1 =	simm.s32 $0x1  }
0x2a1: {  	v10 =	vld [tilespmem:s24+$0x1000];
	s1 =	simm.s32 @!p0 $0x0  }
0x2a2: {  	s30 =	simm.s32 $0x40;
	v14 =	vld [tilespmem:s24+$0x0];
	s1 =	sshll.u32 s1, $0x6  }
0x2a3: {  	s15 =	sand.u32 $0x40, s30;
	s11 =	simm.s32 $0x80;
	v5 =	vld [tilespmem:s26+$0x0];
	s1 =	sadd.s32 $0x0, s1  }
0x2a4: {  	s0 =	sor.u32 s0, s3;
	v2 =	vld [tilespmem:s4+$0x0];
	s13 =	sand.u32 $0x1F00, s11;
	s3 =	sadd.s32 $0x20, s1  }
0x2a5: {  	v12 =	vld [tilespmem:s0+$0x1000];
	s4 =	simm.s32 $0x1040;
	s2 =	sor.u32 $0x80, s3;
	s3 =	sor.u32 $0x2000, s13  }
0x2a6: {  	v1 =	vmul.f32 v1, v7;
	v6 =	vmul.f32 v3, v10;
	v3 =	vld [tilespmem:s4+$0x0];
	s16 =	sor.u32 s15, s3  }
0x2a7: {  	v61 =	vld [tilespmem:s16+$0x0]  }
0x2a8: {  	[tilespmem:v11+s23+$0x0] =	vst.idx.add.f32.msk $0xffff, v1  }
0x2a9: {  	v1 =	vmul.f32 v2, v4;
	v2 =	vld [tilespmem:s0+$0x0]  }
0x2aa: {  	s29 =	sor.u32 $0x80, s1;
	[tilespmem:v14+s23+$0x0] =	vst.idx.add.f32.msk $0xffff, v6  }
0x2ab: {  	v13 =	vld [tilespmem:s29+$0x2000]  }
0x2ac: {  	[tilespmem:v9+s23+$0x0] =	vst.idx.add.f32.msk $0xffff, v1  }
0x2ad: {  	s18 =	sor.u32 $0x20, s15;
	s0 =	sand.u32 $0xF80, s30;
	v8 =	vld [tilespmem:s2+$0x2000]  }
0x2ae: {  	s5 =	sadd.s32 $0x30, s1;
	s20 =	sor.u32 s0, s18;
	v1 =	vld [tilespmem:s30+$0x0]  }
0x2af: {  	v5 =	vmul.f32 v5, v12;
	v6 =	vld [tilespmem:s20+$0x1000];
	s2 =	sor.u32 $0x80, s5  }
0x2b0: {  	v15 =	vld [tilespmem:s2+$0x2000]  }
0x2b1: {  	s22 =	sor.u32 $0x30, s15;
	[tilespmem:v2+s23+$0x0] =	vst.idx.add.f32.msk $0xffff, v5  }
0x2b2: {  	s24 =	sor.u32 s0, s22;
	v7 =	vmul.f32 v13, v7;
	v8 =	vmul.f32 v8, v4;
	v4 =	vld [tilespmem:s20+$0x0]  }
0x2b3: {  	s26 =	sor.u32 $0x10, s15;
	v5 =	vld [tilespmem:s24+$0x1000]  }
0x2b4: {  	s1 =	sadd.s32 $0x10, s1;
	s0 =	sor.u32 s0, s26;
	[tilespmem:v11+s25+$0x0] =	vst.idx.add.f32.msk $0xffff, v7  }
0x2b5: {  	s1 =	sor.u32 $0x80, s1;
	v7 =	vld [tilespmem:s0+$0x1000]  }
0x2b6: {  	v62 =	vld [tilespmem:s1+$0x2000]  }
0x2b7: {  	s4 =	sor.u32 s26, s3;
	[tilespmem:v9+s25+$0x0] =	vst.idx.add.f32.msk $0xffff, v8  }
0x2b8: {  	s1 =	sor.u32 s22, s3;
	v8 =	vld [tilespmem:s4+$0x0];
	[tilespmem:v9+s8+$0x0] =	vst.idx.msk $0xffff, v0  }
0x2b9: {  	s3 =	sor.u32 s18, s3;
	v63 =	vld [tilespmem:s1+$0x0];
	[tilespmem:v9+s12+$0x0] =	vst.idx.msk $0xffff, v0;
	v9 =	vmul.f32 v15, v10  }
0x2ba: {  	[tilespmem:v11+s8+$0x0] =	vst.idx.msk $0xffff, v0;
	v13 =	vld [tilespmem:s3+$0x0]  }
0x2bb: {  	p0 =	por !p0, !p0;
	s1 =	simm.s32 $0x1;
	v10 =	vmul.f32 v61, v3;
	[tilespmem:v14+s25+$0x0] =	vst.idx.add.f32.msk $0xffff, v9  }
0x2bc: {  	s11 =	simm.s32 $0x80;
	[tilespmem:v11+s12+$0x0] =	vst.idx.msk $0xffff, v0;
	s1 =	simm.s32 @!p0 $0x0;
	v9 =	vld [tilespmem:s24+$0x0]  }
0x2bd: {  	s15 =	simm.s32 $0x80;
	s16 =	simm.s32 $0x100;
	s1 =	sshll.u32 s1, $0x6;
	v12 =	vmul.f32 v62, v12;
	[tilespmem:v1+s23+$0x0] =	vst.idx.add.f32.msk $0xffff, v10  }
0x2be: {  	s2 =	simm.s32 $0x4;
	s4 =	simm.s32 $0x1080;
	s1 =	sadd.s32 $0x80, s1;
	v10 =	vld [tilespmem:s0+$0x0];
	[tilespmem:v14+s8+$0x0] =	vst.idx.msk $0xffff, v0  }
0x2bf: {  	p0 =	por !p0, !p0;
	s29 =	sor.u32 $0x80, s1;
	s30 =	sadd.s32 $0x20, s1;
	v13 =	vmul.f32 v13, v6;
	[tilespmem:v2+s25+$0x0] =	vst.idx.add.f32.msk $0xffff, v12  }
0x2c0: {  	s22 =	sadd.s32 $0x30, s1;
	s24 =	sadd.s32 $0x10, s1;
	v11 =	vld [tilespmem:s29+$0x2000];
	s26 =	sor.u32 $0x80, s30;
	v12 =	vmul.f32 v63, v5;
	[tilespmem:v14+s12+$0x0] =	vst.idx.msk $0xffff, v0  }
.LBB2_17:
0x2c1: {  	s0 =	sand.u32 $0x40, s11;
	s1 =	sand.u32 $0x1F00, s16;
	s3 =	sand.u32 $0xF80, s11;
	v8 =	vmul.f32 v8, v7;
	[tilespmem:v4+s23+$0x0] =	vst.idx.add.f32.msk $0xffff, v13  }
0x2c2: {  	v14 =	vld [tilespmem:s15+$0x0];
	s1 =	sor.u32 $0x2000, s1;
	s5 =	sor.u32 $0x10, s0;
	s13 =	sor.u32 $0x20, s0;
	[tilespmem:v2+s8+$0x0] =	vst.idx.msk $0xffff, v0;
	v15 =	vmov v9  }
0x2c3: {  	s20 =	sor.u32 s3, s5;
	s5 =	sor.u32 s5, s1;
	s18 =	sor.u32 s3, s13;
	v13 =	vld [tilespmem:s26+$0x2000];
	[tilespmem:v2+s12+$0x0] =	vst.idx.msk $0xffff, v0  }
0x2c4: {  	s26 =	sor.u32 s0, s1;
	s13 =	sor.u32 s13, s1;
	s0 =	sor.u32 $0x30, s0;
	v16 =	vld [tilespmem:s4+$0x0];
	v2 =	vmov v10  }
0x2c5: {  	s2 =	sadd.s32 $0x4, s2;
	s22 =	sor.u32 $0x80, s22;
	s1 =	sor.u32 s0, s1;
	[tilespmem:v9+s23+$0x0] =	vst.idx.add.f32.msk $0xffff, v12  }
0x2c6: {  	p1 =	slt.u32 s2, $0xFC;
	v9 =	vld [tilespmem:s22+$0x2000]  }
0x2c7: {  	s0 =	sor.u32 s3, s0;
	[tilespmem:v10+s23+$0x0] =	vst.idx.add.f32.msk $0xffff, v8  }
0x2c8: {  	s3 =	sor.u32 $0x80, s24;
	v10 =	vld [tilespmem:s26+$0x0];
	v12 =	vmul.f32 v13, v6  }
0x2c9: {  	v13 =	vld [tilespmem:s3+$0x2000]  }
0x2ca: {  	v6 =	vld [tilespmem:s18+$0x1000]  }
0x2cb: {  	v17 =	vld [tilespmem:s18+$0x0];
	v9 =	vmul.f32 v9, v5  }
0x2cc: {  	v5 =	vld [tilespmem:s0+$0x1000]  }
0x2cd: {  	v11 =	vmul.f32 v11, v3;
	v3 =	vmov v16;
	v8 =	vld [tilespmem:s5+$0x0]  }
0x2ce: {  	v7 =	vmul.f32 v13, v7;
	[tilespmem:v4+s25+$0x0] =	vst.idx.add.f32.msk $0xffff, v12  }
0x2cf: {  	v12 =	vld [tilespmem:s1+$0x0];
	[tilespmem:v4+s8+$0x0] =	vst.idx.msk $0xffff, v0  }
0x2d0: {  	v13 =	vld [tilespmem:s13+$0x0];
	[tilespmem:v4+s12+$0x0] =	vst.idx.msk $0xffff, v0;
	v4 =	vmov v17  }
0x2d1: {  	[tilespmem:v2+s25+$0x0] =	vst.idx.add.f32.msk $0xffff, v7  }
0x2d2: {  	[tilespmem:v1+s25+$0x0] =	vst.idx.add.f32.msk $0xffff, v11  }
0x2d3: {  	v10 =	vmul.f32 v10, v3;
	s1 =	simm.s32 $0x1;
	[tilespmem:v15+s25+$0x0] =	vst.idx.add.f32.msk $0xffff, v9  }
.Ltmp7:
0x2d4: {  	s1 =	simm.s32 @!p0 $0x0;
	v7 =	vld [tilespmem:s20+$0x1000];
	[tilespmem:v15+s8+$0x0] =	vst.idx.msk $0xffff, v0;
	(pc) =	sbr.rel @p1 .LBB2_17-.Ltmp7, $4  }
0x2d5: {  	s4 =	sadd.s32 $0x40, s4;
	p0 =	por !p0, !p0;
	s1 =	sshll.u32 s1, $0x6;
	v12 =	vmul.f32 v12, v5;
	v13 =	vmul.f32 v13, v6;
	v9 =	vld [tilespmem:s0+$0x0];
	[tilespmem:v1+s8+$0x0] =	vst.idx.msk $0xffff, v0  }
0x2d6: {  	s11 =	sadd.s32 $0x40, s11;
	s15 =	sadd.s32 $0x40, s15;
	s0 =	sadd.s32 s1, s16;
	[tilespmem:v14+s23+$0x0] =	vst.idx.add.f32.msk $0xffff, v10  }
0x2d7: {  	s1 =	sor.u32 $0x80, s0;
	s3 =	sadd.s32 $0x20, s0;
	s22 =	sadd.s32 $0x30, s0;
	v10 =	vld [tilespmem:s20+$0x0];
	[tilespmem:v1+s12+$0x0] =	vst.idx.msk $0xffff, v0;
	v1 =	vmov v14  }
0x2d8: {  	s16 =	sadd.s32 $0x80, s16;
	s24 =	sadd.s32 $0x10, s0;
	s26 =	sor.u32 $0x80, s3;
	v11 =	vld [tilespmem:s1+$0x2000];
	[tilespmem:v15+s12+$0x0] =	vst.idx.msk $0xffff, v0  }
0x2d9: {  	_ =	sdelay $0x3  }
0x2da: {  	[tilespmem:v4+s23+$0x0] =	vst.idx.add.f32.msk $0xffff, v13  }
0x2db: {  	v13 =	vld [tilespmem:s26+$0x2000]  }
0x2dc: {  	v8 =	vmul.f32 v8, v7;
	s2 =	sor.u32 $0x80, s22;
	[tilespmem:v9+s23+$0x0] =	vst.idx.add.f32.msk $0xffff, v12  }
0x2dd: {  	[tilespmem:v2+s8+$0x0] =	vst.idx.msk $0xffff, v0;
	v12 =	vld [tilespmem:s2+$0x2000]  }
0x2de: {  	s0 =	sor.u32 $0x80, s24;
	[tilespmem:v10+s23+$0x0] =	vst.idx.add.f32.msk $0xffff, v8;
	v3 =	vmul.f32 v11, v3  }
0x2df: {  	[tilespmem:v2+s12+$0x0] =	vst.idx.msk $0xffff, v0;
	v8 =	vld [tilespmem:s0+$0x2000]  }
0x2e0: {  	v6 =	vmul.f32 v13, v6;
	[tilespmem:v1+s25+$0x0] =	vst.idx.add.f32.msk $0xffff, v3  }
0x2e1: {  	[tilespmem:v1+s8+$0x0] =	vst.idx.msk $0xffff, v0  }
0x2e2: {  	[tilespmem:v4+s25+$0x0] =	vst.idx.add.f32.msk $0xffff, v6  }
0x2e3: {  	[tilespmem:v1+s12+$0x0] =	vst.idx.msk $0xffff, v0  }
0x2e4: {  	v2 =	vmul.f32 v8, v7;
	[tilespmem:v4+s8+$0x0] =	vst.idx.msk $0xffff, v0  }
0x2e5: {  	[tilespmem:v4+s12+$0x0] =	vst.idx.msk $0xffff, v0;
	v4 =	vmul.f32 v12, v5  }
0x2e6: {  	[tilespmem:v10+s25+$0x0] =	vst.idx.add.f32.msk $0xffff, v2  }
0x2e7: {  	[tilespmem:v9+s25+$0x0] =	vst.idx.add.f32.msk $0xffff, v4  }
0x2e8: {  	[tilespmem:v10+s8+$0x0] =	vst.idx.msk $0xffff, v0  }
0x2e9: {  	[tilespmem:v9+s8+$0x0] =	vst.idx.msk $0xffff, v0  }
0x2ea: {  	[tilespmem:v10+s12+$0x0] =	vst.idx.msk $0xffff, v0  }
0x2eb: {  	[tilespmem:v9+s12+$0x0] =	vst.idx.msk $0xffff, v0  }
0x2ec: {  	s3 =	rddreg [dreg:$0x14]  }
0x2ed: {  	s1 =	simm.s32 $0x80;
	s4 =	rddreg [dreg:$0x16];
	s0 =	sadd.s32 s14, s3  }
0x2ee: {  	[hbm4b:s0+s1] =	stream.strided.scatter [tilespmem:s23], [sflag:$0x5], $0x2000, s31, s1, $0x38;
	[tilespmem:$0x16000] =	vst v63  }
0x2ef: {  	s5 =	simm.s32 $0x2;
	s0 =	sadd.s32 s17, s4  }
0x2f0: {  	[hbm4b:s0+s1] =	stream.strided.scatter [tilespmem:s25], [sflag:$0x5], $0x2000, s31, s1, $0x38;
	[tilespmem:$0x16000] =	vst v63  }
0x2f1: {  	_ =	swait.ge [sflag:s5], $0x2000  }
0x2f2: {  	s11 =	sld [smem:$0x7F8];
	_ =	sdelay $0x1  }
0x2f3: {  	[sflag:s5] =	ssyncset.done $0x0  }
0x2f4: {  	[sflag:s5] =	ssyncadd.s32 $0xFFFFE000;
	s0 =	sadd.s32 s9, s11  }
0x2f5: {  	s1 =	rddreg [dreg:$0x0];
	s0 =	sshll.u32 s0, $0x9  }
0x2f6: {  	s13 =	simm.s32 $0x2000;
	s15 =	simm.s32 $0x3;
	s0 =	sadd.s32 s1, s0  }
0x2f7: {  	[tilespmem:s13], [sflag:$0x1] =	stream.strided.gather [hbm4b:s0+s28], $0x2000, s31, s28, $0x38;
	[tilespmem:$0x16000] =	vst v63  }
0x2f8: {  	_ =	swait.ge [sflag:s15], $0x2000  }
0x2f9: {  	[sflag:s15] =	ssyncset.done $0x0  }
0x2fa: {  	[sflag:s15] =	ssyncadd.s32 $0xFFFFE000  }
0x2fb: {  	s16 =	simm.s32 $0x0;
	_ =	swait.ge [sflag:s15], $0x2000  }
0x2fc: {  	s18 =	sand.u32 $0x1F00, s16;
	s2 =	simm.s32 $0x1000;
	[sflag:s15] =	ssyncset.done $0x0  }
0x2fd: {  	s3 =	sand.u32 $0x40, s16;
	s4 =	sor.u32 $0x4000, s18;
	[sflag:s15] =	ssyncadd.s32 $0xFFFFE000  }
0x2fe: {  	s20 =	sor.u32 s3, s4;
	v13 =	vld [tilespmem:s2+$0x0]  }
0x2ff: {  	s9 =	sor.u32 $0x30, s3;
	v5 =	vld [tilespmem:s20+$0x0]  }
0x300: {  	s5 =	sand.u32 $0xF80, s16;
	s22 =	sor.u32 s9, s4;
	v14 =	vld [tilespmem:s16+$0x0]  }
0x301: {  	s24 =	sor.u32 s5, s9;
	v17 =	vld [tilespmem:s22+$0x0]  }
0x302: {  	v18 =	vld [tilespmem:s24+$0x1000]  }
0x303: {  	s29 =	simm.s32 $0x1040;
	v1 =	vld [tilespmem:s24+$0x0]  }
0x304: {  	s28 =	simm.s32 $0x40;
	s2 =	sor.u32 $0x10, s3;
	v10 =	vld [tilespmem:s29+$0x0]  }
0x305: {  	v6 =	vld [tilespmem:s28+$0x0];
	s11 =	sor.u32 s5, s2  }
0x306: {  	s0 =	sor.u32 $0x20, s3;
	s13 =	sor.u32 s2, s4;
	v15 =	vld [tilespmem:s11+$0x1000]  }
0x307: {  	s5 =	sor.u32 s5, s0;
	v16 =	vld [tilespmem:s13+$0x0]  }
0x308: {  	s26 =	simm.s32 $0x80;
	s4 =	sor.u32 s0, s4;
	v4 =	vld [tilespmem:s5+$0x1000]  }
0x309: {  	v19 =	vld [tilespmem:s4+$0x0];
	s4 =	sand.u32 $0x1F00, s26  }
0x30a: {  	v2 =	vld [tilespmem:s11+$0x0];
	s11 =	sand.u32 $0x40, s28;
	s30 =	sor.u32 $0x4000, s4  }
0x30b: {  	s1 =	sor.u32 $0x4080, s18;
	v3 =	vld [tilespmem:s5+$0x0];
	s15 =	sor.u32 $0x10, s11;
	s18 =	sor.u32 s11, s30  }
0x30c: {  	s5 =	sand.u32 $0xF80, s28;
	s16 =	sor.u32 s15, s30;
	v21 =	vld [tilespmem:s18+$0x0]  }
0x30d: {  	s22 =	sor.u32 s5, s15;
	v22 =	vld [tilespmem:s16+$0x0]  }
0x30e: {  	s24 =	sor.u32 $0x20, s11;
	v8 =	vld [tilespmem:s22+$0x1000]  }
0x30f: {  	s26 =	sor.u32 s24, s30;
	v5 =	vmul.f32 v5, v13;
	v9 =	vld [tilespmem:s22+$0x0]  }
0x310: {  	v24 =	vld [tilespmem:s26+$0x0];
	v17 =	vmul.f32 v17, v18  }
0x311: {  	[tilespmem:v14+s8+$0x0] =	vst.idx.add.f32.msk $0xffff, v5  }
0x312: {  	s3 =	sor.u32 s3, s1;
	v16 =	vmul.f32 v16, v15;
	[tilespmem:v1+s8+$0x0] =	vst.idx.add.f32.msk $0xffff, v17  }
0x313: {  	v20 =	vld [tilespmem:s3+$0x0]  }
0x314: {  	s28 =	sor.u32 s9, s1;
	s3 =	sor.u32 $0x30, s11;
	[tilespmem:v2+s8+$0x0] =	vst.idx.add.f32.msk $0xffff, v16  }
0x315: {  	s18 =	sor.u32 s3, s30;
	v16 =	vmul.f32 v19, v4;
	v19 =	vld [tilespmem:s28+$0x0]  }
0x316: {  	s20 =	sor.u32 s5, s3;
	v23 =	vld [tilespmem:s18+$0x0]  }
0x317: {  	v7 =	vld [tilespmem:s20+$0x1000]  }
0x318: {  	s5 =	sor.u32 s5, s24;
	v5 =	vld [tilespmem:s20+$0x0]  }
0x319: {  	v12 =	vld [tilespmem:s5+$0x1000]  }
0x31a: {  	s2 =	sor.u32 s2, s1;
	[tilespmem:v3+s8+$0x0] =	vst.idx.add.f32.msk $0xffff, v16;
	v16 =	vmul.f32 v21, v10  }
0x31b: {  	v25 =	vld [tilespmem:s2+$0x0]  }
0x31c: {  	s0 =	sor.u32 s0, s1;
	v13 =	vmul.f32 v20, v13;
	[tilespmem:v6+s8+$0x0] =	vst.idx.add.f32.msk $0xffff, v16  }
0x31d: {  	v16 =	vld [tilespmem:s0+$0x0]  }
0x31e: {  	[tilespmem:v14+s12+$0x0] =	vst.idx.add.f32.msk $0xffff, v13;
	v13 =	vmul.f32 v22, v8  }
0x31f: {  	s29 =	sor.u32 $0x4080, s4;
	v11 =	vld [tilespmem:s5+$0x0];
	[tilespmem:v14+s6+$0x0] =	vst.idx.msk $0xffff, v0  }
0x320: {  	s4 =	sor.u32 s15, s29;
	s9 =	sor.u32 s24, s29;
	s30 =	sor.u32 s11, s29;
	v63 =	vmul.f32 v23, v7;
	[tilespmem:v9+s8+$0x0] =	vst.idx.add.f32.msk $0xffff, v13  }
0x321: {  	s15 =	simm.s32 $0x80;
	s16 =	simm.s32 $0x100;
	s22 =	simm.s32 $0x1080;
	v17 =	vmul.f32 v25, v15;
	[tilespmem:v14+s10+$0x0] =	vst.idx.msk $0xffff, v0;
	v14 =	vld [tilespmem:s30+$0x0]  }
0x322: {  	s11 =	simm.s32 $0x4;
	s2 =	sor.u32 s3, s29;
	s20 =	simm.s32 $0x80;
	v15 =	vmul.f32 v19, v18;
	v13 =	vmul.f32 v24, v12;
	[tilespmem:v5+s8+$0x0] =	vst.idx.add.f32.msk $0xffff, v63  }
.LBB2_19:
0x323: {  	s0 =	sand.u32 $0x40, s20;
	s1 =	sand.u32 $0x1F00, s16;
	s3 =	sand.u32 $0xF80, s20;
	[tilespmem:v2+s12+$0x0] =	vst.idx.add.f32.msk $0xffff, v17;
	v16 =	vmul.f32 v16, v4;
	v4 =	vmov v12  }
0x324: {  	v12 =	vld [tilespmem:s22+$0x0];
	s5 =	sor.u32 $0x4000, s1;
	s13 =	sor.u32 $0x10, s0;
	s18 =	sor.u32 $0x30, s0;
	[tilespmem:v2+s6+$0x0] =	vst.idx.msk $0xffff, v0  }
0x325: {  	s24 =	sor.u32 s0, s5;
	s26 =	sor.u32 s3, s13;
	s28 =	sor.u32 s18, s5;
	[tilespmem:v3+s12+$0x0] =	vst.idx.add.f32.msk $0xffff, v16  }
0x326: {  	s29 =	sor.u32 $0x20, s0;
	s30 =	sor.u32 s3, s18;
	v16 =	vld [tilespmem:s24+$0x0];
	s24 =	sor.u32 s13, s5;
	v14 =	vmul.f32 v14, v10;
	[tilespmem:v3+s6+$0x0] =	vst.idx.msk $0xffff, v0  }
0x327: {  	s1 =	sor.u32 $0x4080, s1;
	s3 =	sor.u32 s3, s29;
	s5 =	sor.u32 s29, s5;
	v18 =	vld [tilespmem:s26+$0x1000];
	[tilespmem:v3+s10+$0x0] =	vst.idx.msk $0xffff, v0;
	v3 =	vmov v11  }
0x328: {  	s11 =	sadd.s32 $0x4, s11;
	s0 =	sor.u32 s0, s1;
	s13 =	sor.u32 s13, s1;
	[tilespmem:v1+s12+$0x0] =	vst.idx.add.f32.msk $0xffff, v15  }
0x329: {  	p0 =	slt.u32 s11, $0xFC;
	s29 =	sor.u32 s29, s1;
	s1 =	sor.u32 s18, s1;
	v15 =	vld [tilespmem:s15+$0x0];
	[tilespmem:v1+s6+$0x0] =	vst.idx.msk $0xffff, v0;
	v10 =	vmov v12  }
0x32a: {  	[tilespmem:v11+s8+$0x0] =	vst.idx.add.f32.msk $0xffff, v13  }
0x32b: {  	v13 =	vld [tilespmem:s24+$0x0];
	[tilespmem:v2+s10+$0x0] =	vst.idx.msk $0xffff, v0;
	v2 =	vmov v9  }
0x32c: {  	v17 =	vld [tilespmem:s28+$0x0];
	[tilespmem:v1+s10+$0x0] =	vst.idx.msk $0xffff, v0;
	v1 =	vmov v5  }
0x32d: {  	v19 =	vld [tilespmem:s30+$0x1000]  }
0x32e: {  	v5 =	vld [tilespmem:s30+$0x0]  }
0x32f: {  	v12 =	vld [tilespmem:s3+$0x1000]  }
0x330: {  	v9 =	vld [tilespmem:s26+$0x0]  }
0x331: {  	v11 =	vld [tilespmem:s3+$0x0]  }
0x332: {  	v20 =	vmul.f32 v13, v18;
	v13 =	vld [tilespmem:s5+$0x0]  }
0x333: {  	v21 =	vmul.f32 v17, v19;
	v17 =	vld [tilespmem:s4+$0x0];
	s4 =	smov.u32 s13  }
0x334: {  	v22 =	vmul.f32 v16, v10;
	[tilespmem:v6+s12+$0x0] =	vst.idx.add.f32.msk $0xffff, v14  }
0x335: {  	[tilespmem:v6+s6+$0x0] =	vst.idx.msk $0xffff, v0;
	v23 =	vld [tilespmem:s2+$0x0];
	s2 =	smov.u32 s1  }
.Ltmp8:
0x336: {  	[tilespmem:v6+s10+$0x0] =	vst.idx.msk $0xffff, v0;
	v16 =	vld [tilespmem:s9+$0x0];
	v6 =	vmov v15;
	s9 =	smov.u32 s29;
	(pc) =	sbr.rel @p0 .LBB2_19-.Ltmp8, $4  }
0x337: {  	[tilespmem:v15+s8+$0x0] =	vst.idx.add.f32.msk $0xffff, v22;
	v13 =	vmul.f32 v13, v12  }
0x338: {  	[tilespmem:v9+s8+$0x0] =	vst.idx.add.f32.msk $0xffff, v20;
	v17 =	vmul.f32 v17, v8;
	v8 =	vmov v18  }
0x339: {  	s15 =	sadd.s32 $0x40, s15;
	v14 =	vld [tilespmem:s0+$0x0]  }
0x33a: {  	s16 =	sadd.s32 $0x80, s16;
	s20 =	sadd.s32 $0x40, s20;
	s22 =	sadd.s32 $0x40, s22;
	[tilespmem:v5+s8+$0x0] =	vst.idx.add.f32.msk $0xffff, v21;
	v15 =	vmul.f32 v23, v7;
	v7 =	vmov v19  }
0x33b: {  	_ =	sdelay $0x3  }
0x33c: {  	[tilespmem:v2+s12+$0x0] =	vst.idx.add.f32.msk $0xffff, v17  }
0x33d: {  	[tilespmem:v11+s8+$0x0] =	vst.idx.add.f32.msk $0xffff, v13  }
0x33e: {  	v4 =	vmul.f32 v16, v4;
	[tilespmem:v2+s6+$0x0] =	vst.idx.msk $0xffff, v0  }
0x33f: {  	[tilespmem:v1+s12+$0x0] =	vst.idx.add.f32.msk $0xffff, v15  }
0x340: {  	[tilespmem:v3+s12+$0x0] =	vst.idx.add.f32.msk $0xffff, v4  }
0x341: {  	[tilespmem:v1+s6+$0x0] =	vst.idx.msk $0xffff, v0  }
0x342: {  	[tilespmem:v2+s10+$0x0] =	vst.idx.msk $0xffff, v0;
	v2 =	vld [tilespmem:s9+$0x0]  }
0x343: {  	[tilespmem:v3+s6+$0x0] =	vst.idx.msk $0xffff, v0  }
0x344: {  	v63 =	vmul.f32 v14, v10;
	[tilespmem:v1+s10+$0x0] =	vst.idx.msk $0xffff, v0;
	v1 =	vld [tilespmem:s2+$0x0]  }
0x345: {  	[tilespmem:v3+s10+$0x0] =	vst.idx.msk $0xffff, v0;
	v3 =	vld [tilespmem:s4+$0x0]  }
0x346: {  	[tilespmem:v6+s12+$0x0] =	vst.idx.add.f32.msk $0xffff, v63  }
0x347: {  	[tilespmem:v6+s6+$0x0] =	vst.idx.msk $0xffff, v0;
	v2 =	vmul.f32 v2, v12  }
0x348: {  	[tilespmem:v6+s10+$0x0] =	vst.idx.msk $0xffff, v0  }
0x349: {  	v1 =	vmul.f32 v1, v7;
	[tilespmem:v11+s12+$0x0] =	vst.idx.add.f32.msk $0xffff, v2  }
0x34a: {  	v3 =	vmul.f32 v3, v8;
	[tilespmem:v11+s6+$0x0] =	vst.idx.msk $0xffff, v0  }
0x34b: {  	[tilespmem:v5+s12+$0x0] =	vst.idx.add.f32.msk $0xffff, v1  }
0x34c: {  	[tilespmem:v9+s12+$0x0] =	vst.idx.add.f32.msk $0xffff, v3  }
0x34d: {  	[tilespmem:v11+s10+$0x0] =	vst.idx.msk $0xffff, v0  }
0x34e: {  	[tilespmem:v5+s6+$0x0] =	vst.idx.msk $0xffff, v0  }
0x34f: {  	[tilespmem:v9+s6+$0x0] =	vst.idx.msk $0xffff, v0  }
0x350: {  	s7 =	sadd.s32 $0x1, s7;
	[tilespmem:v5+s10+$0x0] =	vst.idx.msk $0xffff, v0  }
0x351: {  	p0 =	sne.s32 s7, $0xF;
	[tilespmem:v9+s10+$0x0] =	vst.idx.msk $0xffff, v0  }
.Ltmp9:
0x352: {  	s0 =	rddreg [dreg:$0x18];
	(pc) =	sbr.rel @p0 .LBB2_12-.Ltmp9, $4  }
0x353: {  	s1 =	simm.s32 $0x80;
	s29 =	rddreg [dreg:$0x19];
	s0 =	sadd.s32 s14, s0  }
0x354: {  	[hbm4b:s0+s1] =	stream.strided.scatter [tilespmem:s8], [sflag:$0x6], $0x2000, s31, s1, $0x38;
	[tilespmem:$0x16000] =	vst v63  }
0x355: {  	s30 =	simm.s32 $0x100;
	s0 =	sadd.s32 s17, s29  }
0x356: {  	[hbm4b:s0+s1] =	stream.strided.scatter [tilespmem:s12], [sflag:$0x6], $0x2000, s31, s1, $0x38;
	[tilespmem:$0x16000] =	vst v63  }
0x357: {  	s0 =	simm.s32 $0x1  }
0x358: {  	_ =	swait.ge [sflag:s0], $0x2000  }
0x359: {  	s1 =	simm.s32 $0x4000;
	[sflag:s0] =	ssyncset.done $0x0  }
0x35a: {  	s20 =	simm.s32 $0x4;
	s18 =	rddreg [dreg:$0x1c];
	[sflag:s0] =	ssyncadd.s32 $0xFFFFE000  }
0x35b: {  	[tilespmem:s1], [sflag:$0x2] =	stream.strided.gather [hbm4b:s18+s30], $0x2000, s31, s30, $0x38;
	[tilespmem:$0x16000] =	vst v63  }
0x35c: {  	_ =	swait.ge [sflag:s20], $0x2000  }
0x35d: {  	[sflag:s20] =	ssyncset.done $0x0  }
0x35e: {  	[sflag:s20] =	ssyncadd.s32 $0xFFFFE000  }
0x35f: {  	_ =	swait.ge [sflag:s20], $0x2000  }
0x360: {  	s22 =	simm.s32 $0x0;
	[sflag:s20] =	ssyncset.done $0x0  }
0x361: {  	s24 =	sand.u32 $0x1F00, s22;
	[sflag:s20] =	ssyncadd.s32 $0xFFFFE000  }
0x362: {  	s2 =	simm.s32 $0x1000;
	s3 =	sand.u32 $0x40, s22;
	s1 =	sor.u32 $0x2000, s24;
	v11 =	vld [tilespmem:s22+$0x0]  }
0x363: {  	s4 =	sor.u32 $0x20, s3;
	s0 =	sand.u32 $0xF80, s22;
	s26 =	sor.u32 s3, s1;
	v7 =	vld [tilespmem:s2+$0x0]  }
0x364: {  	s5 =	sor.u32 s0, s4;
	v1 =	vld [tilespmem:s26+$0x0]  }
0x365: {  	s28 =	sor.u32 $0x30, s3;
	v4 =	vld [tilespmem:s5+$0x1000]  }
0x366: {  	s7 =	sor.u32 s0, s28;
	s3 =	sor.u32 $0x10, s3;
	v9 =	vld [tilespmem:s5+$0x0]  }
0x367: {  	s4 =	sor.u32 s4, s1;
	s29 =	sor.u32 s3, s1;
	s1 =	sor.u32 s28, s1;
	v10 =	vld [tilespmem:s7+$0x1000]  }
0x368: {  	v3 =	vld [tilespmem:s1+$0x0]  }
0x369: {  	s14 =	simm.s32 $0x80;
	v14 =	vld [tilespmem:s7+$0x0]  }
0x36a: {  	s15 =	sand.u32 $0x1F00, s14;
	v5 =	vld [tilespmem:s29+$0x0];
	s7 =	simm.s32 $0x40  }
0x36b: {  	s0 =	sor.u32 s0, s3;
	s3 =	sor.u32 $0x2000, s15;
	v2 =	vld [tilespmem:s4+$0x0];
	s16 =	sand.u32 $0x40, s7  }
0x36c: {  	v12 =	vld [tilespmem:s0+$0x1000];
	s17 =	sor.u32 s16, s3  }
0x36d: {  	p0 =	por $0x0, $0x0;
	s11 =	simm.s32 $0x1040;
	s1 =	simm.s32 $0x1;
	v16 =	vld [tilespmem:s17+$0x0];
	v1 =	vmul.f32 v1, v7  }
0x36e: {  	s1 =	simm.s32 @!p0 $0x0;
	v6 =	vmul.f32 v3, v10;
	v3 =	vld [tilespmem:s11+$0x0]  }
0x36f: {  	s1 =	sshll.u32 s1, $0x6;
	[tilespmem:v11+s6+$0x0] =	vst.idx.add.f32.msk $0xffff, v1  }
0x370: {  	s1 =	sadd.s32 $0x0, s1;
	v1 =	vmul.f32 v2, v4;
	v2 =	vld [tilespmem:s0+$0x0]  }
0x371: {  	s5 =	sor.u32 $0x80, s1;
	[tilespmem:v14+s6+$0x0] =	vst.idx.add.f32.msk $0xffff, v6  }
0x372: {  	s9 =	sadd.s32 $0x20, s1;
	v13 =	vld [tilespmem:s5+$0x2000]  }
0x373: {  	s2 =	sor.u32 $0x80, s9;
	[tilespmem:v9+s6+$0x0] =	vst.idx.add.f32.msk $0xffff, v1  }
0x374: {  	s18 =	sor.u32 $0x20, s16;
	s0 =	sand.u32 $0xF80, s7;
	v8 =	vld [tilespmem:s2+$0x2000]  }
0x375: {  	s13 =	sadd.s32 $0x30, s1;
	s20 =	sor.u32 s0, s18;
	v1 =	vld [tilespmem:s7+$0x0]  }
0x376: {  	v5 =	vmul.f32 v5, v12;
	v6 =	vld [tilespmem:s20+$0x1000];
	s2 =	sor.u32 $0x80, s13  }
0x377: {  	v15 =	vld [tilespmem:s2+$0x2000]  }
0x378: {  	s22 =	sor.u32 $0x30, s16;
	[tilespmem:v2+s6+$0x0] =	vst.idx.add.f32.msk $0xffff, v5  }
0x379: {  	s24 =	sor.u32 s0, s22;
	v7 =	vmul.f32 v13, v7;
	v8 =	vmul.f32 v8, v4;
	v4 =	vld [tilespmem:s20+$0x0]  }
0x37a: {  	s26 =	sor.u32 $0x10, s16;
	v5 =	vld [tilespmem:s24+$0x1000]  }
0x37b: {  	s1 =	sadd.s32 $0x10, s1;
	s0 =	sor.u32 s0, s26;
	[tilespmem:v11+s10+$0x0] =	vst.idx.add.f32.msk $0xffff, v7  }
0x37c: {  	s1 =	sor.u32 $0x80, s1;
	v7 =	vld [tilespmem:s0+$0x1000]  }
0x37d: {  	v17 =	vld [tilespmem:s1+$0x2000]  }
0x37e: {  	s4 =	sor.u32 s26, s3;
	[tilespmem:v9+s10+$0x0] =	vst.idx.add.f32.msk $0xffff, v8  }
0x37f: {  	s1 =	sor.u32 s22, s3;
	v8 =	vld [tilespmem:s4+$0x0];
	[tilespmem:v9+s19+$0x0] =	vst.idx.msk $0xffff, v0  }
0x380: {  	s3 =	sor.u32 s18, s3;
	v63 =	vld [tilespmem:s1+$0x0];
	[tilespmem:v9+s21+$0x0] =	vst.idx.msk $0xffff, v0;
	v9 =	vmul.f32 v15, v10  }
0x381: {  	[tilespmem:v11+s19+$0x0] =	vst.idx.msk $0xffff, v0;
	v13 =	vld [tilespmem:s3+$0x0]  }
0x382: {  	p0 =	por !p0, !p0;
	s1 =	simm.s32 $0x1;
	v10 =	vmul.f32 v16, v3;
	[tilespmem:v14+s10+$0x0] =	vst.idx.add.f32.msk $0xffff, v9  }
0x383: {  	s9 =	simm.s32 $0x80;
	[tilespmem:v11+s21+$0x0] =	vst.idx.msk $0xffff, v0;
	s1 =	simm.s32 @!p0 $0x0;
	v9 =	vld [tilespmem:s24+$0x0]  }
0x384: {  	s11 =	simm.s32 $0x100;
	s7 =	simm.s32 $0x80;
	s1 =	sshll.u32 s1, $0x6;
	v12 =	vmul.f32 v17, v12;
	[tilespmem:v1+s6+$0x0] =	vst.idx.add.f32.msk $0xffff, v10  }
0x385: {  	s2 =	simm.s32 $0x4;
	s4 =	simm.s32 $0x1080;
	s1 =	sadd.s32 $0x80, s1;
	v10 =	vld [tilespmem:s0+$0x0];
	[tilespmem:v14+s19+$0x0] =	vst.idx.msk $0xffff, v0  }
0x386: {  	p0 =	por !p0, !p0;
	s28 =	sor.u32 $0x80, s1;
	s29 =	sadd.s32 $0x20, s1;
	v13 =	vmul.f32 v13, v6;
	[tilespmem:v2+s10+$0x0] =	vst.idx.add.f32.msk $0xffff, v12  }
0x387: {  	s15 =	sadd.s32 $0x30, s1;
	s16 =	sadd.s32 $0x10, s1;
	v11 =	vld [tilespmem:s28+$0x2000];
	s17 =	sor.u32 $0x80, s29;
	v12 =	vmul.f32 v63, v5;
	[tilespmem:v14+s21+$0x0] =	vst.idx.msk $0xffff, v0  }
.LBB2_22:
0x388: {  	s0 =	sand.u32 $0x40, s7;
	s1 =	sand.u32 $0x1F00, s11;
	s3 =	sand.u32 $0xF80, s7;
	v8 =	vmul.f32 v8, v7;
	[tilespmem:v4+s6+$0x0] =	vst.idx.add.f32.msk $0xffff, v13  }
0x389: {  	v14 =	vld [tilespmem:s9+$0x0];
	s1 =	sor.u32 $0x2000, s1;
	s5 =	sor.u32 $0x10, s0;
	s13 =	sor.u32 $0x20, s0;
	[tilespmem:v2+s19+$0x0] =	vst.idx.msk $0xffff, v0;
	v15 =	vmov v9  }
0x38a: {  	s14 =	sor.u32 s3, s5;
	s5 =	sor.u32 s5, s1;
	s18 =	sor.u32 s3, s13;
	v13 =	vld [tilespmem:s17+$0x2000];
	[tilespmem:v2+s21+$0x0] =	vst.idx.msk $0xffff, v0  }
0x38b: {  	s17 =	sor.u32 s0, s1;
	s13 =	sor.u32 s13, s1;
	s0 =	sor.u32 $0x30, s0;
	v16 =	vld [tilespmem:s4+$0x0];
	v2 =	vmov v10  }
0x38c: {  	s2 =	sadd.s32 $0x4, s2;
	s15 =	sor.u32 $0x80, s15;
	s1 =	sor.u32 s0, s1;
	[tilespmem:v9+s6+$0x0] =	vst.idx.add.f32.msk $0xffff, v12  }
0x38d: {  	p1 =	slt.u32 s2, $0xFC;
	v9 =	vld [tilespmem:s15+$0x2000]  }
0x38e: {  	s0 =	sor.u32 s3, s0;
	[tilespmem:v10+s6+$0x0] =	vst.idx.add.f32.msk $0xffff, v8  }
0x38f: {  	s3 =	sor.u32 $0x80, s16;
	v10 =	vld [tilespmem:s17+$0x0];
	v12 =	vmul.f32 v13, v6  }
0x390: {  	v13 =	vld [tilespmem:s3+$0x2000]  }
0x391: {  	v6 =	vld [tilespmem:s18+$0x1000]  }
0x392: {  	v17 =	vld [tilespmem:s18+$0x0];
	v9 =	vmul.f32 v9, v5  }
0x393: {  	v5 =	vld [tilespmem:s0+$0x1000]  }
0x394: {  	v11 =	vmul.f32 v11, v3;
	v3 =	vmov v16;
	v8 =	vld [tilespmem:s5+$0x0]  }
0x395: {  	v7 =	vmul.f32 v13, v7;
	[tilespmem:v4+s10+$0x0] =	vst.idx.add.f32.msk $0xffff, v12  }
0x396: {  	v12 =	vld [tilespmem:s1+$0x0];
	[tilespmem:v4+s19+$0x0] =	vst.idx.msk $0xffff, v0  }
0x397: {  	v13 =	vld [tilespmem:s13+$0x0];
	[tilespmem:v4+s21+$0x0] =	vst.idx.msk $0xffff, v0;
	v4 =	vmov v17  }
0x398: {  	[tilespmem:v2+s10+$0x0] =	vst.idx.add.f32.msk $0xffff, v7  }
0x399: {  	[tilespmem:v1+s10+$0x0] =	vst.idx.add.f32.msk $0xffff, v11  }
0x39a: {  	v10 =	vmul.f32 v10, v3;
	s1 =	simm.s32 $0x1;
	[tilespmem:v15+s10+$0x0] =	vst.idx.add.f32.msk $0xffff, v9  }
.Ltmp10:
0x39b: {  	s1 =	simm.s32 @!p0 $0x0;
	v7 =	vld [tilespmem:s14+$0x1000];
	[tilespmem:v15+s19+$0x0] =	vst.idx.msk $0xffff, v0;
	(pc) =	sbr.rel @p1 .LBB2_22-.Ltmp10, $4  }
0x39c: {  	s4 =	sadd.s32 $0x40, s4;
	p0 =	por !p0, !p0;
	s1 =	sshll.u32 s1, $0x6;
	v12 =	vmul.f32 v12, v5;
	v13 =	vmul.f32 v13, v6;
	v9 =	vld [tilespmem:s0+$0x0];
	[tilespmem:v1+s19+$0x0] =	vst.idx.msk $0xffff, v0  }
0x39d: {  	s7 =	sadd.s32 $0x40, s7;
	s9 =	sadd.s32 $0x40, s9;
	s0 =	sadd.s32 s1, s11;
	[tilespmem:v14+s6+$0x0] =	vst.idx.add.f32.msk $0xffff, v10  }
0x39e: {  	s1 =	sor.u32 $0x80, s0;
	s3 =	sadd.s32 $0x20, s0;
	s15 =	sadd.s32 $0x30, s0;
	v10 =	vld [tilespmem:s14+$0x0];
	[tilespmem:v1+s21+$0x0] =	vst.idx.msk $0xffff, v0;
	v1 =	vmov v14  }
0x39f: {  	s11 =	sadd.s32 $0x80, s11;
	s16 =	sadd.s32 $0x10, s0;
	s17 =	sor.u32 $0x80, s3;
	v11 =	vld [tilespmem:s1+$0x2000];
	[tilespmem:v15+s21+$0x0] =	vst.idx.msk $0xffff, v0  }
0x3a0: {  	_ =	sdelay $0x3  }
0x3a1: {  	[tilespmem:v4+s6+$0x0] =	vst.idx.add.f32.msk $0xffff, v13  }
0x3a2: {  	v13 =	vld [tilespmem:s17+$0x2000]  }
0x3a3: {  	v8 =	vmul.f32 v8, v7;
	s7 =	sor.u32 $0x80, s15;
	[tilespmem:v9+s6+$0x0] =	vst.idx.add.f32.msk $0xffff, v12  }
0x3a4: {  	[tilespmem:v2+s19+$0x0] =	vst.idx.msk $0xffff, v0;
	v12 =	vld [tilespmem:s7+$0x2000]  }
0x3a5: {  	s0 =	sor.u32 $0x80, s16;
	[tilespmem:v10+s6+$0x0] =	vst.idx.add.f32.msk $0xffff, v8;
	v3 =	vmul.f32 v11, v3  }
0x3a6: {  	[tilespmem:v2+s21+$0x0] =	vst.idx.msk $0xffff, v0;
	v8 =	vld [tilespmem:s0+$0x2000]  }
0x3a7: {  	v6 =	vmul.f32 v13, v6;
	[tilespmem:v1+s10+$0x0] =	vst.idx.add.f32.msk $0xffff, v3  }
0x3a8: {  	[tilespmem:v1+s19+$0x0] =	vst.idx.msk $0xffff, v0  }
0x3a9: {  	[tilespmem:v4+s10+$0x0] =	vst.idx.add.f32.msk $0xffff, v6  }
0x3aa: {  	[tilespmem:v1+s21+$0x0] =	vst.idx.msk $0xffff, v0  }
0x3ab: {  	v2 =	vmul.f32 v8, v7;
	[tilespmem:v4+s19+$0x0] =	vst.idx.msk $0xffff, v0  }
0x3ac: {  	[tilespmem:v4+s21+$0x0] =	vst.idx.msk $0xffff, v0;
	v4 =	vmul.f32 v12, v5  }
0x3ad: {  	[tilespmem:v10+s10+$0x0] =	vst.idx.add.f32.msk $0xffff, v2  }
0x3ae: {  	[tilespmem:v9+s10+$0x0] =	vst.idx.add.f32.msk $0xffff, v4  }
0x3af: {  	[tilespmem:v10+s19+$0x0] =	vst.idx.msk $0xffff, v0  }
0x3b0: {  	[tilespmem:v9+s19+$0x0] =	vst.idx.msk $0xffff, v0  }
0x3b1: {  	[tilespmem:v10+s21+$0x0] =	vst.idx.msk $0xffff, v0  }
0x3b2: {  	[tilespmem:v9+s21+$0x0] =	vst.idx.msk $0xffff, v0  }
0x3b3: {  	s9 =	sld [smem:$0x7F9];
	_ =	sdelay $0x1  }
0x3b4: {  	s1 =	simm.s32 $0x80;
	s11 =	sld [smem:$0x7FA]  }
0x3b5: {  	[hbm4b:s9+s1] =	stream.strided.scatter [tilespmem:s6], [sflag:$0x3], $0x2000, s31, s1, $0x38;
	[tilespmem:$0x16000] =	vst v63  }
0x3b6: {  	s13 =	simm.s32 $0x2  }
0x3b7: {  	[hbm4b:s11+s1] =	stream.strided.scatter [tilespmem:s10], [sflag:$0x3], $0x2000, s31, s1, $0x38;
	[tilespmem:$0x16000] =	vst v63  }
0x3b8: {  	_ =	swait.ge [sflag:s13], $0x2000  }
0x3b9: {  	s15 =	simm.s32 $0x2000;
	[sflag:s13] =	ssyncset.done $0x0  }
0x3ba: {  	s16 =	simm.s32 $0x5;
	s14 =	rddreg [dreg:$0x1d];
	[sflag:s13] =	ssyncadd.s32 $0xFFFFE000  }
0x3bb: {  	[tilespmem:s15], [sflag:$0x1] =	stream.strided.gather [hbm4b:s14+s30], $0x2000, s31, s30, $0x38;
	[tilespmem:$0x16000] =	vst v63  }
0x3bc: {  	_ =	swait.ge [sflag:s16], $0x2000  }
0x3bd: {  	[sflag:s16] =	ssyncset.done $0x0  }
0x3be: {  	[sflag:s16] =	ssyncadd.s32 $0xFFFFE000  }
0x3bf: {  	s17 =	simm.s32 $0x0;
	_ =	swait.ge [sflag:s16], $0x2000  }
0x3c0: {  	s2 =	simm.s32 $0x1000;
	s18 =	sand.u32 $0x1F00, s17;
	[sflag:s16] =	ssyncset.done $0x0  }
0x3c1: {  	s3 =	sand.u32 $0x40, s17;
	s4 =	sor.u32 $0x4000, s18;
	[sflag:s16] =	ssyncadd.s32 $0xFFFFE000  }
0x3c2: {  	s7 =	sor.u32 s3, s4;
	v13 =	vld [tilespmem:s2+$0x0]  }
0x3c3: {  	v5 =	vld [tilespmem:s7+$0x0]  }
0x3c4: {  	s28 =	simm.s32 $0x1040;
	v14 =	vld [tilespmem:s17+$0x0]  }
0x3c5: {  	s26 =	simm.s32 $0x40;
	s5 =	sand.u32 $0xF80, s17;
	s2 =	sor.u32 $0x10, s3;
	v10 =	vld [tilespmem:s28+$0x0]  }
0x3c6: {  	v6 =	vld [tilespmem:s26+$0x0];
	s9 =	sor.u32 s5, s2  }
0x3c7: {  	s7 =	sor.u32 $0x30, s3;
	s11 =	sor.u32 s2, s4;
	v15 =	vld [tilespmem:s9+$0x1000]  }
0x3c8: {  	s20 =	sor.u32 s7, s4;
	v16 =	vld [tilespmem:s11+$0x0]  }
0x3c9: {  	s22 =	sor.u32 s5, s7;
	v17 =	vld [tilespmem:s20+$0x0]  }
0x3ca: {  	s0 =	sor.u32 $0x20, s3;
	v18 =	vld [tilespmem:s22+$0x1000]  }
0x3cb: {  	s5 =	sor.u32 s5, s0;
	v1 =	vld [tilespmem:s22+$0x0]  }
0x3cc: {  	s24 =	simm.s32 $0x80;
	s4 =	sor.u32 s0, s4;
	v4 =	vld [tilespmem:s5+$0x1000]  }
0x3cd: {  	v19 =	vld [tilespmem:s4+$0x0];
	s4 =	sand.u32 $0x1F00, s24  }
0x3ce: {  	v2 =	vld [tilespmem:s9+$0x0];
	s9 =	sand.u32 $0x40, s26;
	s29 =	sor.u32 $0x4000, s4  }
0x3cf: {  	v3 =	vld [tilespmem:s5+$0x0];
	s13 =	sor.u32 $0x10, s9;
	s15 =	sor.u32 s9, s29  }
0x3d0: {  	s16 =	sor.u32 $0x30, s9;
	s14 =	sor.u32 s13, s29;
	v21 =	vld [tilespmem:s15+$0x0]  }
0x3d1: {  	s5 =	sand.u32 $0xF80, s26;
	s17 =	sor.u32 s16, s29;
	v22 =	vld [tilespmem:s14+$0x0]  }
0x3d2: {  	s1 =	sor.u32 $0x4080, s18;
	s18 =	sor.u32 s5, s16;
	v23 =	vld [tilespmem:s17+$0x0]  }
0x3d3: {  	s20 =	sor.u32 s5, s13;
	v7 =	vld [tilespmem:s18+$0x1000]  }
0x3d4: {  	s22 =	sor.u32 $0x20, s9;
	v8 =	vld [tilespmem:s20+$0x1000]  }
0x3d5: {  	s5 =	sor.u32 s5, s22;
	v9 =	vld [tilespmem:s20+$0x0]  }
0x3d6: {  	s24 =	sor.u32 s22, s29;
	v5 =	vmul.f32 v5, v13;
	v12 =	vld [tilespmem:s5+$0x1000]  }
0x3d7: {  	v24 =	vld [tilespmem:s24+$0x0]  }
0x3d8: {  	[tilespmem:v14+s19+$0x0] =	vst.idx.add.f32.msk $0xffff, v5  }
0x3d9: {  	s3 =	sor.u32 s3, s1;
	v16 =	vmul.f32 v16, v15;
	v5 =	vld [tilespmem:s18+$0x0]  }
0x3da: {  	v17 =	vmul.f32 v17, v18;
	v20 =	vld [tilespmem:s3+$0x0]  }
0x3db: {  	[tilespmem:v2+s19+$0x0] =	vst.idx.add.f32.msk $0xffff, v16  }
0x3dc: {  	s2 =	sor.u32 s2, s1;
	v16 =	vmul.f32 v19, v4;
	[tilespmem:v1+s19+$0x0] =	vst.idx.add.f32.msk $0xffff, v17  }
0x3dd: {  	v25 =	vld [tilespmem:s2+$0x0]  }
0x3de: {  	s26 =	sor.u32 s7, s1;
	[tilespmem:v3+s19+$0x0] =	vst.idx.add.f32.msk $0xffff, v16;
	v16 =	vmul.f32 v21, v10  }
0x3df: {  	v19 =	vld [tilespmem:s26+$0x0]  }
0x3e0: {  	s0 =	sor.u32 s0, s1;
	v13 =	vmul.f32 v20, v13;
	[tilespmem:v6+s19+$0x0] =	vst.idx.add.f32.msk $0xffff, v16  }
0x3e1: {  	v63 =	vmul.f32 v23, v7;
	v16 =	vld [tilespmem:s0+$0x0]  }
0x3e2: {  	[tilespmem:v14+s21+$0x0] =	vst.idx.add.f32.msk $0xffff, v13  }
0x3e3: {  	s28 =	sor.u32 $0x4080, s4;
	[tilespmem:v5+s19+$0x0] =	vst.idx.add.f32.msk $0xffff, v63  }
0x3e4: {  	s11 =	simm.s32 $0x80;
	s29 =	sor.u32 s9, s28;
	s4 =	sor.u32 s13, s28;
	v11 =	vld [tilespmem:s5+$0x0];
	v13 =	vmul.f32 v22, v8;
	[tilespmem:v14+s23+$0x0] =	vst.idx.msk $0xffff, v0  }
0x3e5: {  	s9 =	simm.s32 $0x4;
	s7 =	sor.u32 s22, s28;
	s14 =	simm.s32 $0x100;
	v17 =	vmul.f32 v25, v15;
	[tilespmem:v14+s25+$0x0] =	vst.idx.msk $0xffff, v0;
	v14 =	vld [tilespmem:s29+$0x0]  }
0x3e6: {  	s15 =	simm.s32 $0x80;
	s2 =	sor.u32 s16, s28;
	s16 =	simm.s32 $0x1080;
	v15 =	vmul.f32 v19, v18;
	[tilespmem:v9+s19+$0x0] =	vst.idx.add.f32.msk $0xffff, v13;
	v13 =	vmul.f32 v24, v12  }
.LBB2_24:
0x3e7: {  	s0 =	sand.u32 $0x40, s15;
	s1 =	sand.u32 $0x1F00, s14;
	s3 =	sand.u32 $0xF80, s15;
	[tilespmem:v2+s21+$0x0] =	vst.idx.add.f32.msk $0xffff, v17;
	v16 =	vmul.f32 v16, v4;
	v4 =	vmov v12  }
0x3e8: {  	v12 =	vld [tilespmem:s16+$0x0];
	s5 =	sor.u32 $0x4000, s1;
	s13 =	sor.u32 $0x10, s0;
	s17 =	sor.u32 $0x30, s0;
	[tilespmem:v2+s23+$0x0] =	vst.idx.msk $0xffff, v0  }
0x3e9: {  	s18 =	sor.u32 s0, s5;
	s20 =	sor.u32 s3, s13;
	s22 =	sor.u32 s17, s5;
	[tilespmem:v3+s21+$0x0] =	vst.idx.add.f32.msk $0xffff, v16  }
0x3ea: {  	s24 =	sor.u32 $0x20, s0;
	s26 =	sor.u32 s3, s17;
	v16 =	vld [tilespmem:s18+$0x0];
	s18 =	sor.u32 s13, s5;
	v14 =	vmul.f32 v14, v10;
	[tilespmem:v3+s23+$0x0] =	vst.idx.msk $0xffff, v0  }
0x3eb: {  	s1 =	sor.u32 $0x4080, s1;
	s3 =	sor.u32 s3, s24;
	s5 =	sor.u32 s24, s5;
	v18 =	vld [tilespmem:s20+$0x1000];
	[tilespmem:v3+s25+$0x0] =	vst.idx.msk $0xffff, v0;
	v3 =	vmov v11  }
0x3ec: {  	s9 =	sadd.s32 $0x4, s9;
	s0 =	sor.u32 s0, s1;
	s13 =	sor.u32 s13, s1;
	[tilespmem:v1+s21+$0x0] =	vst.idx.add.f32.msk $0xffff, v15  }
0x3ed: {  	p0 =	slt.u32 s9, $0xFC;
	s24 =	sor.u32 s24, s1;
	s1 =	sor.u32 s17, s1;
	v15 =	vld [tilespmem:s11+$0x0];
	[tilespmem:v1+s23+$0x0] =	vst.idx.msk $0xffff, v0;
	v10 =	vmov v12  }
0x3ee: {  	[tilespmem:v11+s19+$0x0] =	vst.idx.add.f32.msk $0xffff, v13  }
0x3ef: {  	v13 =	vld [tilespmem:s18+$0x0];
	[tilespmem:v2+s25+$0x0] =	vst.idx.msk $0xffff, v0;
	v2 =	vmov v9  }
0x3f0: {  	v17 =	vld [tilespmem:s22+$0x0];
	[tilespmem:v1+s25+$0x0] =	vst.idx.msk $0xffff, v0;
	v1 =	vmov v5  }
0x3f1: {  	v19 =	vld [tilespmem:s26+$0x1000]  }
0x3f2: {  	v5 =	vld [tilespmem:s26+$0x0]  }
0x3f3: {  	v12 =	vld [tilespmem:s3+$0x1000]  }
0x3f4: {  	v9 =	vld [tilespmem:s20+$0x0]  }
0x3f5: {  	v11 =	vld [tilespmem:s3+$0x0]  }
0x3f6: {  	v20 =	vmul.f32 v13, v18;
	v13 =	vld [tilespmem:s5+$0x0]  }
0x3f7: {  	v21 =	vmul.f32 v17, v19;
	v17 =	vld [tilespmem:s4+$0x0];
	s4 =	smov.u32 s13  }
0x3f8: {  	v22 =	vmul.f32 v16, v10;
	[tilespmem:v6+s21+$0x0] =	vst.idx.add.f32.msk $0xffff, v14  }
0x3f9: {  	[tilespmem:v6+s23+$0x0] =	vst.idx.msk $0xffff, v0;
	v23 =	vld [tilespmem:s2+$0x0];
	s2 =	smov.u32 s1  }
.Ltmp11:
0x3fa: {  	[tilespmem:v6+s25+$0x0] =	vst.idx.msk $0xffff, v0;
	v16 =	vld [tilespmem:s7+$0x0];
	v6 =	vmov v15;
	s7 =	smov.u32 s24;
	(pc) =	sbr.rel @p0 .LBB2_24-.Ltmp11, $4  }
0x3fb: {  	[tilespmem:v15+s19+$0x0] =	vst.idx.add.f32.msk $0xffff, v22;
	v13 =	vmul.f32 v13, v12  }
0x3fc: {  	[tilespmem:v9+s19+$0x0] =	vst.idx.add.f32.msk $0xffff, v20;
	v17 =	vmul.f32 v17, v8;
	v8 =	vmov v18  }
0x3fd: {  	s11 =	sadd.s32 $0x40, s11;
	v14 =	vld [tilespmem:s0+$0x0]  }
0x3fe: {  	s14 =	sadd.s32 $0x80, s14;
	s15 =	sadd.s32 $0x40, s15;
	s16 =	sadd.s32 $0x40, s16;
	[tilespmem:v5+s19+$0x0] =	vst.idx.add.f32.msk $0xffff, v21;
	v15 =	vmul.f32 v23, v7;
	v7 =	vmov v19  }
0x3ff: {  	_ =	sdelay $0x3  }
0x400: {  	[tilespmem:v2+s21+$0x0] =	vst.idx.add.f32.msk $0xffff, v17  }
0x401: {  	[tilespmem:v11+s19+$0x0] =	vst.idx.add.f32.msk $0xffff, v13  }
0x402: {  	v4 =	vmul.f32 v16, v4;
	[tilespmem:v2+s23+$0x0] =	vst.idx.msk $0xffff, v0  }
0x403: {  	[tilespmem:v1+s21+$0x0] =	vst.idx.add.f32.msk $0xffff, v15  }
0x404: {  	[tilespmem:v3+s21+$0x0] =	vst.idx.add.f32.msk $0xffff, v4  }
0x405: {  	[tilespmem:v1+s23+$0x0] =	vst.idx.msk $0xffff, v0  }
0x406: {  	[tilespmem:v2+s25+$0x0] =	vst.idx.msk $0xffff, v0;
	v2 =	vld [tilespmem:s7+$0x0]  }
0x407: {  	[tilespmem:v3+s23+$0x0] =	vst.idx.msk $0xffff, v0  }
0x408: {  	v4 =	vmul.f32 v14, v10;
	[tilespmem:v1+s25+$0x0] =	vst.idx.msk $0xffff, v0;
	v1 =	vld [tilespmem:s2+$0x0]  }
0x409: {  	[tilespmem:v3+s25+$0x0] =	vst.idx.msk $0xffff, v0;
	v3 =	vld [tilespmem:s4+$0x0]  }
0x40a: {  	[tilespmem:v6+s21+$0x0] =	vst.idx.add.f32.msk $0xffff, v4  }
0x40b: {  	[tilespmem:v6+s23+$0x0] =	vst.idx.msk $0xffff, v0;
	v2 =	vmul.f32 v2, v12  }
0x40c: {  	[tilespmem:v6+s25+$0x0] =	vst.idx.msk $0xffff, v0  }
0x40d: {  	v1 =	vmul.f32 v1, v7;
	[tilespmem:v11+s21+$0x0] =	vst.idx.add.f32.msk $0xffff, v2  }
0x40e: {  	v3 =	vmul.f32 v3, v8;
	[tilespmem:v11+s23+$0x0] =	vst.idx.msk $0xffff, v0  }
0x40f: {  	[tilespmem:v5+s21+$0x0] =	vst.idx.add.f32.msk $0xffff, v1  }
0x410: {  	[tilespmem:v9+s21+$0x0] =	vst.idx.add.f32.msk $0xffff, v3  }
0x411: {  	[tilespmem:v11+s25+$0x0] =	vst.idx.msk $0xffff, v0  }
0x412: {  	[tilespmem:v5+s23+$0x0] =	vst.idx.msk $0xffff, v0  }
0x413: {  	[tilespmem:v9+s23+$0x0] =	vst.idx.msk $0xffff, v0  }
0x414: {  	[tilespmem:v5+s25+$0x0] =	vst.idx.msk $0xffff, v0  }
0x415: {  	[tilespmem:v9+s25+$0x0] =	vst.idx.msk $0xffff, v0  }
0x416: {  	s0 =	rddreg [dreg:$0x1f]  }
0x417: {  	s1 =	simm.s32 $0x80;
	s11 =	sld [smem:$0x7FB]  }
0x418: {  	[hbm4b:s0+s1] =	stream.strided.scatter [tilespmem:s19], [sflag:$0x4], $0x2000, s31, s1, $0x38;
	[tilespmem:$0x16000] =	vst v63  }
0x419: {  	s13 =	simm.s32 $0x1  }
0x41a: {  	[hbm4b:s11+s1] =	stream.strided.scatter [tilespmem:s21], [sflag:$0x4], $0x2000, s31, s1, $0x38;
	[tilespmem:$0x16000] =	vst v63  }
0x41b: {  	_ =	swait.ge [sflag:s13], $0x2000  }
0x41c: {  	s15 =	simm.s32 $0x4000;
	[sflag:s13] =	ssyncset.done $0x0  }
0x41d: {  	s16 =	simm.s32 $0x6;
	s14 =	rddreg [dreg:$0x1e];
	[sflag:s13] =	ssyncadd.s32 $0xFFFFE000  }
0x41e: {  	[tilespmem:s15], [sflag:$0x2] =	stream.strided.gather [hbm4b:s14+s30], $0x2000, s31, s30, $0x38;
	[tilespmem:$0x16000] =	vst v63  }
0x41f: {  	_ =	swait.ge [sflag:s16], $0x2000  }
0x420: {  	[sflag:s16] =	ssyncset.done $0x0  }
0x421: {  	[sflag:s16] =	ssyncadd.s32 $0xFFFFE000  }
0x422: {  	_ =	swait.ge [sflag:s16], $0x2000  }
0x423: {  	s17 =	simm.s32 $0x0;
	[sflag:s16] =	ssyncset.done $0x0  }
0x424: {  	s18 =	sand.u32 $0x1F00, s17;
	[sflag:s16] =	ssyncadd.s32 $0xFFFFE000  }
0x425: {  	s20 =	simm.s32 $0x1000;
	s3 =	sand.u32 $0x40, s17;
	s1 =	sor.u32 $0x2000, s18;
	v11 =	vld [tilespmem:s17+$0x0]  }
0x426: {  	s22 =	sor.u32 $0x20, s3;
	s0 =	sand.u32 $0xF80, s17;
	s24 =	sor.u32 s3, s1;
	v7 =	vld [tilespmem:s20+$0x0]  }
0x427: {  	s5 =	sor.u32 s0, s22;
	v1 =	vld [tilespmem:s24+$0x0]  }
0x428: {  	s26 =	sor.u32 $0x30, s3;
	v4 =	vld [tilespmem:s5+$0x1000]  }
0x429: {  	s28 =	sor.u32 s0, s26;
	s3 =	sor.u32 $0x10, s3;
	v9 =	vld [tilespmem:s5+$0x0]  }
0x42a: {  	s4 =	sor.u32 s22, s1;
	s29 =	sor.u32 s3, s1;
	s1 =	sor.u32 s26, s1;
	v10 =	vld [tilespmem:s28+$0x1000]  }
0x42b: {  	v3 =	vld [tilespmem:s1+$0x0]  }
0x42c: {  	s14 =	simm.s32 $0x80;
	v14 =	vld [tilespmem:s28+$0x0]  }
0x42d: {  	s7 =	simm.s32 $0x40;
	s15 =	sand.u32 $0x1F00, s14;
	v5 =	vld [tilespmem:s29+$0x0]  }
0x42e: {  	s0 =	sor.u32 s0, s3;
	s3 =	sor.u32 $0x2000, s15;
	s16 =	sand.u32 $0x40, s7;
	v2 =	vld [tilespmem:s4+$0x0]  }
0x42f: {  	v12 =	vld [tilespmem:s0+$0x1000];
	s17 =	sor.u32 s16, s3  }
0x430: {  	p0 =	por $0x0, $0x0;
	s11 =	simm.s32 $0x1040;
	s1 =	simm.s32 $0x1;
	v61 =	vld [tilespmem:s17+$0x0];
	v1 =	vmul.f32 v1, v7  }
0x431: {  	s1 =	simm.s32 @!p0 $0x0;
	v6 =	vmul.f32 v3, v10;
	v3 =	vld [tilespmem:s11+$0x0]  }
0x432: {  	s1 =	sshll.u32 s1, $0x6;
	[tilespmem:v11+s23+$0x0] =	vst.idx.add.f32.msk $0xffff, v1  }
0x433: {  	s1 =	sadd.s32 $0x0, s1;
	v1 =	vmul.f32 v2, v4;
	v2 =	vld [tilespmem:s0+$0x0]  }
0x434: {  	s5 =	sor.u32 $0x80, s1;
	[tilespmem:v14+s23+$0x0] =	vst.idx.add.f32.msk $0xffff, v6  }
0x435: {  	s9 =	sadd.s32 $0x20, s1;
	v13 =	vld [tilespmem:s5+$0x2000]  }
0x436: {  	s2 =	sor.u32 $0x80, s9;
	[tilespmem:v9+s23+$0x0] =	vst.idx.add.f32.msk $0xffff, v1  }
0x437: {  	s18 =	sor.u32 $0x20, s16;
	s0 =	sand.u32 $0xF80, s7;
	v8 =	vld [tilespmem:s2+$0x2000]  }
0x438: {  	s13 =	sadd.s32 $0x30, s1;
	s20 =	sor.u32 s0, s18;
	v1 =	vld [tilespmem:s7+$0x0]  }
0x439: {  	v5 =	vmul.f32 v5, v12;
	v6 =	vld [tilespmem:s20+$0x1000];
	s2 =	sor.u32 $0x80, s13  }
0x43a: {  	v15 =	vld [tilespmem:s2+$0x2000]  }
0x43b: {  	s22 =	sor.u32 $0x30, s16;
	[tilespmem:v2+s23+$0x0] =	vst.idx.add.f32.msk $0xffff, v5  }
0x43c: {  	s24 =	sor.u32 s0, s22;
	v7 =	vmul.f32 v13, v7;
	v8 =	vmul.f32 v8, v4;
	v4 =	vld [tilespmem:s20+$0x0]  }
0x43d: {  	s26 =	sor.u32 $0x10, s16;
	v5 =	vld [tilespmem:s24+$0x1000]  }
0x43e: {  	s1 =	sadd.s32 $0x10, s1;
	s0 =	sor.u32 s0, s26;
	[tilespmem:v11+s25+$0x0] =	vst.idx.add.f32.msk $0xffff, v7  }
0x43f: {  	s1 =	sor.u32 $0x80, s1;
	v7 =	vld [tilespmem:s0+$0x1000]  }
0x440: {  	v62 =	vld [tilespmem:s1+$0x2000]  }
0x441: {  	s4 =	sor.u32 s26, s3;
	[tilespmem:v9+s25+$0x0] =	vst.idx.add.f32.msk $0xffff, v8  }
0x442: {  	s1 =	sor.u32 s22, s3;
	v8 =	vld [tilespmem:s4+$0x0];
	[tilespmem:v9+s8+$0x0] =	vst.idx.msk $0xffff, v0  }
0x443: {  	s3 =	sor.u32 s18, s3;
	v63 =	vld [tilespmem:s1+$0x0];
	[tilespmem:v9+s12+$0x0] =	vst.idx.msk $0xffff, v0;
	v9 =	vmul.f32 v15, v10  }
0x444: {  	[tilespmem:v11+s8+$0x0] =	vst.idx.msk $0xffff, v0;
	v13 =	vld [tilespmem:s3+$0x0]  }
0x445: {  	p0 =	por !p0, !p0;
	s1 =	simm.s32 $0x1;
	v10 =	vmul.f32 v61, v3;
	[tilespmem:v14+s25+$0x0] =	vst.idx.add.f32.msk $0xffff, v9  }
0x446: {  	s9 =	simm.s32 $0x80;
	[tilespmem:v11+s12+$0x0] =	vst.idx.msk $0xffff, v0;
	s1 =	simm.s32 @!p0 $0x0;
	v9 =	vld [tilespmem:s24+$0x0]  }
0x447: {  	s11 =	simm.s32 $0x100;
	s7 =	simm.s32 $0x80;
	s1 =	sshll.u32 s1, $0x6;
	v12 =	vmul.f32 v62, v12;
	[tilespmem:v1+s23+$0x0] =	vst.idx.add.f32.msk $0xffff, v10  }
0x448: {  	s2 =	simm.s32 $0x4;
	s4 =	simm.s32 $0x1080;
	s1 =	sadd.s32 $0x80, s1;
	v10 =	vld [tilespmem:s0+$0x0];
	[tilespmem:v14+s8+$0x0] =	vst.idx.msk $0xffff, v0  }
0x449: {  	p0 =	por !p0, !p0;
	s28 =	sor.u32 $0x80, s1;
	s29 =	sadd.s32 $0x20, s1;
	v13 =	vmul.f32 v13, v6;
	[tilespmem:v2+s25+$0x0] =	vst.idx.add.f32.msk $0xffff, v12  }
0x44a: {  	s15 =	sadd.s32 $0x30, s1;
	s16 =	sadd.s32 $0x10, s1;
	v11 =	vld [tilespmem:s28+$0x2000];
	s17 =	sor.u32 $0x80, s29;
	v12 =	vmul.f32 v63, v5;
	[tilespmem:v14+s12+$0x0] =	vst.idx.msk $0xffff, v0  }
.LBB2_26:
0x44b: {  	s0 =	sand.u32 $0x40, s7;
	s1 =	sand.u32 $0x1F00, s11;
	s3 =	sand.u32 $0xF80, s7;
	v8 =	vmul.f32 v8, v7;
	[tilespmem:v4+s23+$0x0] =	vst.idx.add.f32.msk $0xffff, v13  }
0x44c: {  	v14 =	vld [tilespmem:s9+$0x0];
	s1 =	sor.u32 $0x2000, s1;
	s5 =	sor.u32 $0x10, s0;
	s13 =	sor.u32 $0x20, s0;
	[tilespmem:v2+s8+$0x0] =	vst.idx.msk $0xffff, v0;
	v15 =	vmov v9  }
0x44d: {  	s14 =	sor.u32 s3, s5;
	s5 =	sor.u32 s5, s1;
	s18 =	sor.u32 s3, s13;
	v13 =	vld [tilespmem:s17+$0x2000];
	[tilespmem:v2+s12+$0x0] =	vst.idx.msk $0xffff, v0  }
0x44e: {  	s17 =	sor.u32 s0, s1;
	s13 =	sor.u32 s13, s1;
	s0 =	sor.u32 $0x30, s0;
	v16 =	vld [tilespmem:s4+$0x0];
	v2 =	vmov v10  }
0x44f: {  	s2 =	sadd.s32 $0x4, s2;
	s15 =	sor.u32 $0x80, s15;
	s1 =	sor.u32 s0, s1;
	[tilespmem:v9+s23+$0x0] =	vst.idx.add.f32.msk $0xffff, v12  }
0x450: {  	p1 =	slt.u32 s2, $0xFC;
	v9 =	vld [tilespmem:s15+$0x2000]  }
0x451: {  	s0 =	sor.u32 s3, s0;
	[tilespmem:v10+s23+$0x0] =	vst.idx.add.f32.msk $0xffff, v8  }
0x452: {  	s3 =	sor.u32 $0x80, s16;
	v10 =	vld [tilespmem:s17+$0x0];
	v12 =	vmul.f32 v13, v6  }
0x453: {  	v13 =	vld [tilespmem:s3+$0x2000]  }
0x454: {  	v6 =	vld [tilespmem:s18+$0x1000]  }
0x455: {  	v17 =	vld [tilespmem:s18+$0x0];
	v9 =	vmul.f32 v9, v5  }
0x456: {  	v5 =	vld [tilespmem:s0+$0x1000]  }
0x457: {  	v11 =	vmul.f32 v11, v3;
	v3 =	vmov v16;
	v8 =	vld [tilespmem:s5+$0x0]  }
0x458: {  	v7 =	vmul.f32 v13, v7;
	[tilespmem:v4+s25+$0x0] =	vst.idx.add.f32.msk $0xffff, v12  }
0x459: {  	v12 =	vld [tilespmem:s1+$0x0];
	[tilespmem:v4+s8+$0x0] =	vst.idx.msk $0xffff, v0  }
0x45a: {  	v13 =	vld [tilespmem:s13+$0x0];
	[tilespmem:v4+s12+$0x0] =	vst.idx.msk $0xffff, v0;
	v4 =	vmov v17  }
0x45b: {  	[tilespmem:v2+s25+$0x0] =	vst.idx.add.f32.msk $0xffff, v7  }
0x45c: {  	[tilespmem:v1+s25+$0x0] =	vst.idx.add.f32.msk $0xffff, v11  }
0x45d: {  	v10 =	vmul.f32 v10, v3;
	s1 =	simm.s32 $0x1;
	[tilespmem:v15+s25+$0x0] =	vst.idx.add.f32.msk $0xffff, v9  }
.Ltmp12:
0x45e: {  	s1 =	simm.s32 @!p0 $0x0;
	v7 =	vld [tilespmem:s14+$0x1000];
	[tilespmem:v15+s8+$0x0] =	vst.idx.msk $0xffff, v0;
	(pc) =	sbr.rel @p1 .LBB2_26-.Ltmp12, $4  }
0x45f: {  	s4 =	sadd.s32 $0x40, s4;
	p0 =	por !p0, !p0;
	s1 =	sshll.u32 s1, $0x6;
	v12 =	vmul.f32 v12, v5;
	v13 =	vmul.f32 v13, v6;
	v9 =	vld [tilespmem:s0+$0x0];
	[tilespmem:v1+s8+$0x0] =	vst.idx.msk $0xffff, v0  }
0x460: {  	s7 =	sadd.s32 $0x40, s7;
	s9 =	sadd.s32 $0x40, s9;
	s0 =	sadd.s32 s1, s11;
	[tilespmem:v14+s23+$0x0] =	vst.idx.add.f32.msk $0xffff, v10  }
0x461: {  	s1 =	sor.u32 $0x80, s0;
	s3 =	sadd.s32 $0x20, s0;
	s15 =	sadd.s32 $0x30, s0;
	v10 =	vld [tilespmem:s14+$0x0];
	[tilespmem:v1+s12+$0x0] =	vst.idx.msk $0xffff, v0;
	v1 =	vmov v14  }
0x462: {  	s11 =	sadd.s32 $0x80, s11;
	s16 =	sadd.s32 $0x10, s0;
	s17 =	sor.u32 $0x80, s3;
	v11 =	vld [tilespmem:s1+$0x2000];
	[tilespmem:v15+s12+$0x0] =	vst.idx.msk $0xffff, v0  }
0x463: {  	_ =	sdelay $0x3  }
0x464: {  	[tilespmem:v4+s23+$0x0] =	vst.idx.add.f32.msk $0xffff, v13  }
0x465: {  	v13 =	vld [tilespmem:s17+$0x2000]  }
0x466: {  	v8 =	vmul.f32 v8, v7;
	s11 =	sor.u32 $0x80, s15;
	[tilespmem:v9+s23+$0x0] =	vst.idx.add.f32.msk $0xffff, v12  }
0x467: {  	[tilespmem:v2+s8+$0x0] =	vst.idx.msk $0xffff, v0;
	v12 =	vld [tilespmem:s11+$0x2000]  }
0x468: {  	s0 =	sor.u32 $0x80, s16;
	[tilespmem:v10+s23+$0x0] =	vst.idx.add.f32.msk $0xffff, v8;
	v3 =	vmul.f32 v11, v3  }
0x469: {  	[tilespmem:v2+s12+$0x0] =	vst.idx.msk $0xffff, v0;
	v8 =	vld [tilespmem:s0+$0x2000]  }
0x46a: {  	v6 =	vmul.f32 v13, v6;
	[tilespmem:v1+s25+$0x0] =	vst.idx.add.f32.msk $0xffff, v3  }
0x46b: {  	[tilespmem:v1+s8+$0x0] =	vst.idx.msk $0xffff, v0  }
0x46c: {  	[tilespmem:v4+s25+$0x0] =	vst.idx.add.f32.msk $0xffff, v6  }
0x46d: {  	[tilespmem:v1+s12+$0x0] =	vst.idx.msk $0xffff, v0  }
0x46e: {  	v2 =	vmul.f32 v8, v7;
	[tilespmem:v4+s8+$0x0] =	vst.idx.msk $0xffff, v0  }
0x46f: {  	[tilespmem:v4+s12+$0x0] =	vst.idx.msk $0xffff, v0;
	v4 =	vmul.f32 v12, v5  }
0x470: {  	[tilespmem:v10+s25+$0x0] =	vst.idx.add.f32.msk $0xffff, v2  }
0x471: {  	[tilespmem:v9+s25+$0x0] =	vst.idx.add.f32.msk $0xffff, v4  }
0x472: {  	[tilespmem:v10+s8+$0x0] =	vst.idx.msk $0xffff, v0  }
0x473: {  	[tilespmem:v9+s8+$0x0] =	vst.idx.msk $0xffff, v0  }
0x474: {  	[tilespmem:v10+s12+$0x0] =	vst.idx.msk $0xffff, v0  }
0x475: {  	[tilespmem:v9+s12+$0x0] =	vst.idx.msk $0xffff, v0  }
0x476: {  	s13 =	sld [smem:$0x7F4];
	_ =	sdelay $0x1  }
0x477: {  	s1 =	simm.s32 $0x80;
	s14 =	sld [smem:$0x7FC]  }
0x478: {  	[hbm4b:s13+s1] =	stream.strided.scatter [tilespmem:s23], [sflag:$0x5], $0x2000, s31, s1, $0x38;
	[tilespmem:$0x16000] =	vst v63  }
0x479: {  	s15 =	simm.s32 $0x2  }
0x47a: {  	[hbm4b:s14+s1] =	stream.strided.scatter [tilespmem:s25], [sflag:$0x5], $0x2000, s31, s1, $0x38;
	[tilespmem:$0x16000] =	vst v63  }
0x47b: {  	_ =	swait.ge [sflag:s15], $0x2000  }
0x47c: {  	[sflag:s15] =	ssyncset.done $0x0  }
0x47d: {  	s16 =	simm.s32 $0x3;
	[sflag:s15] =	ssyncadd.s32 $0xFFFFE000  }
0x47e: {  	_ =	swait.ge [sflag:s16], $0x2000  }
0x47f: {  	[sflag:s16] =	ssyncset.done $0x0  }
0x480: {  	[sflag:s16] =	ssyncadd.s32 $0xFFFFE000  }
0x481: {  	s2 =	simm.s32 $0x0;
	_ =	swait.ge [sflag:s16], $0x2000  }
0x482: {  	s4 =	simm.s32 $0x1000;
	s17 =	sand.u32 $0x40, s2;
	[sflag:s16] =	ssyncset.done $0x0  }
0x483: {  	s18 =	sand.u32 $0xF80, s2;
	s3 =	sor.u32 $0x30, s17;
	[sflag:s16] =	ssyncadd.s32 $0xFFFFE000  }
0x484: {  	s5 =	sand.u32 $0x1F00, s2;
	s7 =	sor.u32 s18, s3;
	v6 =	vld [tilespmem:s4+$0x0]  }
0x485: {  	s9 =	sor.u32 $0x4000, s5;
	v7 =	vld [tilespmem:s7+$0x1000]  }
0x486: {  	s20 =	sor.u32 s3, s9;
	v8 =	vld [tilespmem:s7+$0x0]  }
0x487: {  	v2 =	vld [tilespmem:s20+$0x0]  }
0x488: {  	s22 =	sor.u32 $0x10, s17;
	s11 =	sor.u32 s17, s9;
	v1 =	vld [tilespmem:s2+$0x0]  }
0x489: {  	s13 =	sor.u32 s18, s22;
	v9 =	vld [tilespmem:s11+$0x0]  }
0x48a: {  	s24 =	sor.u32 $0x20, s17;
	s14 =	sor.u32 s22, s9;
	v5 =	vld [tilespmem:s13+$0x1000]  }
0x48b: {  	s1 =	sor.u32 s18, s24;
	v10 =	vld [tilespmem:s14+$0x0]  }
0x48c: {  	v4 =	vld [tilespmem:s1+$0x1000];
	v3 =	vmul.f32 v2, v7  }
0x48d: {  	s5 =	sor.u32 $0x4080, s5;
	v2 =	vld [tilespmem:s13+$0x0]  }
0x48e: {  	s3 =	sor.u32 s3, s5;
	[tilespmem:v8+s8+$0x0] =	vst.idx.add.f32.msk $0xffff, v3  }
0x48f: {  	v11 =	vld [tilespmem:s3+$0x0]  }
0x490: {  	s26 =	sor.u32 s24, s9;
	v9 =	vmul.f32 v9, v6;
	v3 =	vld [tilespmem:s1+$0x0]  }
0x491: {  	v63 =	vld [tilespmem:s26+$0x0]  }
0x492: {  	s0 =	sor.u32 s17, s5;
	[tilespmem:v1+s8+$0x0] =	vst.idx.add.f32.msk $0xffff, v9  }
0x493: {  	v10 =	vmul.f32 v10, v5;
	v9 =	vld [tilespmem:s0+$0x0]  }
0x494: {  	v7 =	vmul.f32 v11, v7  }
0x495: {  	[tilespmem:v2+s8+$0x0] =	vst.idx.add.f32.msk $0xffff, v10  }
0x496: {  	s28 =	sor.u32 s22, s5;
	v10 =	vmul.f32 v63, v4;
	[tilespmem:v8+s12+$0x0] =	vst.idx.add.f32.msk $0xffff, v7  }
0x497: {  	v7 =	vld [tilespmem:s28+$0x0]  }
0x498: {  	s29 =	sor.u32 s24, s5;
	[tilespmem:v3+s8+$0x0] =	vst.idx.add.f32.msk $0xffff, v10;
	v8 =	vmul.f32 v9, v6  }
0x499: {  	s9 =	simm.s32 $0x40;
	s7 =	simm.s32 $0x0;
	s11 =	simm.s32 $0x40;
	v6 =	vld [tilespmem:s29+$0x0]  }
.LBB2_28:
0x49a: {  	s0 =	sand.u32 $0x40, s9;
	[tilespmem:v1+s12+$0x0] =	vst.idx.add.f32.msk $0xffff, v8;
	s2 =	sadd.s32 $0x80, s2;
	s4 =	sadd.s32 $0x40, s4  }
0x49b: {  	s1 =	sand.u32 $0xF80, s9;
	s7 =	sadd.s32 $0x4, s7;
	v8 =	vld [tilespmem:s4+$0x0];
	s3 =	sor.u32 $0x30, s0  }
0x49c: {  	s5 =	sand.u32 $0x1F00, s2;
	p0 =	slt.u32 s7, $0xFC;
	v1 =	vld [tilespmem:s11+$0x0];
	s13 =	sor.u32 s1, s3;
	v7 =	vmul.f32 v7, v5  }
0x49d: {  	s15 =	sor.u32 $0x10, s0;
	s16 =	sor.u32 $0x20, s0;
	s14 =	sor.u32 $0x4000, s5;
	v9 =	vld [tilespmem:s13+$0x1000]  }
0x49e: {  	s17 =	sor.u32 s1, s15;
	s1 =	sor.u32 s1, s16;
	v10 =	vld [tilespmem:s13+$0x0];
	s13 =	sor.u32 s3, s14;
	v6 =	vmul.f32 v6, v4  }
0x49f: {  	s18 =	sor.u32 s0, s14;
	s20 =	sor.u32 s15, s14;
	s14 =	sor.u32 s16, s14;
	v11 =	vld [tilespmem:s13+$0x0]  }
0x4a0: {  	v12 =	vld [tilespmem:s18+$0x0]  }
0x4a1: {  	v5 =	vld [tilespmem:s17+$0x1000]  }
0x4a2: {  	v13 =	vld [tilespmem:s20+$0x0]  }
0x4a3: {  	v4 =	vld [tilespmem:s1+$0x1000]  }
0x4a4: {  	v14 =	vld [tilespmem:s14+$0x0];
	v11 =	vmul.f32 v11, v9  }
0x4a5: {  	s5 =	sor.u32 $0x4080, s5;
	v12 =	vmul.f32 v12, v8;
	v15 =	vld [tilespmem:s17+$0x0]  }
0x4a6: {  	s0 =	sor.u32 s0, s5;
	s3 =	sor.u32 s3, s5;
	s13 =	sor.u32 s15, s5;
	[tilespmem:v10+s8+$0x0] =	vst.idx.add.f32.msk $0xffff, v11  }
0x4a7: {  	s5 =	sor.u32 s16, s5;
	v11 =	vmul.f32 v13, v5;
	v13 =	vld [tilespmem:s3+$0x0]  }
0x4a8: {  	v16 =	vld [tilespmem:s1+$0x0]  }
0x4a9: {  	[tilespmem:v1+s8+$0x0] =	vst.idx.add.f32.msk $0xffff, v12;
	v12 =	vmul.f32 v14, v4  }
0x4aa: {  	v14 =	vld [tilespmem:s0+$0x0]  }
0x4ab: {  	[tilespmem:v2+s12+$0x0] =	vst.idx.add.f32.msk $0xffff, v7;
	v2 =	vmov v15  }
0x4ac: {  	v7 =	vmul.f32 v13, v9;
	[tilespmem:v3+s12+$0x0] =	vst.idx.add.f32.msk $0xffff, v6  }
.Ltmp13:
0x4ad: {  	[tilespmem:v15+s8+$0x0] =	vst.idx.add.f32.msk $0xffff, v11;
	v3 =	vmov v16;
	(pc) =	sbr.rel @p0 .LBB2_28-.Ltmp13, $4  }
0x4ae: {  	[tilespmem:v10+s12+$0x0] =	vst.idx.add.f32.msk $0xffff, v7  }
0x4af: {  	v8 =	vmul.f32 v14, v8;
	v7 =	vld [tilespmem:s13+$0x0]  }
0x4b0: {  	[tilespmem:v16+s8+$0x0] =	vst.idx.add.f32.msk $0xffff, v12  }
0x4b1: {  	s9 =	sadd.s32 $0x40, s9;
	s11 =	sadd.s32 $0x40, s11;
	v6 =	vld [tilespmem:s5+$0x0]  }
0x4b2: {  	_ =	sdelay $0x2  }
0x4b3: {  	v5 =	vmul.f32 v7, v5  }
0x4b4: {  	[tilespmem:v1+s12+$0x0] =	vst.idx.add.f32.msk $0xffff, v8;
	v1 =	vmul.f32 v6, v4  }
0x4b5: {  	[tilespmem:v2+s12+$0x0] =	vst.idx.add.f32.msk $0xffff, v5  }
0x4b6: {  	[tilespmem:v3+s12+$0x0] =	vst.idx.add.f32.msk $0xffff, v1  }
0x4b7: {  	s0 =	sld [smem:$0x7F5];
	_ =	sdelay $0x1  }
0x4b8: {  	s1 =	simm.s32 $0x80;
	s22 =	sld [smem:$0x7FD]  }
0x4b9: {  	[hbm4b:s0+s1] =	stream.strided.scatter [tilespmem:s8], [sflag:$0x6], $0x2000, s31, s1, $0x38;
	[tilespmem:$0x16000] =	vst v63  }
0x4ba: {  	s24 =	simm.s32 $0x4  }
0x4bb: {  	[hbm4b:s22+s1] =	stream.strided.scatter [tilespmem:s12], [sflag:$0x6], $0x2000, s31, s1, $0x38;
	[tilespmem:$0x16000] =	vst v63  }
0x4bc: {  	_ =	swait.ge [sflag:s24], $0x2000  }
0x4bd: {  	[sflag:s24] =	ssyncset.done $0x0  }
0x4be: {  	[sflag:s24] =	ssyncadd.s32 $0xFFFFE000  }
0x4bf: {  	_ =	swait.ge [sflag:s24], $0x2000  }
0x4c0: {  	[sflag:s24] =	ssyncset.done $0x0  }
0x4c1: {  	s26 =	simm.s32 $0x5;
	[sflag:s24] =	ssyncadd.s32 $0xFFFFE000  }
0x4c2: {  	_ =	swait.ge [sflag:s26], $0x2000  }
0x4c3: {  	[sflag:s26] =	ssyncset.done $0x0  }
0x4c4: {  	[sflag:s26] =	ssyncadd.s32 $0xFFFFE000  }
0x4c5: {  	_ =	swait.ge [sflag:s26], $0x2000  }
0x4c6: {  	[sflag:s26] =	ssyncset.done $0x0  }
0x4c7: {  	s28 =	simm.s32 $0x6;
	[sflag:s26] =	ssyncadd.s32 $0xFFFFE000  }
0x4c8: {  	_ =	swait.ge [sflag:s28], $0x2000  }
0x4c9: {  	[sflag:s28] =	ssyncset.done $0x0  }
0x4ca: {  	[sflag:s28] =	ssyncadd.s32 $0xFFFFE000  }
0x4cb: {  	_ =	swait.ge [sflag:s28], $0x2000  }
0x4cc: {  	s2 =	sld [smem:$0x7F3]  }
0x4cd: {  	s29 =	sld [smem:$0x7F6];
	_ =	sdelay $0x1  }
0x4ce: {  	s2 =	sadd.s32 $0x1, s2  }
0x4cf: {  	p0 =	sne.s32 s2, s29  }
.Ltmp14:
0x4d0: {  	_ = 	snop;
	(pc) =	sbr.rel @p0 .LBB2_1-.Ltmp14, $3  }
0x4d1: {  	_ =	sdelay $0x1  }
0x4d2: {  	[sflag:s28] =	ssyncset.done $0x0  }
0x4d3: {  	[sflag:s28] =	ssyncadd.s32 $0xFFFFE000  }
0x4d4: {  	_ =	sfence.sel $0x180000  }
0x4d5: {  	[bflag:$0x0] =	sbarrier.arrive $0xFFFF  }
0x4d6: {  	_ =	strace $0x90000047  }
0x4d7: {  	s0 =	stileid.u32;
	[bflag:$0x2] =	sbarrier.arrive $0xFFFF  }
0x4d8: {  	p0 =	sne.s32 s0, $0x0;
	s0 =	rddreg [dreg:$0x4]  }
0x4d9: {  	s0 =	sadd.s32 @!p0 $0x100000, s0  }
0x4da: {  	[sflag:s0] =	ssyncadd.tile.s32 @!p0 $0x1;
	_ =	shalt  }
.Lfunc_end2:
_tile_overlayer_lowered:
.L_overlay_start_2:
0x4db: {  	(tag) =	ssettag $0x2  }
0x4dc: {  	s0 =	rddreg [dreg:$0x0];
	s2 =	stileid.u32  }
0x4dd: {  	s1 =	rddreg [dreg:$0x1];
	p0 =	sne.s32 s2, $0x0  }
0x4de: {  	s3 =	rddreg [dreg:$0x2];
	[bflag:$0x3] =	sbarrier.arrive $0xFFFF;
	s2 =	simm.s32 @!p0 $0x1C07  }
0x4df: {  	[timem:s3], [sflag:s2] =	dma.local @!p0 [hbm:s0], s1  }
0x4e0: {  	s0 =	simm.s32 @!p0 $0x7  }
0x4e1: {  	_ =	swait.ge @!p0 [sflag:s0], s1  }
0x4e2: {  	s1 =	ssub.s32 @!p0 $0x0, s1;
	[sflag:s0] =	ssyncset.done @!p0 $0x0  }
0x4e3: {  	[sflag:s0] =	ssyncadd.s32 @!p0 s1  }
0x4e4: {  	[bflag:$0x3] =	sbarrier.arrive $0xFFFF  }
0x4e5: {  	_ =	shalt  }

</sc_bundles>
